<compile_context>
chip_gen: v7x
topology: tpu7x:2x2x1
jax: 0.10.2.dev20260603
libtpu: 0.0.44.dev20260713+nightly
codegen_flags: <defaults>
</compile_context>

<pallas_src>
import functools

import jax
import jax.numpy as jnp
from jax import lax
from jax.experimental import pallas as pl
from jax.experimental.pallas import tpu as pltpu
from jax.experimental.pallas import tpu_sc as plsc

B = 8
N = 20000
NCLS = 80
MAX_NMS = 2048
MAX_DET = 300
CONF_THRES = 0.25
IOU_THRES = 0.45
BASE_BITS = 0x3E800000

BA = 2000
LANES = 16
KPAD = 384


def _score_kernel(pred_ref, score_ref, aux_ref):
    p = pred_ref[0]
    obj = p[:, 4]
    prod = p[:, 5:85] * obj[:, None]
    conf = jnp.max(prod, axis=1)
    iot = lax.broadcasted_iota(jnp.int32, (p.shape[0], NCLS), 1)
    j = jnp.min(jnp.where(prod == conf[:, None], iot, NCLS), axis=1)
    valid = (obj > CONF_THRES) & (conf > CONF_THRES)
    score = jnp.where(valid, conf, -1.0)
    score_ref[0, 0] = score
    x1 = p[:, 0] - p[:, 2] / 2.0
    y1 = p[:, 1] - p[:, 3] / 2.0
    x2 = p[:, 0] + p[:, 2] / 2.0
    y2 = p[:, 1] + p[:, 3] / 2.0
    zero = jnp.zeros_like(score)
    aux_ref[0] = jnp.stack(
        [x1, y1, x2, y2, j.astype(jnp.float32), score, zero, zero], axis=1)


def _phase1(prediction):
    scores3, aux = pl.pallas_call(
        _score_kernel,
        grid=(B, N // BA),
        in_specs=[pl.BlockSpec((1, BA, 85), lambda b, a: (b, a, 0))],
        out_specs=[
            pl.BlockSpec((1, 1, BA), lambda b, a: (b * (N // BA) + a, 0, 0)),
            pl.BlockSpec((1, BA, 8), lambda b, a: (b, a, 0)),
        ],
        out_shape=[
            jax.ShapeDtypeStruct((B * (N // BA), 1, BA), jnp.float32),
            jax.ShapeDtypeStruct((B, N, 8), jnp.float32),
        ],
    )(prediction)
    return scores3.reshape(B, N), aux


def _splat_i(v):
    return jnp.full((LANES,), v, jnp.int32)


def _splat_f(v):
    return jnp.full((LANES,), v, jnp.float32)


def _sload_f(ref, idx):
    return jnp.max(plsc.load_gather(ref, [_splat_i(idx)]))


def _sload_i(ref, idx):
    return jnp.max(plsc.load_gather(ref, [_splat_i(idx)]))


def _sstore(ref, idx, val, dtype):
    lanes = lax.iota(jnp.int32, LANES)
    plsc.store_scatter(ref, [_splat_i(idx)],
                       jnp.full((LANES,), val, dtype), mask=lanes == 0)


def _nms_body(score_hbm, aux_hbm, logits_hbm, det_hbm, log_hbm,
              S, H, CS, CX1, CY1, CX2, CY2, CCl, CI, GI, CR, KI, OD, OL, sem):
    nc = 2
    wid = lax.axis_index("s") * nc + lax.axis_index("c")

    @pl.when(wid < B)
    def _():
        b = wid
        lanes = lax.iota(jnp.int32, LANES)
        zf = jnp.zeros((LANES,), jnp.float32)
        zi = jnp.zeros((LANES,), jnp.int32)
        onesi = jnp.ones((LANES,), jnp.int32)
        negf = jnp.full((LANES,), -1.0, jnp.float32)

        pltpu.sync_copy(score_hbm.at[b], S)

        def _z16(i, _):
            OD[pl.ds(i * LANES, LANES)] = zf
            return 0
        lax.fori_loop(0, (KPAD * 16) // LANES, _z16, 0)

        def _zki(i, _):
            KI[pl.ds(i * LANES, LANES)] = zi
            return 0
        lax.fori_loop(0, KPAD // LANES, _zki, 0)

        def _cnt(i, acc):
            v = S[pl.ds(i * LANES, LANES)]
            return acc + jnp.where(v > 0.0, 1, 0)
        nvalid = jnp.sum(lax.fori_loop(0, N // LANES, _cnt, zi))

        def _radix_pass(shift, prefix, prefmask, need):
            def _zh(i, _):
                H[pl.ds(i * LANES, LANES)] = zi
                return 0
            lax.fori_loop(0, 256, _zh, 0)

            def _hist(i, _):
                v = S[pl.ds(i * LANES, LANES)]
                bits = plsc.bitcast(v, jnp.uint32) - BASE_BITS
                m = (v > 0.0) & ((bits & prefmask) == prefix)
                bk = ((bits >> shift) & 0xFF).astype(jnp.int32)
                plsc.addupdate_scatter(H, [bk * LANES + lanes], onesi, mask=m)
                return 0
            lax.fori_loop(0, N // LANES, _hist, 0)

            def _cond(st):
                bk, cum, found = st
                return (found == 0) & (bk >= 0)

            def _body(st):
                bk, cum, found = st
                s = jnp.sum(H[pl.ds(bk * LANES, LANES)])
                hit = (cum + s) >= need
                return (jnp.where(hit, bk, bk - 1),
                        jnp.where(hit, cum, cum + s),
                        jnp.where(hit, 1, 0))
            bk, cum, _f = lax.while_loop(_cond, _body, (255, 0, 0))
            bk = jnp.maximum(bk, 0)
            return bk.astype(jnp.uint32), need - cum

        def _select(_):
            b0, need0 = _radix_pass(jnp.uint32(16), jnp.uint32(0),
                                    jnp.uint32(0), MAX_NMS)
            b1, need1 = _radix_pass(jnp.uint32(8), b0 << 16,
                                    jnp.uint32(0x00FF0000), need0)
            b2, need2 = _radix_pass(jnp.uint32(0),
                                    (b0 << 16) | (b1 << 8),
                                    jnp.uint32(0x00FFFF00), need1)
            tau = jnp.uint32(BASE_BITS) + ((b0 << 16) | (b1 << 8) | b2)
            return tau, need2

        def _no_select(_):
            return jnp.uint32(0), 0

        tau, m_need = lax.cond(nvalid > MAX_NMS, _select, _no_select, 0)

        def _initc(i, _):
            CS[pl.ds(i * LANES, LANES)] = negf
            CI[pl.ds(i * LANES, LANES)] = zi
            return 0
        lax.fori_loop(0, (MAX_NMS + LANES) // LANES, _initc, 0)

        def _compact(i, st):
            n, ties = st
            v = S[pl.ds(i * LANES, LANES)]
            bits = plsc.bitcast(v, jnp.uint32)
            pos = v > 0.0
            eqm = pos & (bits == tau)
            eqi = jnp.where(eqm, 1, 0)
            pref_exc = plsc.cumsum(eqi) - eqi
            take = eqm & ((ties + pref_exc) < m_need)
            elig = (pos & (bits > tau)) | take
            plsc.store_compressed(CS.at[pl.ds(n, LANES)], v, mask=elig)
            plsc.store_compressed(CI.at[pl.ds(n, LANES)],
                                  lanes + i * LANES, mask=elig)
            return (n + jnp.sum(jnp.where(elig, 1, 0)), ties + jnp.sum(eqi))
        ncand, _t = lax.fori_loop(0, N // LANES, _compact, (0, 0))

        def _gi(i, _):
            GI[pl.ds(i * LANES, LANES)] = CI[pl.ds(i * LANES, LANES)] + b * N
            return 0
        lax.fori_loop(0, (MAX_NMS + LANES) // LANES, _gi, 0)

        descs = []
        for j in range(MAX_NMS // 128):
            descs.append(pltpu.async_copy(
                aux_hbm.at[GI.at[pl.ds(128 * j, 128)]],
                CR.at[pl.ds(128 * j, 128), :], sem))
        for d in descs:
            d.wait()

        def _tr(i, _):
            ridx = lanes + i * LANES
            CX1[pl.ds(i * LANES, LANES)] = plsc.load_gather(
                CR, [ridx, _splat_i(0)])
            CY1[pl.ds(i * LANES, LANES)] = plsc.load_gather(
                CR, [ridx, _splat_i(1)])
            CX2[pl.ds(i * LANES, LANES)] = plsc.load_gather(
                CR, [ridx, _splat_i(2)])
            CY2[pl.ds(i * LANES, LANES)] = plsc.load_gather(
                CR, [ridx, _splat_i(3)])
            CCl[pl.ds(i * LANES, LANES)] = plsc.load_gather(
                CR, [ridx, _splat_i(4)])
            return 0
        lax.fori_loop(0, MAX_NMS // LANES, _tr, 0)

        def _amax(i, st):
            m, ri = st
            v = CS[pl.ds(i * LANES, LANES)]
            upd = v > m
            return jnp.maximum(v, m), jnp.where(upd, i, ri)

        def _argmax(nv):
            m, ri = lax.fori_loop(0, nv, _amax,
                                  (jnp.full((LANES,), -2.0, jnp.float32), zi))
            best = jnp.max(m)
            gidx = jnp.where(m == best, ri * LANES + lanes, N)
            return jnp.min(gidx), best

        w0, best0 = _argmax(MAX_NMS // LANES)

        def _gcond(st):
            k, w, best, nv = st
            return (k < MAX_DET) & (best > 0.0)

        def _gbody(st):
            k, w, best, nv = st

            do_c = (k == 16) | (k == 48) | (k == 96) | (k == 160)

            def _do_compact(args):
                w_in, best_in, nv_in = args

                def _cp(i, n):
                    v = CS[pl.ds(i * LANES, LANES)]
                    m = v > 0.0
                    sl = pl.ds(n, LANES)
                    plsc.store_compressed(CS.at[sl], v, mask=m)
                    plsc.store_compressed(
                        CX1.at[sl], CX1[pl.ds(i * LANES, LANES)], mask=m)
                    plsc.store_compressed(
                        CY1.at[sl], CY1[pl.ds(i * LANES, LANES)], mask=m)
                    plsc.store_compressed(
                        CX2.at[sl], CX2[pl.ds(i * LANES, LANES)], mask=m)
                    plsc.store_compressed(
                        CY2.at[sl], CY2[pl.ds(i * LANES, LANES)], mask=m)
                    plsc.store_compressed(
                        CCl.at[sl], CCl[pl.ds(i * LANES, LANES)], mask=m)
                    plsc.store_compressed(
                        CI.at[sl], CI[pl.ds(i * LANES, LANES)], mask=m)
                    return n + jnp.sum(jnp.where(m, 1, 0))
                n2 = lax.fori_loop(0, nv_in, _cp, 0)
                nv2 = (n2 + LANES - 1) // LANES

                @pl.when(n2 > 0)
                def _():
                    tail = pl.ds((nv2 - 1) * LANES, LANES)
                    tv = CS[tail]
                    CS[tail] = jnp.where(
                        (nv2 - 1) * LANES + lanes >= n2, -1.0, tv)
                w2, best2 = _argmax(nv2)
                return w2, best2, nv2

            w, best, nv = lax.cond(do_c, _do_compact,
                                   lambda a: a, (w, best, nv))

            wx1 = _sload_f(CX1, w)
            wy1 = _sload_f(CY1, w)
            wx2 = _sload_f(CX2, w)
            wy2 = _sload_f(CY2, w)
            wcl = _sload_f(CCl, w)
            wid_a = _sload_i(CI, w)
            warea = (wx2 - wx1) * (wy2 - wy1)

            base16 = k * 16
            _sstore(OD, base16 + 0, wx1, jnp.float32)
            _sstore(OD, base16 + 1, wy1, jnp.float32)
            _sstore(OD, base16 + 2, wx2, jnp.float32)
            _sstore(OD, base16 + 3, wy2, jnp.float32)
            _sstore(OD, base16 + 4, best, jnp.float32)
            _sstore(OD, base16 + 5, wcl, jnp.float32)
            _sstore(KI, k, wid_a + b * N, jnp.int32)

            vwx1 = _splat_f(0.0) + wx1
            vwy1 = _splat_f(0.0) + wy1
            vwx2 = _splat_f(0.0) + wx2
            vwy2 = _splat_f(0.0) + wy2
            varea = _splat_f(0.0) + warea

            def _sup(i, st2):
                m, ri = st2
                sl = pl.ds(i * LANES, LANES)
                s = CS[sl]
                x1 = CX1[sl]
                y1 = CY1[sl]
                x2 = CX2[sl]
                y2 = CY2[sl]
                ltx = jnp.maximum(vwx1, x1)
                lty = jnp.maximum(vwy1, y1)
                rbx = jnp.minimum(vwx2, x2)
                rby = jnp.minimum(vwy2, y2)
                iw = jnp.maximum(rbx - ltx, 0.0)
                ih = jnp.maximum(rby - lty, 0.0)
                inter = iw * ih
                area = (x2 - x1) * (y2 - y1)
                denom = ((varea + area) - inter) + 1e-9
                iou = inter / denom
                s2 = jnp.where(iou > IOU_THRES, -1.0, s)
                CS[sl] = s2
                upd = s2 > m
                return jnp.maximum(s2, m), jnp.where(upd, i, ri)

            m, ri = lax.fori_loop(
                0, nv, _sup, (jnp.full((LANES,), -2.0, jnp.float32), zi))
            nbest = jnp.max(m)
            gidx = jnp.where(m == nbest, ri * LANES + lanes, N)
            nw = jnp.min(gidx)
            return k + 1, nw, nbest, nv

        kfin, _w, _b, _nv = lax.while_loop(
            _gcond, _gbody, (0, w0, best0, MAX_NMS // LANES))

        ldescs = []
        for j in range(KPAD // 128):
            ldescs.append(pltpu.async_copy(
                logits_hbm.at[KI.at[pl.ds(128 * j, 128)]],
                OL.at[pl.ds(128 * j, 128), :], sem))
        for d in ldescs:
            d.wait()

        def _zrow(i, _):
            for c in range(NCLS // LANES):
                OL[i, pl.ds(c * LANES, LANES)] = zf
            return 0
        lax.fori_loop(kfin, KPAD, _zrow, 0)

        pltpu.sync_copy(OD, det_hbm.at[b])
        pltpu.sync_copy(OL, log_hbm.at[b])


def _phase2(scores, auxr, logits2d):
    mesh = plsc.VectorSubcoreMesh(core_axis_name="c", subcore_axis_name="s",
                                  num_cores=2, num_subcores=16)
    cp = pltpu.CompilerParams(needs_layout_passes=False,
                              use_tc_tiling_on_sc=False)
    f = pl.kernel(
        _nms_body,
        out_type=(
            jax.ShapeDtypeStruct((B, KPAD * 16), jnp.float32),
            jax.ShapeDtypeStruct((B, KPAD, NCLS), jnp.float32),
        ),
        mesh=mesh,
        compiler_params=cp,
        scratch_types=[
            pltpu.VMEM((N,), jnp.float32),
            pltpu.VMEM((256 * LANES,), jnp.int32),
            pltpu.VMEM((MAX_NMS + LANES,), jnp.float32),
            pltpu.VMEM((MAX_NMS + LANES,), jnp.float32),
            pltpu.VMEM((MAX_NMS + LANES,), jnp.float32),
            pltpu.VMEM((MAX_NMS + LANES,), jnp.float32),
            pltpu.VMEM((MAX_NMS + LANES,), jnp.float32),
            pltpu.VMEM((MAX_NMS + LANES,), jnp.float32),
            pltpu.VMEM((MAX_NMS + LANES,), jnp.int32),
            pltpu.VMEM((MAX_NMS + LANES,), jnp.int32),
            pltpu.VMEM((MAX_NMS, 8), jnp.float32),
            pltpu.VMEM((KPAD,), jnp.int32),
            pltpu.VMEM((KPAD * 16,), jnp.float32),
            pltpu.VMEM((KPAD, NCLS), jnp.float32),
            pltpu.SemaphoreType.DMA,
        ],
    )
    return f(scores, auxr, logits2d)


def kernel(prediction, logits):
    scores, aux = _phase1(prediction)
    auxr = aux.reshape(B * N, 8)
    logits2d = logits.reshape(B * N, NCLS)
    det, logp = _phase2(scores, auxr, logits2d)
    det = det.reshape(B, KPAD, 16)
    return jnp.concatenate(
        [det[:, :MAX_DET, :6], logp[:, :MAX_DET, :]], axis=-1)

# --- scband reference (transcript-rebuilt; emitter-appended) ---
"""Pipeline reference for scband-yolov5-torch-object-detector-16612933501393 (READ-ONLY COPY).

The authoritative reference and input builder live on the scoring server;
editing this copy changes nothing except your own understanding.
"""

import jax, jax.numpy as jnp
import numpy as np

CONF_THRES = 0.25
IOU_THRES = 0.45
MAX_DET = 300
MAX_NMS = 2048


def setup_inputs(seed: int = 0) -> dict:
    key = jax.random.key(seed)
    k1, k2 = jax.random.split(key)
    prediction = jax.random.uniform(k1, (8, 20000, 85), dtype=jnp.float32)
    logits = jax.random.normal(k2, (8, 20000, 80), dtype=jnp.float32)
    return {"prediction": prediction, "logits": logits}


def xywh2xyxy(x):
    xy = x[..., :2]
    wh = x[..., 2:4]
    return jnp.concatenate([xy - wh / 2.0, xy + wh / 2.0], axis=-1)


def _nms_single(pred, log_):
    # pred: [N, 85], log_: [N, 80]
    obj = pred[:, 4]
    cls_conf = pred[:, 5:] * obj[:, None]          # x[:,5:] *= x[:,4:5]
    conf = jnp.max(cls_conf, axis=-1)
    j = jnp.argmax(cls_conf, axis=-1)
    valid = (obj > CONF_THRES) & (conf > CONF_THRES)  # candidate + conf masks
    scores = jnp.where(valid, conf, -1.0)

    # cap to MAX_NMS highest-scoring candidates (descending sort by score)
    top_scores, order = jax.lax.top_k(scores, MAX_NMS)
    boxes_all = xywh2xyxy(pred[:, :4])
    boxes = boxes_all[order]
    valid_s = top_scores > 0.0

    # pairwise IoU (agnostic NMS: no class offset)
    area = (boxes[:, 2] - boxes[:, 0]) * (boxes[:, 3] - boxes[:, 1])
    lt = jnp.maximum(boxes[:, None, :2], boxes[None, :, :2])
    rb = jnp.minimum(boxes[:, None, 2:], boxes[None, :, 2:])
    wh = jnp.clip(rb - lt, 0.0)
    inter = wh[..., 0] * wh[..., 1]
    iou = inter / (area[:, None] + area[None, :] - inter + 1e-9)
    iou_sg = jax.lax.stop_gradient(iou)

    idx = jnp.arange(MAX_NMS)

    def body(i, keep):
        sup = (iou_sg[i] > IOU_THRES) & keep[i] & (idx > i)
        return keep & (~sup)

    keep = jax.lax.fori_loop(0, MAX_NMS, body, valid_s)

    keep_scores = jnp.where(keep, top_scores, -1.0)
    sel_scores, sel = jax.lax.top_k(keep_scores, MAX_DET)
    ok = (sel_scores > 0.0).astype(pred.dtype)[:, None]

    out_boxes = boxes[sel]
    out_conf = top_scores[sel][:, None]
    out_cls = j[order][sel].astype(pred.dtype)[:, None]
    out_log = log_[order][sel]

    det = jnp.concatenate([out_boxes, out_conf, out_cls], axis=-1) * ok
    return jnp.concatenate([det, out_log * ok], axis=-1)  # [MAX_DET, 86]


def reference(prediction, logits):
    # returns [B, MAX_DET, 86]: (x1,y1,x2,y2,conf,cls) ++ pruned class logits,
    # zero-padded rows where fewer than MAX_DET detections survive NMS
    return jax.vmap(_nms_single)(prediction, logits)

if __name__ == "__main__":
    import jax
    _d = setup_inputs()
    print(jax.jit(kernel)(*tuple(_d.values())))

</pallas_src>

<mosaic_0001>
#map = affine_map<(d0, d1) -> (0, 0)>
#map1 = affine_map<(d0, d1) -> (0, 0, 0)>
module attributes {stable_mosaic.version = 14 : i64} {
  func.func @_nms_body(%arg0: i32, %arg1: i32, %arg2: memref<8x20000xf32, #tpu.memory_space<hbm>>, %arg3: memref<160000x8xf32, #tpu.memory_space<hbm>>, %arg4: memref<160000x80xf32, #tpu.memory_space<hbm>>, %arg5: memref<8x6144xf32, #tpu.memory_space<hbm>>, %arg6: memref<8x384x80xf32, #tpu.memory_space<hbm>>, %arg7: memref<20000xf32, #tpu.memory_space<vmem>>, %arg8: memref<4096xi32, #tpu.memory_space<vmem>>, %arg9: memref<2064xf32, #tpu.memory_space<vmem>>, %arg10: memref<2064xf32, #tpu.memory_space<vmem>>, %arg11: memref<2064xf32, #tpu.memory_space<vmem>>, %arg12: memref<2064xf32, #tpu.memory_space<vmem>>, %arg13: memref<2064xf32, #tpu.memory_space<vmem>>, %arg14: memref<2064xf32, #tpu.memory_space<vmem>>, %arg15: memref<2064xi32, #tpu.memory_space<vmem>>, %arg16: memref<2064xi32, #tpu.memory_space<vmem>>, %arg17: memref<2048x8xf32, #tpu.memory_space<vmem>>, %arg18: memref<384xi32, #tpu.memory_space<vmem>>, %arg19: memref<6144xf32, #tpu.memory_space<vmem>>, %arg20: memref<384x80xf32, #tpu.memory_space<vmem>>, %arg21: memref<!tpu.dma_semaphore, #tpu.memory_space<semaphore_mem>>) attributes {dimension_semantics = [#tpu.dimension_semantics<core_parallel>, #tpu.dimension_semantics<subcore_parallel>], iteration_bounds = array<i64: 2, 16>, scalar_prefetch = 0 : i64, scratch_operands = 15 : i64, tpu.core_type = #tpu.core_type<sc_vector_subcore>, window_params = [{transform_indices = #map}, {transform_indices = #map}, {transform_indices = #map}, {transform_indices = #map}, {transform_indices = #map1}]} {
    %mul3A = arith.constant 2 : i32
    %mul3A_0 = arith.muli %arg1, %mul3A : i32
    %add3A = arith.addi %mul3A_0, %arg0 : i32
    %lt3A = arith.constant 8 : i32
    %lt3A_1 = arith.cmpi slt, %add3A, %lt3A : i32
    %convert_element_type3A = arith.extui %lt3A_1 : i1 to i32
    %cond3A = arith.constant 0 : i32
    %cond3A_2 = arith.cmpi ne, %convert_element_type3A, %cond3A : i32
    scf.if %cond3A_2 {
      %iota3A = tpu.iota {dimensions = array<i32: 0>} : vector<16xi32>
      %broadcast_in_dim3A = arith.constant 0.000000e+00 : f32
      %broadcast_in_dim3A_3 = vector.broadcast %broadcast_in_dim3A : f32 to vector<16xf32>
      %broadcast_in_dim3A_4 = arith.constant 0 : i32
      %broadcast_in_dim3A_5 = vector.broadcast %broadcast_in_dim3A_4 : i32 to vector<16xi32>
      %broadcast_in_dim3A_6 = arith.constant 1 : i32
      %broadcast_in_dim3A_7 = vector.broadcast %broadcast_in_dim3A_6 : i32 to vector<16xi32>
      %broadcast_in_dim3A_8 = arith.constant -1.000000e+00 : f32
      %broadcast_in_dim3A_9 = vector.broadcast %broadcast_in_dim3A_8 : f32 to vector<16xf32>
      "tpu.region"() ({
        %run_scoped3A = tpu.sem_alloc : memref<!tpu.dma_semaphore, #tpu.memory_space<semaphore_mem>>
        %dma_start3A_407 = arith.constant 0 : i32
        %dma_start3A_408 = tpu.memref_slice %arg2[%add3A, %dma_start3A_407] : memref<8x20000xf32, #tpu.memory_space<hbm>> -> memref<1x20000xf32, #tpu.memory_space<hbm>>
        %dma_start3A_409 = tpu.memref_squeeze %dma_start3A_408 : memref<1x20000xf32, #tpu.memory_space<hbm>> -> memref<20000xf32, #tpu.memory_space<hbm>>
        %dma_start3A_410 = arith.constant 0 : i32
        %dma_start3A_411 = tpu.memref_slice %arg2[%add3A, %dma_start3A_410] : memref<8x20000xf32, #tpu.memory_space<hbm>> -> memref<1x20000xf32, #tpu.memory_space<hbm>>
        %dma_start3A_412 = tpu.memref_squeeze %dma_start3A_411 : memref<1x20000xf32, #tpu.memory_space<hbm>> -> memref<20000xf32, #tpu.memory_space<hbm>>
        tpu.enqueue_dma source(%dma_start3A_412 : memref<20000xf32, #tpu.memory_space<hbm>>) target(%arg7 : memref<20000xf32, #tpu.memory_space<vmem>>) target_semaphore(%run_scoped3A : memref<!tpu.dma_semaphore, #tpu.memory_space<semaphore_mem>>)
        %dma_wait3A_413 = arith.constant 0 : i32
        %dma_wait3A_414 = tpu.memref_slice %arg2[%add3A, %dma_wait3A_413] : memref<8x20000xf32, #tpu.memory_space<hbm>> -> memref<1x20000xf32, #tpu.memory_space<hbm>>
        %dma_wait3A_415 = tpu.memref_squeeze %dma_wait3A_414 : memref<1x20000xf32, #tpu.memory_space<hbm>> -> memref<20000xf32, #tpu.memory_space<hbm>>
        %dma_wait3A_416 = arith.constant 0 : i32
        %dma_wait3A_417 = tpu.memref_slice %arg2[%add3A, %dma_wait3A_416] : memref<8x20000xf32, #tpu.memory_space<hbm>> -> memref<1x20000xf32, #tpu.memory_space<hbm>>
        %dma_wait3A_418 = tpu.memref_squeeze %dma_wait3A_417 : memref<1x20000xf32, #tpu.memory_space<hbm>> -> memref<20000xf32, #tpu.memory_space<hbm>>
        tpu.wait_dma2 semaphore(%run_scoped3A : memref<!tpu.dma_semaphore, #tpu.memory_space<semaphore_mem>>) src(%dma_wait3A_418 : memref<20000xf32, #tpu.memory_space<hbm>>) dst(%arg7 : memref<20000xf32, #tpu.memory_space<vmem>>)
        tpu.yield
      }) : () -> ()
      %scan3A = arith.constant 0 : i32
      %scan3A_10 = arith.constant 0 : i32
      %scan3A_11 = arith.constant 384 : i32
      %scan3A_12 = arith.addi %scan3A_10, %scan3A_11 : i32
      %scan3A_13 = arith.constant 1 : i32
      %scan3A_14 = scf.for %scan3A_407 = %scan3A_10 to %scan3A_12 step %scan3A_13 iter_args(%scan3A_408 = %scan3A) -> (i32)  : i32 {
        %mul3A_409 = arith.constant 16 : i32
        %mul3A_410 = arith.muli %scan3A_407, %mul3A_409 : i32
        %swap3A = arith.index_cast %mul3A_410 : i32 to index
        %swap3A_411 = tpu.vector_load %arg19[%swap3A] {strides = array<i32>} : memref<6144xf32, #tpu.memory_space<vmem>>, vector<16xf32>,
        tpu.vector_store %arg19[%swap3A], %broadcast_in_dim3A_3 {strides = array<i32>} : memref<6144xf32, #tpu.memory_space<vmem>>, vector<16xf32>,
        %scan3A_412 = arith.constant 0 : i32
        scf.yield %scan3A_412 : i32
      }
      %scan3A_15 = arith.constant 384 : i32
      %scan3A_16 = arith.constant 0 : i32
      %scan3A_17 = arith.constant 0 : i32
      %scan3A_18 = arith.constant 24 : i32
      %scan3A_19 = arith.addi %scan3A_17, %scan3A_18 : i32
      %scan3A_20 = arith.constant 1 : i32
      %scan3A_21 = scf.for %scan3A_407 = %scan3A_17 to %scan3A_19 step %scan3A_20 iter_args(%scan3A_408 = %scan3A_16) -> (i32)  : i32 {
        %mul3A_409 = arith.constant 16 : i32
        %mul3A_410 = arith.muli %scan3A_407, %mul3A_409 : i32
        %swap3A = arith.index_cast %mul3A_410 : i32 to index
        %swap3A_411 = tpu.vector_load %arg18[%swap3A] {strides = array<i32>} : memref<384xi32, #tpu.memory_space<vmem>>, vector<16xi32>,
        tpu.vector_store %arg18[%swap3A], %broadcast_in_dim3A_5 {strides = array<i32>} : memref<384xi32, #tpu.memory_space<vmem>>, vector<16xi32>,
        %scan3A_412 = arith.constant 0 : i32
        scf.yield %scan3A_412 : i32
      }
      %scan3A_22 = arith.constant 24 : i32
      %scan3A_23 = arith.constant 0 : i32
      %scan3A_24 = arith.constant 1250 : i32
      %scan3A_25 = arith.addi %scan3A_23, %scan3A_24 : i32
      %scan3A_26 = arith.constant 1 : i32
      %scan3A_27 = scf.for %scan3A_407 = %scan3A_23 to %scan3A_25 step %scan3A_26 iter_args(%scan3A_408 = %broadcast_in_dim3A_5) -> (vector<16xi32>)  : i32 {
        %mul3A_409 = arith.constant 16 : i32
        %mul3A_410 = arith.muli %scan3A_407, %mul3A_409 : i32
        %get3A = arith.index_cast %mul3A_410 : i32 to index
        %get3A_411 = tpu.vector_load %arg7[%get3A] {strides = array<i32>} : memref<20000xf32, #tpu.memory_space<vmem>>, vector<16xf32>,
        %gt3A_412 = arith.constant 0.000000e+00 : f32
        %gt3A_413 = vector.broadcast %gt3A_412 : f32 to vector<16xf32>
        %gt3A_414 = arith.cmpf ogt, %get3A_411, %gt3A_413 : vector<16xf32>
        %jit3A_415 = arith.constant 1 : i32
        %jit3A_416 = arith.constant 0 : i32
        %broadcast_in_dim3A_417 = vector.broadcast %jit3A_415 : i32 to vector<16xi32>
        %broadcast_in_dim3A_418 = vector.broadcast %jit3A_416 : i32 to vector<16xi32>
        %select_n3A_419 = arith.select %gt3A_414, %broadcast_in_dim3A_417, %broadcast_in_dim3A_418 : vector<16xi1>, vector<16xi32>
        %add3A_420 = arith.addi %scan3A_408, %select_n3A_419 : vector<16xi32>
        scf.yield %add3A_420 : vector<16xi32>
      }
      %scan3A_28 = arith.constant 1250 : i32
      %reduce_sum3A = arith.constant true
      %reduce_sum3A_29 = vector.broadcast %reduce_sum3A : i1 to vector<16xi1>
      %reduce_sum3A_30 = tpu.scan <sum>, %scan3A_27 masked %reduce_sum3A_29 : vector<16xi32>, vector<16xi1> -> vector<16xi32>
      %reduce_sum3A_31 = vector.extract %reduce_sum3A_30[15] : i32 from vector<16xi32>
      %gt3A = arith.constant 2048 : i32
      %gt3A_32 = arith.cmpi sgt, %reduce_sum3A_31, %gt3A : i32
      %convert_element_type3A_33 = arith.extui %gt3A_32 : i1 to i32
      %cond3A_34 = arith.constant 0 : i32
      %cond3A_35 = arith.constant 0 : i32
      %cond3A_36 = arith.cmpi ne, %convert_element_type3A_33, %cond3A_35 : i32
      %cond3A_37:2 = scf.if %cond3A_36 -> (i32, i32) {
        %scan3A_407 = arith.constant 0 : i32
        %scan3A_408 = arith.constant 0 : i32
        %scan3A_409 = arith.constant 256 : i32
        %scan3A_410 = arith.addi %scan3A_408, %scan3A_409 : i32
        %scan3A_411 = arith.constant 1 : i32
        %scan3A_412 = scf.for %scan3A_489 = %scan3A_408 to %scan3A_410 step %scan3A_411 iter_args(%scan3A_490 = %scan3A_407) -> (i32)  : i32 {
          %mul3A_491 = arith.constant 16 : i32
          %mul3A_492 = arith.muli %scan3A_489, %mul3A_491 : i32
          %swap3A = arith.index_cast %mul3A_492 : i32 to index
          %swap3A_493 = tpu.vector_load %arg8[%swap3A] {strides = array<i32>} : memref<4096xi32, #tpu.memory_space<vmem>>, vector<16xi32>,
          tpu.vector_store %arg8[%swap3A], %broadcast_in_dim3A_5 {strides = array<i32>} : memref<4096xi32, #tpu.memory_space<vmem>>, vector<16xi32>,
          %scan3A_494 = arith.constant 0 : i32
          scf.yield %scan3A_494 : i32
        }
        %scan3A_413 = arith.constant 256 : i32
        %scan3A_414 = arith.constant 0 : i32
        %scan3A_415 = arith.constant 0 : i32
        %scan3A_416 = arith.constant 16 : i32
        %scan3A_417 = arith.constant 0 : i32
        %scan3A_418 = arith.constant 0 : i32
        %scan3A_419 = arith.constant 1250 : i32
        %scan3A_420 = arith.addi %scan3A_418, %scan3A_419 : i32
        %scan3A_421 = arith.constant 1 : i32
        %scan3A_422 = scf.for %scan3A_489 = %scan3A_418 to %scan3A_420 step %scan3A_421 iter_args(%scan3A_490 = %scan3A_417) -> (i32)  : i32 {
          %mul3A_491 = arith.constant 16 : i32
          %mul3A_492 = arith.muli %scan3A_489, %mul3A_491 : i32
          %get3A = arith.index_cast %mul3A_492 : i32 to index
          %get3A_493 = tpu.vector_load %arg7[%get3A] {strides = array<i32>} : memref<20000xf32, #tpu.memory_space<vmem>>, vector<16xf32>,
          %bitcast3A = vector.bitcast %get3A_493 : vector<16xf32> to vector<16xi32>
          %sub3A_494 = arith.constant 1048576000 : i32
          %sub3A_495 = vector.broadcast %sub3A_494 : i32 to vector<16xi32>
          %sub3A_496 = arith.subi %bitcast3A, %sub3A_495 : vector<16xi32>
          %gt3A_497 = arith.constant 0.000000e+00 : f32
          %gt3A_498 = vector.broadcast %gt3A_497 : f32 to vector<16xf32>
          %gt3A_499 = arith.cmpf ogt, %get3A_493, %gt3A_498 : vector<16xf32>
          %and3A = vector.broadcast %scan3A_414 : i32 to vector<16xi32>
          %and3A_500 = arith.andi %sub3A_496, %and3A : vector<16xi32>
          %eq3A_501 = vector.broadcast %scan3A_415 : i32 to vector<16xi32>
          %eq3A_502 = arith.cmpi eq, %and3A_500, %eq3A_501 : vector<16xi32>
          %and3A_503 = arith.andi %gt3A_499, %eq3A_502 : vector<16xi1>
          %shift_right_logical3A = vector.broadcast %scan3A_416 : i32 to vector<16xi32>
          %shift_right_logical3A_504 = arith.shrui %sub3A_496, %shift_right_logical3A : vector<16xi32>
          %and3A_505 = arith.constant 255 : i32
          %and3A_506 = vector.broadcast %and3A_505 : i32 to vector<16xi32>
          %and3A_507 = arith.andi %shift_right_logical3A_504, %and3A_506 : vector<16xi32>
          %mul3A_508 = arith.constant 16 : i32
          %mul3A_509 = vector.broadcast %mul3A_508 : i32 to vector<16xi32>
          %mul3A_510 = arith.muli %and3A_507, %mul3A_509 : vector<16xi32>
          %add3A_511 = arith.addi %mul3A_510, %iota3A : vector<16xi32>
          tpu.vector_store_idx %arg8[%add3A_511], %broadcast_in_dim3A_7 masked %and3A_503 {add = true} : memref<4096xi32, #tpu.memory_space<vmem>>[vector<16xi32>], vector<16xi32>, vector<16xi1>
          %scan3A_512 = arith.constant 0 : i32
          scf.yield %scan3A_512 : i32
        }
        %scan3A_423 = arith.constant 1250 : i32
        %while3A_424 = arith.constant 255 : i32
        %while3A_425 = arith.constant 0 : i32
        %while3A_426 = arith.constant 0 : i32
        %while3A_427:3 = scf.while (%while3A_489 = %while3A_424, %while3A_490 = %while3A_425, %while3A_491 = %while3A_426) : (i32, i32, i32) -> (i32, i32, i32) {
          %eq3A_492 = arith.constant 0 : i32
          %eq3A_493 = arith.cmpi eq, %while3A_491, %eq3A_492 : i32
          %ge3A = arith.constant 0 : i32
          %ge3A_494 = arith.cmpi sge, %while3A_489, %ge3A : i32
          %and3A = arith.andi %eq3A_493, %ge3A_494 : i1
          scf.condition(%and3A) %while3A_489, %while3A_490, %while3A_491 : i32, i32, i32
        } do {
        ^bb0(%while3A_489: i32, %while3A_490: i32, %while3A_491: i32):
          %mul3A_492 = arith.constant 16 : i32
          %mul3A_493 = arith.muli %while3A_489, %mul3A_492 : i32
          %get3A = arith.index_cast %mul3A_493 : i32 to index
          %get3A_494 = tpu.vector_load %arg8[%get3A] {strides = array<i32>} : memref<4096xi32, #tpu.memory_space<vmem>>, vector<16xi32>,
          %reduce_sum3A_495 = arith.constant true
          %reduce_sum3A_496 = vector.broadcast %reduce_sum3A_495 : i1 to vector<16xi1>
          %reduce_sum3A_497 = tpu.scan <sum>, %get3A_494 masked %reduce_sum3A_496 : vector<16xi32>, vector<16xi1> -> vector<16xi32>
          %reduce_sum3A_498 = vector.extract %reduce_sum3A_497[15] : i32 from vector<16xi32>
          %add3A_499 = arith.addi %while3A_490, %reduce_sum3A_498 : i32
          %ge3A = arith.constant 2048 : i32
          %ge3A_500 = arith.cmpi sge, %add3A_499, %ge3A : i32
          %sub3A_501 = arith.constant 1 : i32
          %sub3A_502 = arith.subi %while3A_489, %sub3A_501 : i32
          %select_n3A_503 = arith.select %ge3A_500, %while3A_489, %sub3A_502 : i32
          %add3A_504 = arith.addi %while3A_490, %reduce_sum3A_498 : i32
          %select_n3A_505 = arith.select %ge3A_500, %while3A_490, %add3A_504 : i32
          %jit3A_506 = arith.constant 1 : i32
          %jit3A_507 = arith.constant 0 : i32
          %select_n3A_508 = arith.select %ge3A_500, %jit3A_506, %jit3A_507 : i32
          scf.yield %select_n3A_503, %select_n3A_505, %select_n3A_508 : i32, i32, i32
        }
        %max3A = arith.constant 0 : i32
        %max3A_428 = arith.maxsi %while3A_427#0, %max3A : i32
        %sub3A = arith.constant 2048 : i32
        %sub3A_429 = arith.subi %sub3A, %while3A_427#1 : i32
        %shift_left3A = arith.constant 16 : i32
        %shift_left3A_430 = arith.shli %max3A_428, %shift_left3A : i32
        %scan3A_431 = arith.constant 0 : i32
        %scan3A_432 = arith.constant 0 : i32
        %scan3A_433 = arith.constant 256 : i32
        %scan3A_434 = arith.addi %scan3A_432, %scan3A_433 : i32
        %scan3A_435 = arith.constant 1 : i32
        %scan3A_436 = scf.for %scan3A_489 = %scan3A_432 to %scan3A_434 step %scan3A_435 iter_args(%scan3A_490 = %scan3A_431) -> (i32)  : i32 {
          %mul3A_491 = arith.constant 16 : i32
          %mul3A_492 = arith.muli %scan3A_489, %mul3A_491 : i32
          %swap3A = arith.index_cast %mul3A_492 : i32 to index
          %swap3A_493 = tpu.vector_load %arg8[%swap3A] {strides = array<i32>} : memref<4096xi32, #tpu.memory_space<vmem>>, vector<16xi32>,
          tpu.vector_store %arg8[%swap3A], %broadcast_in_dim3A_5 {strides = array<i32>} : memref<4096xi32, #tpu.memory_space<vmem>>, vector<16xi32>,
          %scan3A_494 = arith.constant 0 : i32
          scf.yield %scan3A_494 : i32
        }
        %scan3A_437 = arith.constant 256 : i32
        %scan3A_438 = arith.constant 16711680 : i32
        %scan3A_439 = arith.constant 8 : i32
        %scan3A_440 = arith.constant 0 : i32
        %scan3A_441 = arith.constant 0 : i32
        %scan3A_442 = arith.constant 1250 : i32
        %scan3A_443 = arith.addi %scan3A_441, %scan3A_442 : i32
        %scan3A_444 = arith.constant 1 : i32
        %scan3A_445 = scf.for %scan3A_489 = %scan3A_441 to %scan3A_443 step %scan3A_444 iter_args(%scan3A_490 = %scan3A_440) -> (i32)  : i32 {
          %mul3A_491 = arith.constant 16 : i32
          %mul3A_492 = arith.muli %scan3A_489, %mul3A_491 : i32
          %get3A = arith.index_cast %mul3A_492 : i32 to index
          %get3A_493 = tpu.vector_load %arg7[%get3A] {strides = array<i32>} : memref<20000xf32, #tpu.memory_space<vmem>>, vector<16xf32>,
          %bitcast3A = vector.bitcast %get3A_493 : vector<16xf32> to vector<16xi32>
          %sub3A_494 = arith.constant 1048576000 : i32
          %sub3A_495 = vector.broadcast %sub3A_494 : i32 to vector<16xi32>
          %sub3A_496 = arith.subi %bitcast3A, %sub3A_495 : vector<16xi32>
          %gt3A_497 = arith.constant 0.000000e+00 : f32
          %gt3A_498 = vector.broadcast %gt3A_497 : f32 to vector<16xf32>
          %gt3A_499 = arith.cmpf ogt, %get3A_493, %gt3A_498 : vector<16xf32>
          %and3A = vector.broadcast %scan3A_438 : i32 to vector<16xi32>
          %and3A_500 = arith.andi %sub3A_496, %and3A : vector<16xi32>
          %eq3A_501 = vector.broadcast %shift_left3A_430 : i32 to vector<16xi32>
          %eq3A_502 = arith.cmpi eq, %and3A_500, %eq3A_501 : vector<16xi32>
          %and3A_503 = arith.andi %gt3A_499, %eq3A_502 : vector<16xi1>
          %shift_right_logical3A = vector.broadcast %scan3A_439 : i32 to vector<16xi32>
          %shift_right_logical3A_504 = arith.shrui %sub3A_496, %shift_right_logical3A : vector<16xi32>
          %and3A_505 = arith.constant 255 : i32
          %and3A_506 = vector.broadcast %and3A_505 : i32 to vector<16xi32>
          %and3A_507 = arith.andi %shift_right_logical3A_504, %and3A_506 : vector<16xi32>
          %mul3A_508 = arith.constant 16 : i32
          %mul3A_509 = vector.broadcast %mul3A_508 : i32 to vector<16xi32>
          %mul3A_510 = arith.muli %and3A_507, %mul3A_509 : vector<16xi32>
          %add3A_511 = arith.addi %mul3A_510, %iota3A : vector<16xi32>
          tpu.vector_store_idx %arg8[%add3A_511], %broadcast_in_dim3A_7 masked %and3A_503 {add = true} : memref<4096xi32, #tpu.memory_space<vmem>>[vector<16xi32>], vector<16xi32>, vector<16xi1>
          %scan3A_512 = arith.constant 0 : i32
          scf.yield %scan3A_512 : i32
        }
        %scan3A_446 = arith.constant 1250 : i32
        %while3A_447 = arith.constant 255 : i32
        %while3A_448 = arith.constant 0 : i32
        %while3A_449 = arith.constant 0 : i32
        %while3A_450:3 = scf.while (%while3A_489 = %while3A_447, %while3A_490 = %while3A_448, %while3A_491 = %while3A_449) : (i32, i32, i32) -> (i32, i32, i32) {
          %eq3A_492 = arith.constant 0 : i32
          %eq3A_493 = arith.cmpi eq, %while3A_491, %eq3A_492 : i32
          %ge3A = arith.constant 0 : i32
          %ge3A_494 = arith.cmpi sge, %while3A_489, %ge3A : i32
          %and3A = arith.andi %eq3A_493, %ge3A_494 : i1
          scf.condition(%and3A) %while3A_489, %while3A_490, %while3A_491 : i32, i32, i32
        } do {
        ^bb0(%while3A_489: i32, %while3A_490: i32, %while3A_491: i32):
          %mul3A_492 = arith.constant 16 : i32
          %mul3A_493 = arith.muli %while3A_489, %mul3A_492 : i32
          %get3A = arith.index_cast %mul3A_493 : i32 to index
          %get3A_494 = tpu.vector_load %arg8[%get3A] {strides = array<i32>} : memref<4096xi32, #tpu.memory_space<vmem>>, vector<16xi32>,
          %reduce_sum3A_495 = arith.constant true
          %reduce_sum3A_496 = vector.broadcast %reduce_sum3A_495 : i1 to vector<16xi1>
          %reduce_sum3A_497 = tpu.scan <sum>, %get3A_494 masked %reduce_sum3A_496 : vector<16xi32>, vector<16xi1> -> vector<16xi32>
          %reduce_sum3A_498 = vector.extract %reduce_sum3A_497[15] : i32 from vector<16xi32>
          %add3A_499 = arith.addi %while3A_490, %reduce_sum3A_498 : i32
          %ge3A = arith.cmpi sge, %add3A_499, %sub3A_429 : i32
          %sub3A_500 = arith.constant 1 : i32
          %sub3A_501 = arith.subi %while3A_489, %sub3A_500 : i32
          %select_n3A_502 = arith.select %ge3A, %while3A_489, %sub3A_501 : i32
          %add3A_503 = arith.addi %while3A_490, %reduce_sum3A_498 : i32
          %select_n3A_504 = arith.select %ge3A, %while3A_490, %add3A_503 : i32
          %jit3A_505 = arith.constant 1 : i32
          %jit3A_506 = arith.constant 0 : i32
          %select_n3A_507 = arith.select %ge3A, %jit3A_505, %jit3A_506 : i32
          scf.yield %select_n3A_502, %select_n3A_504, %select_n3A_507 : i32, i32, i32
        }
        %max3A_451 = arith.constant 0 : i32
        %max3A_452 = arith.maxsi %while3A_450#0, %max3A_451 : i32
        %sub3A_453 = arith.subi %sub3A_429, %while3A_450#1 : i32
        %shift_left3A_454 = arith.constant 16 : i32
        %shift_left3A_455 = arith.shli %max3A_428, %shift_left3A_454 : i32
        %shift_left3A_456 = arith.constant 8 : i32
        %shift_left3A_457 = arith.shli %max3A_452, %shift_left3A_456 : i32
        %or3A = arith.ori %shift_left3A_455, %shift_left3A_457 : i32
        %scan3A_458 = arith.constant 0 : i32
        %scan3A_459 = arith.constant 0 : i32
        %scan3A_460 = arith.constant 256 : i32
        %scan3A_461 = arith.addi %scan3A_459, %scan3A_460 : i32
        %scan3A_462 = arith.constant 1 : i32
        %scan3A_463 = scf.for %scan3A_489 = %scan3A_459 to %scan3A_461 step %scan3A_462 iter_args(%scan3A_490 = %scan3A_458) -> (i32)  : i32 {
          %mul3A_491 = arith.constant 16 : i32
          %mul3A_492 = arith.muli %scan3A_489, %mul3A_491 : i32
          %swap3A = arith.index_cast %mul3A_492 : i32 to index
          %swap3A_493 = tpu.vector_load %arg8[%swap3A] {strides = array<i32>} : memref<4096xi32, #tpu.memory_space<vmem>>, vector<16xi32>,
          tpu.vector_store %arg8[%swap3A], %broadcast_in_dim3A_5 {strides = array<i32>} : memref<4096xi32, #tpu.memory_space<vmem>>, vector<16xi32>,
          %scan3A_494 = arith.constant 0 : i32
          scf.yield %scan3A_494 : i32
        }
        %scan3A_464 = arith.constant 256 : i32
        %scan3A_465 = arith.constant 16776960 : i32
        %scan3A_466 = arith.constant 0 : i32
        %scan3A_467 = arith.constant 0 : i32
        %scan3A_468 = arith.constant 0 : i32
        %scan3A_469 = arith.constant 1250 : i32
        %scan3A_470 = arith.addi %scan3A_468, %scan3A_469 : i32
        %scan3A_471 = arith.constant 1 : i32
        %scan3A_472 = scf.for %scan3A_489 = %scan3A_468 to %scan3A_470 step %scan3A_471 iter_args(%scan3A_490 = %scan3A_467) -> (i32)  : i32 {
          %mul3A_491 = arith.constant 16 : i32
          %mul3A_492 = arith.muli %scan3A_489, %mul3A_491 : i32
          %get3A = arith.index_cast %mul3A_492 : i32 to index
          %get3A_493 = tpu.vector_load %arg7[%get3A] {strides = array<i32>} : memref<20000xf32, #tpu.memory_space<vmem>>, vector<16xf32>,
          %bitcast3A = vector.bitcast %get3A_493 : vector<16xf32> to vector<16xi32>
          %sub3A_494 = arith.constant 1048576000 : i32
          %sub3A_495 = vector.broadcast %sub3A_494 : i32 to vector<16xi32>
          %sub3A_496 = arith.subi %bitcast3A, %sub3A_495 : vector<16xi32>
          %gt3A_497 = arith.constant 0.000000e+00 : f32
          %gt3A_498 = vector.broadcast %gt3A_497 : f32 to vector<16xf32>
          %gt3A_499 = arith.cmpf ogt, %get3A_493, %gt3A_498 : vector<16xf32>
          %and3A = vector.broadcast %scan3A_465 : i32 to vector<16xi32>
          %and3A_500 = arith.andi %sub3A_496, %and3A : vector<16xi32>
          %eq3A_501 = vector.broadcast %or3A : i32 to vector<16xi32>
          %eq3A_502 = arith.cmpi eq, %and3A_500, %eq3A_501 : vector<16xi32>
          %and3A_503 = arith.andi %gt3A_499, %eq3A_502 : vector<16xi1>
          %shift_right_logical3A = vector.broadcast %scan3A_466 : i32 to vector<16xi32>
          %shift_right_logical3A_504 = arith.shrui %sub3A_496, %shift_right_logical3A : vector<16xi32>
          %and3A_505 = arith.constant 255 : i32
          %and3A_506 = vector.broadcast %and3A_505 : i32 to vector<16xi32>
          %and3A_507 = arith.andi %shift_right_logical3A_504, %and3A_506 : vector<16xi32>
          %mul3A_508 = arith.constant 16 : i32
          %mul3A_509 = vector.broadcast %mul3A_508 : i32 to vector<16xi32>
          %mul3A_510 = arith.muli %and3A_507, %mul3A_509 : vector<16xi32>
          %add3A_511 = arith.addi %mul3A_510, %iota3A : vector<16xi32>
          tpu.vector_store_idx %arg8[%add3A_511], %broadcast_in_dim3A_7 masked %and3A_503 {add = true} : memref<4096xi32, #tpu.memory_space<vmem>>[vector<16xi32>], vector<16xi32>, vector<16xi1>
          %scan3A_512 = arith.constant 0 : i32
          scf.yield %scan3A_512 : i32
        }
        %scan3A_473 = arith.constant 1250 : i32
        %while3A_474 = arith.constant 255 : i32
        %while3A_475 = arith.constant 0 : i32
        %while3A_476 = arith.constant 0 : i32
        %while3A_477:3 = scf.while (%while3A_489 = %while3A_474, %while3A_490 = %while3A_475, %while3A_491 = %while3A_476) : (i32, i32, i32) -> (i32, i32, i32) {
          %eq3A_492 = arith.constant 0 : i32
          %eq3A_493 = arith.cmpi eq, %while3A_491, %eq3A_492 : i32
          %ge3A = arith.constant 0 : i32
          %ge3A_494 = arith.cmpi sge, %while3A_489, %ge3A : i32
          %and3A = arith.andi %eq3A_493, %ge3A_494 : i1
          scf.condition(%and3A) %while3A_489, %while3A_490, %while3A_491 : i32, i32, i32
        } do {
        ^bb0(%while3A_489: i32, %while3A_490: i32, %while3A_491: i32):
          %mul3A_492 = arith.constant 16 : i32
          %mul3A_493 = arith.muli %while3A_489, %mul3A_492 : i32
          %get3A = arith.index_cast %mul3A_493 : i32 to index
          %get3A_494 = tpu.vector_load %arg8[%get3A] {strides = array<i32>} : memref<4096xi32, #tpu.memory_space<vmem>>, vector<16xi32>,
          %reduce_sum3A_495 = arith.constant true
          %reduce_sum3A_496 = vector.broadcast %reduce_sum3A_495 : i1 to vector<16xi1>
          %reduce_sum3A_497 = tpu.scan <sum>, %get3A_494 masked %reduce_sum3A_496 : vector<16xi32>, vector<16xi1> -> vector<16xi32>
          %reduce_sum3A_498 = vector.extract %reduce_sum3A_497[15] : i32 from vector<16xi32>
          %add3A_499 = arith.addi %while3A_490, %reduce_sum3A_498 : i32
          %ge3A = arith.cmpi sge, %add3A_499, %sub3A_453 : i32
          %sub3A_500 = arith.constant 1 : i32
          %sub3A_501 = arith.subi %while3A_489, %sub3A_500 : i32
          %select_n3A_502 = arith.select %ge3A, %while3A_489, %sub3A_501 : i32
          %add3A_503 = arith.addi %while3A_490, %reduce_sum3A_498 : i32
          %select_n3A_504 = arith.select %ge3A, %while3A_490, %add3A_503 : i32
          %jit3A_505 = arith.constant 1 : i32
          %jit3A_506 = arith.constant 0 : i32
          %select_n3A_507 = arith.select %ge3A, %jit3A_505, %jit3A_506 : i32
          scf.yield %select_n3A_502, %select_n3A_504, %select_n3A_507 : i32, i32, i32
        }
        %max3A_478 = arith.constant 0 : i32
        %max3A_479 = arith.maxsi %while3A_477#0, %max3A_478 : i32
        %sub3A_480 = arith.subi %sub3A_453, %while3A_477#1 : i32
        %shift_left3A_481 = arith.constant 16 : i32
        %shift_left3A_482 = arith.shli %max3A_428, %shift_left3A_481 : i32
        %shift_left3A_483 = arith.constant 8 : i32
        %shift_left3A_484 = arith.shli %max3A_452, %shift_left3A_483 : i32
        %or3A_485 = arith.ori %shift_left3A_482, %shift_left3A_484 : i32
        %or3A_486 = arith.ori %or3A_485, %max3A_479 : i32
        %add3A_487 = arith.constant 1048576000 : i32
        %add3A_488 = arith.addi %add3A_487, %or3A_486 : i32
        scf.yield %add3A_488, %sub3A_480 : i32, i32
      } else {
        %cond3A_407 = arith.constant 0 : i32
        %cond3A_408 = arith.constant 0 : i32
        scf.yield %cond3A_407, %cond3A_408 : i32, i32
      }
      %scan3A_38 = arith.constant 0 : i32
      %scan3A_39 = arith.constant 0 : i32
      %scan3A_40 = arith.constant 129 : i32
      %scan3A_41 = arith.addi %scan3A_39, %scan3A_40 : i32
      %scan3A_42 = arith.constant 1 : i32
      %scan3A_43 = scf.for %scan3A_407 = %scan3A_39 to %scan3A_41 step %scan3A_42 iter_args(%scan3A_408 = %scan3A_38) -> (i32)  : i32 {
        %mul3A_409 = arith.constant 16 : i32
        %mul3A_410 = arith.muli %scan3A_407, %mul3A_409 : i32
        %swap3A = arith.index_cast %mul3A_410 : i32 to index
        %swap3A_411 = tpu.vector_load %arg9[%swap3A] {strides = array<i32>} : memref<2064xf32, #tpu.memory_space<vmem>>, vector<16xf32>,
        tpu.vector_store %arg9[%swap3A], %broadcast_in_dim3A_9 {strides = array<i32>} : memref<2064xf32, #tpu.memory_space<vmem>>, vector<16xf32>,
        %mul3A_412 = arith.constant 16 : i32
        %mul3A_413 = arith.muli %scan3A_407, %mul3A_412 : i32
        %swap3A_414 = arith.index_cast %mul3A_413 : i32 to index
        %swap3A_415 = tpu.vector_load %arg15[%swap3A_414] {strides = array<i32>} : memref<2064xi32, #tpu.memory_space<vmem>>, vector<16xi32>,
        tpu.vector_store %arg15[%swap3A_414], %broadcast_in_dim3A_5 {strides = array<i32>} : memref<2064xi32, #tpu.memory_space<vmem>>, vector<16xi32>,
        %scan3A_416 = arith.constant 0 : i32
        scf.yield %scan3A_416 : i32
      }
      %scan3A_44 = arith.constant 129 : i32
      %scan3A_45 = arith.constant 0 : i32
      %scan3A_46 = arith.constant 0 : i32
      %scan3A_47 = arith.constant 0 : i32
      %scan3A_48 = arith.constant 1250 : i32
      %scan3A_49 = arith.addi %scan3A_47, %scan3A_48 : i32
      %scan3A_50 = arith.constant 1 : i32
      %scan3A_51:2 = scf.for %scan3A_407 = %scan3A_47 to %scan3A_49 step %scan3A_50 iter_args(%scan3A_408 = %scan3A_45, %scan3A_409 = %scan3A_46) -> (i32, i32)  : i32 {
        %mul3A_410 = arith.constant 16 : i32
        %mul3A_411 = arith.muli %scan3A_407, %mul3A_410 : i32
        %get3A = arith.index_cast %mul3A_411 : i32 to index
        %get3A_412 = tpu.vector_load %arg7[%get3A] {strides = array<i32>} : memref<20000xf32, #tpu.memory_space<vmem>>, vector<16xf32>,
        %bitcast3A = vector.bitcast %get3A_412 : vector<16xf32> to vector<16xi32>
        %gt3A_413 = arith.constant 0.000000e+00 : f32
        %gt3A_414 = vector.broadcast %gt3A_413 : f32 to vector<16xf32>
        %gt3A_415 = arith.cmpf ogt, %get3A_412, %gt3A_414 : vector<16xf32>
        %eq3A_416 = vector.broadcast %cond3A_37#0 : i32 to vector<16xi32>
        %eq3A_417 = arith.cmpi eq, %bitcast3A, %eq3A_416 : vector<16xi32>
        %and3A = arith.andi %gt3A_415, %eq3A_417 : vector<16xi1>
        %jit3A_418 = arith.constant 1 : i32
        %jit3A_419 = arith.constant 0 : i32
        %broadcast_in_dim3A_420 = vector.broadcast %jit3A_418 : i32 to vector<16xi32>
        %broadcast_in_dim3A_421 = vector.broadcast %jit3A_419 : i32 to vector<16xi32>
        %select_n3A_422 = arith.select %and3A, %broadcast_in_dim3A_420, %broadcast_in_dim3A_421 : vector<16xi1>, vector<16xi32>
        %broadcast_in_dim3A_423 = arith.constant true
        %broadcast_in_dim3A_424 = vector.broadcast %broadcast_in_dim3A_423 : i1 to vector<16xi1>
        %masked_cumsum3A = tpu.scan <sum>, %select_n3A_422 masked %broadcast_in_dim3A_424 : vector<16xi32>, vector<16xi1> -> vector<16xi32>
        %sub3A = arith.subi %masked_cumsum3A, %select_n3A_422 : vector<16xi32>
        %add3A_425 = vector.broadcast %scan3A_409 : i32 to vector<16xi32>
        %add3A_426 = arith.addi %add3A_425, %sub3A : vector<16xi32>
        %lt3A_427 = vector.broadcast %cond3A_37#1 : i32 to vector<16xi32>
        %lt3A_428 = arith.cmpi slt, %add3A_426, %lt3A_427 : vector<16xi32>
        %and3A_429 = arith.andi %and3A, %lt3A_428 : vector<16xi1>
        %gt3A_430 = vector.broadcast %cond3A_37#0 : i32 to vector<16xi32>
        %gt3A_431 = arith.cmpi ugt, %bitcast3A, %gt3A_430 : vector<16xi32>
        %and3A_432 = arith.andi %gt3A_415, %gt3A_431 : vector<16xi1>
        %or3A = arith.ori %and3A_432, %and3A_429 : vector<16xi1>
        %swap3A = arith.index_cast %scan3A_408 : i32 to index
        %swap3A_433 = tpu.vector_load %arg9[%swap3A] masked %or3A {strides = array<i32>} : memref<2064xf32, #tpu.memory_space<vmem>>, vector<16xf32>, vector<16xi1>
        tpu.vector_store %arg9[%swap3A], %get3A_412 masked %or3A {strides = array<i32>} : memref<2064xf32, #tpu.memory_space<vmem>>, vector<16xf32>, vector<16xi1>
        %mul3A_434 = arith.constant 16 : i32
        %mul3A_435 = arith.muli %scan3A_407, %mul3A_434 : i32
        %add3A_436 = vector.broadcast %mul3A_435 : i32 to vector<16xi32>
        %add3A_437 = arith.addi %iota3A, %add3A_436 : vector<16xi32>
        %swap3A_438 = arith.index_cast %scan3A_408 : i32 to index
        %swap3A_439 = tpu.vector_load %arg15[%swap3A_438] masked %or3A {strides = array<i32>} : memref<2064xi32, #tpu.memory_space<vmem>>, vector<16xi32>, vector<16xi1>
        tpu.vector_store %arg15[%swap3A_438], %add3A_437 masked %or3A {strides = array<i32>} : memref<2064xi32, #tpu.memory_space<vmem>>, vector<16xi32>, vector<16xi1>
        %jit3A_440 = arith.constant 1 : i32
        %jit3A_441 = arith.constant 0 : i32
        %broadcast_in_dim3A_442 = vector.broadcast %jit3A_440 : i32 to vector<16xi32>
        %broadcast_in_dim3A_443 = vector.broadcast %jit3A_441 : i32 to vector<16xi32>
        %select_n3A_444 = arith.select %or3A, %broadcast_in_dim3A_442, %broadcast_in_dim3A_443 : vector<16xi1>, vector<16xi32>
        %reduce_sum3A_445 = arith.constant true
        %reduce_sum3A_446 = vector.broadcast %reduce_sum3A_445 : i1 to vector<16xi1>
        %reduce_sum3A_447 = tpu.scan <sum>, %select_n3A_444 masked %reduce_sum3A_446 : vector<16xi32>, vector<16xi1> -> vector<16xi32>
        %reduce_sum3A_448 = vector.extract %reduce_sum3A_447[15] : i32 from vector<16xi32>
        %add3A_449 = arith.addi %scan3A_408, %reduce_sum3A_448 : i32
        %reduce_sum3A_450 = arith.constant true
        %reduce_sum3A_451 = vector.broadcast %reduce_sum3A_450 : i1 to vector<16xi1>
        %reduce_sum3A_452 = tpu.scan <sum>, %select_n3A_422 masked %reduce_sum3A_451 : vector<16xi32>, vector<16xi1> -> vector<16xi32>
        %reduce_sum3A_453 = vector.extract %reduce_sum3A_452[15] : i32 from vector<16xi32>
        %add3A_454 = arith.addi %scan3A_409, %reduce_sum3A_453 : i32
        scf.yield %add3A_449, %add3A_454 : i32, i32
      }
      %scan3A_52 = arith.constant 1250 : i32
      %scan3A_53 = arith.constant 0 : i32
      %scan3A_54 = arith.constant 0 : i32
      %scan3A_55 = arith.constant 129 : i32
      %scan3A_56 = arith.addi %scan3A_54, %scan3A_55 : i32
      %scan3A_57 = arith.constant 1 : i32
      %scan3A_58 = scf.for %scan3A_407 = %scan3A_54 to %scan3A_56 step %scan3A_57 iter_args(%scan3A_408 = %scan3A_53) -> (i32)  : i32 {
        %mul3A_409 = arith.constant 16 : i32
        %mul3A_410 = arith.muli %scan3A_407, %mul3A_409 : i32
        %get3A = arith.index_cast %mul3A_410 : i32 to index
        %get3A_411 = tpu.vector_load %arg15[%get3A] {strides = array<i32>} : memref<2064xi32, #tpu.memory_space<vmem>>, vector<16xi32>,
        %mul3A_412 = arith.constant 20000 : i32
        %mul3A_413 = arith.muli %add3A, %mul3A_412 : i32
        %add3A_414 = vector.broadcast %mul3A_413 : i32 to vector<16xi32>
        %add3A_415 = arith.addi %get3A_411, %add3A_414 : vector<16xi32>
        %mul3A_416 = arith.constant 16 : i32
        %mul3A_417 = arith.muli %scan3A_407, %mul3A_416 : i32
        %swap3A = arith.index_cast %mul3A_417 : i32 to index
        %swap3A_418 = tpu.vector_load %arg16[%swap3A] {strides = array<i32>} : memref<2064xi32, #tpu.memory_space<vmem>>, vector<16xi32>,
        tpu.vector_store %arg16[%swap3A], %add3A_415 {strides = array<i32>} : memref<2064xi32, #tpu.memory_space<vmem>>, vector<16xi32>,
        %scan3A_419 = arith.constant 0 : i32
        scf.yield %scan3A_419 : i32
      }
      %scan3A_59 = arith.constant 129 : i32
      %dma_start3A = arith.constant 0 : i32
      %dma_start3A_60 = arith.constant 0 : i32
      %dma_start3A_61 = tpu.memref_slice %arg17[%dma_start3A, %dma_start3A_60] : memref<2048x8xf32, #tpu.memory_space<vmem>> -> memref<128x8xf32, #tpu.memory_space<vmem>>
      %dma_start3A_62 = arith.constant 0 : i32
      %dma_start3A_63 = tpu.memref_slice %arg16[%dma_start3A_62] : memref<2064xi32, #tpu.memory_space<vmem>> -> memref<128xi32, #tpu.memory_space<vmem>>
      %dma_start3A_64 = arith.constant 0 : i32
      %dma_start3A_65 = arith.constant 0 : i32
      %dma_start3A_66 = tpu.memref_slice %arg3[%dma_start3A_64, %dma_start3A_65] : memref<160000x8xf32, #tpu.memory_space<hbm>> -> memref<160000x8xf32, #tpu.memory_space<hbm>>
      tpu.enqueue_indirect_dma source(%dma_start3A_66 : memref<160000x8xf32, #tpu.memory_space<hbm>>) target(%dma_start3A_61 : memref<128x8xf32, #tpu.memory_space<vmem>>) offsets(%dma_start3A_63 : memref<128xi32, #tpu.memory_space<vmem>>) semaphore(%arg21 : memref<!tpu.dma_semaphore, #tpu.memory_space<semaphore_mem>>)
      %dma_start3A_67 = arith.constant 128 : i32
      %dma_start3A_68 = arith.constant 0 : i32
      %dma_start3A_69 = tpu.memref_slice %arg17[%dma_start3A_67, %dma_start3A_68] : memref<2048x8xf32, #tpu.memory_space<vmem>> -> memref<128x8xf32, #tpu.memory_space<vmem>>
      %dma_start3A_70 = arith.constant 128 : i32
      %dma_start3A_71 = tpu.memref_slice %arg16[%dma_start3A_70] : memref<2064xi32, #tpu.memory_space<vmem>> -> memref<128xi32, #tpu.memory_space<vmem>>
      %dma_start3A_72 = arith.constant 0 : i32
      %dma_start3A_73 = arith.constant 0 : i32
      %dma_start3A_74 = tpu.memref_slice %arg3[%dma_start3A_72, %dma_start3A_73] : memref<160000x8xf32, #tpu.memory_space<hbm>> -> memref<160000x8xf32, #tpu.memory_space<hbm>>
      tpu.enqueue_indirect_dma source(%dma_start3A_74 : memref<160000x8xf32, #tpu.memory_space<hbm>>) target(%dma_start3A_69 : memref<128x8xf32, #tpu.memory_space<vmem>>) offsets(%dma_start3A_71 : memref<128xi32, #tpu.memory_space<vmem>>) semaphore(%arg21 : memref<!tpu.dma_semaphore, #tpu.memory_space<semaphore_mem>>)
      %dma_start3A_75 = arith.constant 256 : i32
      %dma_start3A_76 = arith.constant 0 : i32
      %dma_start3A_77 = tpu.memref_slice %arg17[%dma_start3A_75, %dma_start3A_76] : memref<2048x8xf32, #tpu.memory_space<vmem>> -> memref<128x8xf32, #tpu.memory_space<vmem>>
      %dma_start3A_78 = arith.constant 256 : i32
      %dma_start3A_79 = tpu.memref_slice %arg16[%dma_start3A_78] : memref<2064xi32, #tpu.memory_space<vmem>> -> memref<128xi32, #tpu.memory_space<vmem>>
      %dma_start3A_80 = arith.constant 0 : i32
      %dma_start3A_81 = arith.constant 0 : i32
      %dma_start3A_82 = tpu.memref_slice %arg3[%dma_start3A_80, %dma_start3A_81] : memref<160000x8xf32, #tpu.memory_space<hbm>> -> memref<160000x8xf32, #tpu.memory_space<hbm>>
      tpu.enqueue_indirect_dma source(%dma_start3A_82 : memref<160000x8xf32, #tpu.memory_space<hbm>>) target(%dma_start3A_77 : memref<128x8xf32, #tpu.memory_space<vmem>>) offsets(%dma_start3A_79 : memref<128xi32, #tpu.memory_space<vmem>>) semaphore(%arg21 : memref<!tpu.dma_semaphore, #tpu.memory_space<semaphore_mem>>)
      %dma_start3A_83 = arith.constant 384 : i32
      %dma_start3A_84 = arith.constant 0 : i32
      %dma_start3A_85 = tpu.memref_slice %arg17[%dma_start3A_83, %dma_start3A_84] : memref<2048x8xf32, #tpu.memory_space<vmem>> -> memref<128x8xf32, #tpu.memory_space<vmem>>
      %dma_start3A_86 = arith.constant 384 : i32
      %dma_start3A_87 = tpu.memref_slice %arg16[%dma_start3A_86] : memref<2064xi32, #tpu.memory_space<vmem>> -> memref<128xi32, #tpu.memory_space<vmem>>
      %dma_start3A_88 = arith.constant 0 : i32
      %dma_start3A_89 = arith.constant 0 : i32
      %dma_start3A_90 = tpu.memref_slice %arg3[%dma_start3A_88, %dma_start3A_89] : memref<160000x8xf32, #tpu.memory_space<hbm>> -> memref<160000x8xf32, #tpu.memory_space<hbm>>
      tpu.enqueue_indirect_dma source(%dma_start3A_90 : memref<160000x8xf32, #tpu.memory_space<hbm>>) target(%dma_start3A_85 : memref<128x8xf32, #tpu.memory_space<vmem>>) offsets(%dma_start3A_87 : memref<128xi32, #tpu.memory_space<vmem>>) semaphore(%arg21 : memref<!tpu.dma_semaphore, #tpu.memory_space<semaphore_mem>>)
      %dma_start3A_91 = arith.constant 512 : i32
      %dma_start3A_92 = arith.constant 0 : i32
      %dma_start3A_93 = tpu.memref_slice %arg17[%dma_start3A_91, %dma_start3A_92] : memref<2048x8xf32, #tpu.memory_space<vmem>> -> memref<128x8xf32, #tpu.memory_space<vmem>>
      %dma_start3A_94 = arith.constant 512 : i32
      %dma_start3A_95 = tpu.memref_slice %arg16[%dma_start3A_94] : memref<2064xi32, #tpu.memory_space<vmem>> -> memref<128xi32, #tpu.memory_space<vmem>>
      %dma_start3A_96 = arith.constant 0 : i32
      %dma_start3A_97 = arith.constant 0 : i32
      %dma_start3A_98 = tpu.memref_slice %arg3[%dma_start3A_96, %dma_start3A_97] : memref<160000x8xf32, #tpu.memory_space<hbm>> -> memref<160000x8xf32, #tpu.memory_space<hbm>>
      tpu.enqueue_indirect_dma source(%dma_start3A_98 : memref<160000x8xf32, #tpu.memory_space<hbm>>) target(%dma_start3A_93 : memref<128x8xf32, #tpu.memory_space<vmem>>) offsets(%dma_start3A_95 : memref<128xi32, #tpu.memory_space<vmem>>) semaphore(%arg21 : memref<!tpu.dma_semaphore, #tpu.memory_space<semaphore_mem>>)
      %dma_start3A_99 = arith.constant 640 : i32
      %dma_start3A_100 = arith.constant 0 : i32
      %dma_start3A_101 = tpu.memref_slice %arg17[%dma_start3A_99, %dma_start3A_100] : memref<2048x8xf32, #tpu.memory_space<vmem>> -> memref<128x8xf32, #tpu.memory_space<vmem>>
      %dma_start3A_102 = arith.constant 640 : i32
      %dma_start3A_103 = tpu.memref_slice %arg16[%dma_start3A_102] : memref<2064xi32, #tpu.memory_space<vmem>> -> memref<128xi32, #tpu.memory_space<vmem>>
      %dma_start3A_104 = arith.constant 0 : i32
      %dma_start3A_105 = arith.constant 0 : i32
      %dma_start3A_106 = tpu.memref_slice %arg3[%dma_start3A_104, %dma_start3A_105] : memref<160000x8xf32, #tpu.memory_space<hbm>> -> memref<160000x8xf32, #tpu.memory_space<hbm>>
      tpu.enqueue_indirect_dma source(%dma_start3A_106 : memref<160000x8xf32, #tpu.memory_space<hbm>>) target(%dma_start3A_101 : memref<128x8xf32, #tpu.memory_space<vmem>>) offsets(%dma_start3A_103 : memref<128xi32, #tpu.memory_space<vmem>>) semaphore(%arg21 : memref<!tpu.dma_semaphore, #tpu.memory_space<semaphore_mem>>)
      %dma_start3A_107 = arith.constant 768 : i32
      %dma_start3A_108 = arith.constant 0 : i32
      %dma_start3A_109 = tpu.memref_slice %arg17[%dma_start3A_107, %dma_start3A_108] : memref<2048x8xf32, #tpu.memory_space<vmem>> -> memref<128x8xf32, #tpu.memory_space<vmem>>
      %dma_start3A_110 = arith.constant 768 : i32
      %dma_start3A_111 = tpu.memref_slice %arg16[%dma_start3A_110] : memref<2064xi32, #tpu.memory_space<vmem>> -> memref<128xi32, #tpu.memory_space<vmem>>
      %dma_start3A_112 = arith.constant 0 : i32
      %dma_start3A_113 = arith.constant 0 : i32
      %dma_start3A_114 = tpu.memref_slice %arg3[%dma_start3A_112, %dma_start3A_113] : memref<160000x8xf32, #tpu.memory_space<hbm>> -> memref<160000x8xf32, #tpu.memory_space<hbm>>
      tpu.enqueue_indirect_dma source(%dma_start3A_114 : memref<160000x8xf32, #tpu.memory_space<hbm>>) target(%dma_start3A_109 : memref<128x8xf32, #tpu.memory_space<vmem>>) offsets(%dma_start3A_111 : memref<128xi32, #tpu.memory_space<vmem>>) semaphore(%arg21 : memref<!tpu.dma_semaphore, #tpu.memory_space<semaphore_mem>>)
      %dma_start3A_115 = arith.constant 896 : i32
      %dma_start3A_116 = arith.constant 0 : i32
      %dma_start3A_117 = tpu.memref_slice %arg17[%dma_start3A_115, %dma_start3A_116] : memref<2048x8xf32, #tpu.memory_space<vmem>> -> memref<128x8xf32, #tpu.memory_space<vmem>>
      %dma_start3A_118 = arith.constant 896 : i32
      %dma_start3A_119 = tpu.memref_slice %arg16[%dma_start3A_118] : memref<2064xi32, #tpu.memory_space<vmem>> -> memref<128xi32, #tpu.memory_space<vmem>>
      %dma_start3A_120 = arith.constant 0 : i32
      %dma_start3A_121 = arith.constant 0 : i32
      %dma_start3A_122 = tpu.memref_slice %arg3[%dma_start3A_120, %dma_start3A_121] : memref<160000x8xf32, #tpu.memory_space<hbm>> -> memref<160000x8xf32, #tpu.memory_space<hbm>>
      tpu.enqueue_indirect_dma source(%dma_start3A_122 : memref<160000x8xf32, #tpu.memory_space<hbm>>) target(%dma_start3A_117 : memref<128x8xf32, #tpu.memory_space<vmem>>) offsets(%dma_start3A_119 : memref<128xi32, #tpu.memory_space<vmem>>) semaphore(%arg21 : memref<!tpu.dma_semaphore, #tpu.memory_space<semaphore_mem>>)
      %dma_start3A_123 = arith.constant 1024 : i32
      %dma_start3A_124 = arith.constant 0 : i32
      %dma_start3A_125 = tpu.memref_slice %arg17[%dma_start3A_123, %dma_start3A_124] : memref<2048x8xf32, #tpu.memory_space<vmem>> -> memref<128x8xf32, #tpu.memory_space<vmem>>
      %dma_start3A_126 = arith.constant 1024 : i32
      %dma_start3A_127 = tpu.memref_slice %arg16[%dma_start3A_126] : memref<2064xi32, #tpu.memory_space<vmem>> -> memref<128xi32, #tpu.memory_space<vmem>>
      %dma_start3A_128 = arith.constant 0 : i32
      %dma_start3A_129 = arith.constant 0 : i32
      %dma_start3A_130 = tpu.memref_slice %arg3[%dma_start3A_128, %dma_start3A_129] : memref<160000x8xf32, #tpu.memory_space<hbm>> -> memref<160000x8xf32, #tpu.memory_space<hbm>>
      tpu.enqueue_indirect_dma source(%dma_start3A_130 : memref<160000x8xf32, #tpu.memory_space<hbm>>) target(%dma_start3A_125 : memref<128x8xf32, #tpu.memory_space<vmem>>) offsets(%dma_start3A_127 : memref<128xi32, #tpu.memory_space<vmem>>) semaphore(%arg21 : memref<!tpu.dma_semaphore, #tpu.memory_space<semaphore_mem>>)
      %dma_start3A_131 = arith.constant 1152 : i32
      %dma_start3A_132 = arith.constant 0 : i32
      %dma_start3A_133 = tpu.memref_slice %arg17[%dma_start3A_131, %dma_start3A_132] : memref<2048x8xf32, #tpu.memory_space<vmem>> -> memref<128x8xf32, #tpu.memory_space<vmem>>
      %dma_start3A_134 = arith.constant 1152 : i32
      %dma_start3A_135 = tpu.memref_slice %arg16[%dma_start3A_134] : memref<2064xi32, #tpu.memory_space<vmem>> -> memref<128xi32, #tpu.memory_space<vmem>>
      %dma_start3A_136 = arith.constant 0 : i32
      %dma_start3A_137 = arith.constant 0 : i32
      %dma_start3A_138 = tpu.memref_slice %arg3[%dma_start3A_136, %dma_start3A_137] : memref<160000x8xf32, #tpu.memory_space<hbm>> -> memref<160000x8xf32, #tpu.memory_space<hbm>>
      tpu.enqueue_indirect_dma source(%dma_start3A_138 : memref<160000x8xf32, #tpu.memory_space<hbm>>) target(%dma_start3A_133 : memref<128x8xf32, #tpu.memory_space<vmem>>) offsets(%dma_start3A_135 : memref<128xi32, #tpu.memory_space<vmem>>) semaphore(%arg21 : memref<!tpu.dma_semaphore, #tpu.memory_space<semaphore_mem>>)
      %dma_start3A_139 = arith.constant 1280 : i32
      %dma_start3A_140 = arith.constant 0 : i32
      %dma_start3A_141 = tpu.memref_slice %arg17[%dma_start3A_139, %dma_start3A_140] : memref<2048x8xf32, #tpu.memory_space<vmem>> -> memref<128x8xf32, #tpu.memory_space<vmem>>
      %dma_start3A_142 = arith.constant 1280 : i32
      %dma_start3A_143 = tpu.memref_slice %arg16[%dma_start3A_142] : memref<2064xi32, #tpu.memory_space<vmem>> -> memref<128xi32, #tpu.memory_space<vmem>>
      %dma_start3A_144 = arith.constant 0 : i32
      %dma_start3A_145 = arith.constant 0 : i32
      %dma_start3A_146 = tpu.memref_slice %arg3[%dma_start3A_144, %dma_start3A_145] : memref<160000x8xf32, #tpu.memory_space<hbm>> -> memref<160000x8xf32, #tpu.memory_space<hbm>>
      tpu.enqueue_indirect_dma source(%dma_start3A_146 : memref<160000x8xf32, #tpu.memory_space<hbm>>) target(%dma_start3A_141 : memref<128x8xf32, #tpu.memory_space<vmem>>) offsets(%dma_start3A_143 : memref<128xi32, #tpu.memory_space<vmem>>) semaphore(%arg21 : memref<!tpu.dma_semaphore, #tpu.memory_space<semaphore_mem>>)
      %dma_start3A_147 = arith.constant 1408 : i32
      %dma_start3A_148 = arith.constant 0 : i32
      %dma_start3A_149 = tpu.memref_slice %arg17[%dma_start3A_147, %dma_start3A_148] : memref<2048x8xf32, #tpu.memory_space<vmem>> -> memref<128x8xf32, #tpu.memory_space<vmem>>
      %dma_start3A_150 = arith.constant 1408 : i32
      %dma_start3A_151 = tpu.memref_slice %arg16[%dma_start3A_150] : memref<2064xi32, #tpu.memory_space<vmem>> -> memref<128xi32, #tpu.memory_space<vmem>>
      %dma_start3A_152 = arith.constant 0 : i32
      %dma_start3A_153 = arith.constant 0 : i32
      %dma_start3A_154 = tpu.memref_slice %arg3[%dma_start3A_152, %dma_start3A_153] : memref<160000x8xf32, #tpu.memory_space<hbm>> -> memref<160000x8xf32, #tpu.memory_space<hbm>>
      tpu.enqueue_indirect_dma source(%dma_start3A_154 : memref<160000x8xf32, #tpu.memory_space<hbm>>) target(%dma_start3A_149 : memref<128x8xf32, #tpu.memory_space<vmem>>) offsets(%dma_start3A_151 : memref<128xi32, #tpu.memory_space<vmem>>) semaphore(%arg21 : memref<!tpu.dma_semaphore, #tpu.memory_space<semaphore_mem>>)
      %dma_start3A_155 = arith.constant 1536 : i32
      %dma_start3A_156 = arith.constant 0 : i32
      %dma_start3A_157 = tpu.memref_slice %arg17[%dma_start3A_155, %dma_start3A_156] : memref<2048x8xf32, #tpu.memory_space<vmem>> -> memref<128x8xf32, #tpu.memory_space<vmem>>
      %dma_start3A_158 = arith.constant 1536 : i32
      %dma_start3A_159 = tpu.memref_slice %arg16[%dma_start3A_158] : memref<2064xi32, #tpu.memory_space<vmem>> -> memref<128xi32, #tpu.memory_space<vmem>>
      %dma_start3A_160 = arith.constant 0 : i32
      %dma_start3A_161 = arith.constant 0 : i32
      %dma_start3A_162 = tpu.memref_slice %arg3[%dma_start3A_160, %dma_start3A_161] : memref<160000x8xf32, #tpu.memory_space<hbm>> -> memref<160000x8xf32, #tpu.memory_space<hbm>>
      tpu.enqueue_indirect_dma source(%dma_start3A_162 : memref<160000x8xf32, #tpu.memory_space<hbm>>) target(%dma_start3A_157 : memref<128x8xf32, #tpu.memory_space<vmem>>) offsets(%dma_start3A_159 : memref<128xi32, #tpu.memory_space<vmem>>) semaphore(%arg21 : memref<!tpu.dma_semaphore, #tpu.memory_space<semaphore_mem>>)
      %dma_start3A_163 = arith.constant 1664 : i32
      %dma_start3A_164 = arith.constant 0 : i32
      %dma_start3A_165 = tpu.memref_slice %arg17[%dma_start3A_163, %dma_start3A_164] : memref<2048x8xf32, #tpu.memory_space<vmem>> -> memref<128x8xf32, #tpu.memory_space<vmem>>
      %dma_start3A_166 = arith.constant 1664 : i32
      %dma_start3A_167 = tpu.memref_slice %arg16[%dma_start3A_166] : memref<2064xi32, #tpu.memory_space<vmem>> -> memref<128xi32, #tpu.memory_space<vmem>>
      %dma_start3A_168 = arith.constant 0 : i32
      %dma_start3A_169 = arith.constant 0 : i32
      %dma_start3A_170 = tpu.memref_slice %arg3[%dma_start3A_168, %dma_start3A_169] : memref<160000x8xf32, #tpu.memory_space<hbm>> -> memref<160000x8xf32, #tpu.memory_space<hbm>>
      tpu.enqueue_indirect_dma source(%dma_start3A_170 : memref<160000x8xf32, #tpu.memory_space<hbm>>) target(%dma_start3A_165 : memref<128x8xf32, #tpu.memory_space<vmem>>) offsets(%dma_start3A_167 : memref<128xi32, #tpu.memory_space<vmem>>) semaphore(%arg21 : memref<!tpu.dma_semaphore, #tpu.memory_space<semaphore_mem>>)
      %dma_start3A_171 = arith.constant 1792 : i32
      %dma_start3A_172 = arith.constant 0 : i32
      %dma_start3A_173 = tpu.memref_slice %arg17[%dma_start3A_171, %dma_start3A_172] : memref<2048x8xf32, #tpu.memory_space<vmem>> -> memref<128x8xf32, #tpu.memory_space<vmem>>
      %dma_start3A_174 = arith.constant 1792 : i32
      %dma_start3A_175 = tpu.memref_slice %arg16[%dma_start3A_174] : memref<2064xi32, #tpu.memory_space<vmem>> -> memref<128xi32, #tpu.memory_space<vmem>>
      %dma_start3A_176 = arith.constant 0 : i32
      %dma_start3A_177 = arith.constant 0 : i32
      %dma_start3A_178 = tpu.memref_slice %arg3[%dma_start3A_176, %dma_start3A_177] : memref<160000x8xf32, #tpu.memory_space<hbm>> -> memref<160000x8xf32, #tpu.memory_space<hbm>>
      tpu.enqueue_indirect_dma source(%dma_start3A_178 : memref<160000x8xf32, #tpu.memory_space<hbm>>) target(%dma_start3A_173 : memref<128x8xf32, #tpu.memory_space<vmem>>) offsets(%dma_start3A_175 : memref<128xi32, #tpu.memory_space<vmem>>) semaphore(%arg21 : memref<!tpu.dma_semaphore, #tpu.memory_space<semaphore_mem>>)
      %dma_start3A_179 = arith.constant 1920 : i32
      %dma_start3A_180 = arith.constant 0 : i32
      %dma_start3A_181 = tpu.memref_slice %arg17[%dma_start3A_179, %dma_start3A_180] : memref<2048x8xf32, #tpu.memory_space<vmem>> -> memref<128x8xf32, #tpu.memory_space<vmem>>
      %dma_start3A_182 = arith.constant 1920 : i32
      %dma_start3A_183 = tpu.memref_slice %arg16[%dma_start3A_182] : memref<2064xi32, #tpu.memory_space<vmem>> -> memref<128xi32, #tpu.memory_space<vmem>>
      %dma_start3A_184 = arith.constant 0 : i32
      %dma_start3A_185 = arith.constant 0 : i32
      %dma_start3A_186 = tpu.memref_slice %arg3[%dma_start3A_184, %dma_start3A_185] : memref<160000x8xf32, #tpu.memory_space<hbm>> -> memref<160000x8xf32, #tpu.memory_space<hbm>>
      tpu.enqueue_indirect_dma source(%dma_start3A_186 : memref<160000x8xf32, #tpu.memory_space<hbm>>) target(%dma_start3A_181 : memref<128x8xf32, #tpu.memory_space<vmem>>) offsets(%dma_start3A_183 : memref<128xi32, #tpu.memory_space<vmem>>) semaphore(%arg21 : memref<!tpu.dma_semaphore, #tpu.memory_space<semaphore_mem>>)
      %dma_wait3A = arith.constant 0 : i32
      %dma_wait3A_187 = arith.constant 0 : i32
      %dma_wait3A_188 = tpu.memref_slice %arg17[%dma_wait3A, %dma_wait3A_187] : memref<2048x8xf32, #tpu.memory_space<vmem>> -> memref<128x8xf32, #tpu.memory_space<vmem>>
      %dma_wait3A_189 = arith.constant 0 : i32
      %dma_wait3A_190 = tpu.memref_slice %arg16[%dma_wait3A_189] : memref<2064xi32, #tpu.memory_space<vmem>> -> memref<128xi32, #tpu.memory_space<vmem>>
      %dma_wait3A_191 = arith.constant 0 : i32
      %dma_wait3A_192 = arith.constant 0 : i32
      %dma_wait3A_193 = tpu.memref_slice %arg3[%dma_wait3A_191, %dma_wait3A_192] : memref<160000x8xf32, #tpu.memory_space<hbm>> -> memref<160000x8xf32, #tpu.memory_space<hbm>>
      tpu.wait_indirect_dma semaphore(%arg21 : memref<!tpu.dma_semaphore, #tpu.memory_space<semaphore_mem>>) src(%dma_wait3A_193 : memref<160000x8xf32, #tpu.memory_space<hbm>>) dst(%dma_wait3A_188 : memref<128x8xf32, #tpu.memory_space<vmem>>)
      %dma_wait3A_194 = arith.constant 128 : i32
      %dma_wait3A_195 = arith.constant 0 : i32
      %dma_wait3A_196 = tpu.memref_slice %arg17[%dma_wait3A_194, %dma_wait3A_195] : memref<2048x8xf32, #tpu.memory_space<vmem>> -> memref<128x8xf32, #tpu.memory_space<vmem>>
      %dma_wait3A_197 = arith.constant 128 : i32
      %dma_wait3A_198 = tpu.memref_slice %arg16[%dma_wait3A_197] : memref<2064xi32, #tpu.memory_space<vmem>> -> memref<128xi32, #tpu.memory_space<vmem>>
      %dma_wait3A_199 = arith.constant 0 : i32
      %dma_wait3A_200 = arith.constant 0 : i32
      %dma_wait3A_201 = tpu.memref_slice %arg3[%dma_wait3A_199, %dma_wait3A_200] : memref<160000x8xf32, #tpu.memory_space<hbm>> -> memref<160000x8xf32, #tpu.memory_space<hbm>>
      tpu.wait_indirect_dma semaphore(%arg21 : memref<!tpu.dma_semaphore, #tpu.memory_space<semaphore_mem>>) src(%dma_wait3A_201 : memref<160000x8xf32, #tpu.memory_space<hbm>>) dst(%dma_wait3A_196 : memref<128x8xf32, #tpu.memory_space<vmem>>)
      %dma_wait3A_202 = arith.constant 256 : i32
      %dma_wait3A_203 = arith.constant 0 : i32
      %dma_wait3A_204 = tpu.memref_slice %arg17[%dma_wait3A_202, %dma_wait3A_203] : memref<2048x8xf32, #tpu.memory_space<vmem>> -> memref<128x8xf32, #tpu.memory_space<vmem>>
      %dma_wait3A_205 = arith.constant 256 : i32
      %dma_wait3A_206 = tpu.memref_slice %arg16[%dma_wait3A_205] : memref<2064xi32, #tpu.memory_space<vmem>> -> memref<128xi32, #tpu.memory_space<vmem>>
      %dma_wait3A_207 = arith.constant 0 : i32
      %dma_wait3A_208 = arith.constant 0 : i32
      %dma_wait3A_209 = tpu.memref_slice %arg3[%dma_wait3A_207, %dma_wait3A_208] : memref<160000x8xf32, #tpu.memory_space<hbm>> -> memref<160000x8xf32, #tpu.memory_space<hbm>>
      tpu.wait_indirect_dma semaphore(%arg21 : memref<!tpu.dma_semaphore, #tpu.memory_space<semaphore_mem>>) src(%dma_wait3A_209 : memref<160000x8xf32, #tpu.memory_space<hbm>>) dst(%dma_wait3A_204 : memref<128x8xf32, #tpu.memory_space<vmem>>)
      %dma_wait3A_210 = arith.constant 384 : i32
      %dma_wait3A_211 = arith.constant 0 : i32
      %dma_wait3A_212 = tpu.memref_slice %arg17[%dma_wait3A_210, %dma_wait3A_211] : memref<2048x8xf32, #tpu.memory_space<vmem>> -> memref<128x8xf32, #tpu.memory_space<vmem>>
      %dma_wait3A_213 = arith.constant 384 : i32
      %dma_wait3A_214 = tpu.memref_slice %arg16[%dma_wait3A_213] : memref<2064xi32, #tpu.memory_space<vmem>> -> memref<128xi32, #tpu.memory_space<vmem>>
      %dma_wait3A_215 = arith.constant 0 : i32
      %dma_wait3A_216 = arith.constant 0 : i32
      %dma_wait3A_217 = tpu.memref_slice %arg3[%dma_wait3A_215, %dma_wait3A_216] : memref<160000x8xf32, #tpu.memory_space<hbm>> -> memref<160000x8xf32, #tpu.memory_space<hbm>>
      tpu.wait_indirect_dma semaphore(%arg21 : memref<!tpu.dma_semaphore, #tpu.memory_space<semaphore_mem>>) src(%dma_wait3A_217 : memref<160000x8xf32, #tpu.memory_space<hbm>>) dst(%dma_wait3A_212 : memref<128x8xf32, #tpu.memory_space<vmem>>)
      %dma_wait3A_218 = arith.constant 512 : i32
      %dma_wait3A_219 = arith.constant 0 : i32
      %dma_wait3A_220 = tpu.memref_slice %arg17[%dma_wait3A_218, %dma_wait3A_219] : memref<2048x8xf32, #tpu.memory_space<vmem>> -> memref<128x8xf32, #tpu.memory_space<vmem>>
      %dma_wait3A_221 = arith.constant 512 : i32
      %dma_wait3A_222 = tpu.memref_slice %arg16[%dma_wait3A_221] : memref<2064xi32, #tpu.memory_space<vmem>> -> memref<128xi32, #tpu.memory_space<vmem>>
      %dma_wait3A_223 = arith.constant 0 : i32
      %dma_wait3A_224 = arith.constant 0 : i32
      %dma_wait3A_225 = tpu.memref_slice %arg3[%dma_wait3A_223, %dma_wait3A_224] : memref<160000x8xf32, #tpu.memory_space<hbm>> -> memref<160000x8xf32, #tpu.memory_space<hbm>>
      tpu.wait_indirect_dma semaphore(%arg21 : memref<!tpu.dma_semaphore, #tpu.memory_space<semaphore_mem>>) src(%dma_wait3A_225 : memref<160000x8xf32, #tpu.memory_space<hbm>>) dst(%dma_wait3A_220 : memref<128x8xf32, #tpu.memory_space<vmem>>)
      %dma_wait3A_226 = arith.constant 640 : i32
      %dma_wait3A_227 = arith.constant 0 : i32
      %dma_wait3A_228 = tpu.memref_slice %arg17[%dma_wait3A_226, %dma_wait3A_227] : memref<2048x8xf32, #tpu.memory_space<vmem>> -> memref<128x8xf32, #tpu.memory_space<vmem>>
      %dma_wait3A_229 = arith.constant 640 : i32
      %dma_wait3A_230 = tpu.memref_slice %arg16[%dma_wait3A_229] : memref<2064xi32, #tpu.memory_space<vmem>> -> memref<128xi32, #tpu.memory_space<vmem>>
      %dma_wait3A_231 = arith.constant 0 : i32
      %dma_wait3A_232 = arith.constant 0 : i32
      %dma_wait3A_233 = tpu.memref_slice %arg3[%dma_wait3A_231, %dma_wait3A_232] : memref<160000x8xf32, #tpu.memory_space<hbm>> -> memref<160000x8xf32, #tpu.memory_space<hbm>>
      tpu.wait_indirect_dma semaphore(%arg21 : memref<!tpu.dma_semaphore, #tpu.memory_space<semaphore_mem>>) src(%dma_wait3A_233 : memref<160000x8xf32, #tpu.memory_space<hbm>>) dst(%dma_wait3A_228 : memref<128x8xf32, #tpu.memory_space<vmem>>)
      %dma_wait3A_234 = arith.constant 768 : i32
      %dma_wait3A_235 = arith.constant 0 : i32
      %dma_wait3A_236 = tpu.memref_slice %arg17[%dma_wait3A_234, %dma_wait3A_235] : memref<2048x8xf32, #tpu.memory_space<vmem>> -> memref<128x8xf32, #tpu.memory_space<vmem>>
      %dma_wait3A_237 = arith.constant 768 : i32
      %dma_wait3A_238 = tpu.memref_slice %arg16[%dma_wait3A_237] : memref<2064xi32, #tpu.memory_space<vmem>> -> memref<128xi32, #tpu.memory_space<vmem>>
      %dma_wait3A_239 = arith.constant 0 : i32
      %dma_wait3A_240 = arith.constant 0 : i32
      %dma_wait3A_241 = tpu.memref_slice %arg3[%dma_wait3A_239, %dma_wait3A_240] : memref<160000x8xf32, #tpu.memory_space<hbm>> -> memref<160000x8xf32, #tpu.memory_space<hbm>>
      tpu.wait_indirect_dma semaphore(%arg21 : memref<!tpu.dma_semaphore, #tpu.memory_space<semaphore_mem>>) src(%dma_wait3A_241 : memref<160000x8xf32, #tpu.memory_space<hbm>>) dst(%dma_wait3A_236 : memref<128x8xf32, #tpu.memory_space<vmem>>)
      %dma_wait3A_242 = arith.constant 896 : i32
      %dma_wait3A_243 = arith.constant 0 : i32
      %dma_wait3A_244 = tpu.memref_slice %arg17[%dma_wait3A_242, %dma_wait3A_243] : memref<2048x8xf32, #tpu.memory_space<vmem>> -> memref<128x8xf32, #tpu.memory_space<vmem>>
      %dma_wait3A_245 = arith.constant 896 : i32
      %dma_wait3A_246 = tpu.memref_slice %arg16[%dma_wait3A_245] : memref<2064xi32, #tpu.memory_space<vmem>> -> memref<128xi32, #tpu.memory_space<vmem>>
      %dma_wait3A_247 = arith.constant 0 : i32
      %dma_wait3A_248 = arith.constant 0 : i32
      %dma_wait3A_249 = tpu.memref_slice %arg3[%dma_wait3A_247, %dma_wait3A_248] : memref<160000x8xf32, #tpu.memory_space<hbm>> -> memref<160000x8xf32, #tpu.memory_space<hbm>>
      tpu.wait_indirect_dma semaphore(%arg21 : memref<!tpu.dma_semaphore, #tpu.memory_space<semaphore_mem>>) src(%dma_wait3A_249 : memref<160000x8xf32, #tpu.memory_space<hbm>>) dst(%dma_wait3A_244 : memref<128x8xf32, #tpu.memory_space<vmem>>)
      %dma_wait3A_250 = arith.constant 1024 : i32
      %dma_wait3A_251 = arith.constant 0 : i32
      %dma_wait3A_252 = tpu.memref_slice %arg17[%dma_wait3A_250, %dma_wait3A_251] : memref<2048x8xf32, #tpu.memory_space<vmem>> -> memref<128x8xf32, #tpu.memory_space<vmem>>
      %dma_wait3A_253 = arith.constant 1024 : i32
      %dma_wait3A_254 = tpu.memref_slice %arg16[%dma_wait3A_253] : memref<2064xi32, #tpu.memory_space<vmem>> -> memref<128xi32, #tpu.memory_space<vmem>>
      %dma_wait3A_255 = arith.constant 0 : i32
      %dma_wait3A_256 = arith.constant 0 : i32
      %dma_wait3A_257 = tpu.memref_slice %arg3[%dma_wait3A_255, %dma_wait3A_256] : memref<160000x8xf32, #tpu.memory_space<hbm>> -> memref<160000x8xf32, #tpu.memory_space<hbm>>
      tpu.wait_indirect_dma semaphore(%arg21 : memref<!tpu.dma_semaphore, #tpu.memory_space<semaphore_mem>>) src(%dma_wait3A_257 : memref<160000x8xf32, #tpu.memory_space<hbm>>) dst(%dma_wait3A_252 : memref<128x8xf32, #tpu.memory_space<vmem>>)
      %dma_wait3A_258 = arith.constant 1152 : i32
      %dma_wait3A_259 = arith.constant 0 : i32
      %dma_wait3A_260 = tpu.memref_slice %arg17[%dma_wait3A_258, %dma_wait3A_259] : memref<2048x8xf32, #tpu.memory_space<vmem>> -> memref<128x8xf32, #tpu.memory_space<vmem>>
      %dma_wait3A_261 = arith.constant 1152 : i32
      %dma_wait3A_262 = tpu.memref_slice %arg16[%dma_wait3A_261] : memref<2064xi32, #tpu.memory_space<vmem>> -> memref<128xi32, #tpu.memory_space<vmem>>
      %dma_wait3A_263 = arith.constant 0 : i32
      %dma_wait3A_264 = arith.constant 0 : i32
      %dma_wait3A_265 = tpu.memref_slice %arg3[%dma_wait3A_263, %dma_wait3A_264] : memref<160000x8xf32, #tpu.memory_space<hbm>> -> memref<160000x8xf32, #tpu.memory_space<hbm>>
      tpu.wait_indirect_dma semaphore(%arg21 : memref<!tpu.dma_semaphore, #tpu.memory_space<semaphore_mem>>) src(%dma_wait3A_265 : memref<160000x8xf32, #tpu.memory_space<hbm>>) dst(%dma_wait3A_260 : memref<128x8xf32, #tpu.memory_space<vmem>>)
      %dma_wait3A_266 = arith.constant 1280 : i32
      %dma_wait3A_267 = arith.constant 0 : i32
      %dma_wait3A_268 = tpu.memref_slice %arg17[%dma_wait3A_266, %dma_wait3A_267] : memref<2048x8xf32, #tpu.memory_space<vmem>> -> memref<128x8xf32, #tpu.memory_space<vmem>>
      %dma_wait3A_269 = arith.constant 1280 : i32
      %dma_wait3A_270 = tpu.memref_slice %arg16[%dma_wait3A_269] : memref<2064xi32, #tpu.memory_space<vmem>> -> memref<128xi32, #tpu.memory_space<vmem>>
      %dma_wait3A_271 = arith.constant 0 : i32
      %dma_wait3A_272 = arith.constant 0 : i32
      %dma_wait3A_273 = tpu.memref_slice %arg3[%dma_wait3A_271, %dma_wait3A_272] : memref<160000x8xf32, #tpu.memory_space<hbm>> -> memref<160000x8xf32, #tpu.memory_space<hbm>>
      tpu.wait_indirect_dma semaphore(%arg21 : memref<!tpu.dma_semaphore, #tpu.memory_space<semaphore_mem>>) src(%dma_wait3A_273 : memref<160000x8xf32, #tpu.memory_space<hbm>>) dst(%dma_wait3A_268 : memref<128x8xf32, #tpu.memory_space<vmem>>)
      %dma_wait3A_274 = arith.constant 1408 : i32
      %dma_wait3A_275 = arith.constant 0 : i32
      %dma_wait3A_276 = tpu.memref_slice %arg17[%dma_wait3A_274, %dma_wait3A_275] : memref<2048x8xf32, #tpu.memory_space<vmem>> -> memref<128x8xf32, #tpu.memory_space<vmem>>
      %dma_wait3A_277 = arith.constant 1408 : i32
      %dma_wait3A_278 = tpu.memref_slice %arg16[%dma_wait3A_277] : memref<2064xi32, #tpu.memory_space<vmem>> -> memref<128xi32, #tpu.memory_space<vmem>>
      %dma_wait3A_279 = arith.constant 0 : i32
      %dma_wait3A_280 = arith.constant 0 : i32
      %dma_wait3A_281 = tpu.memref_slice %arg3[%dma_wait3A_279, %dma_wait3A_280] : memref<160000x8xf32, #tpu.memory_space<hbm>> -> memref<160000x8xf32, #tpu.memory_space<hbm>>
      tpu.wait_indirect_dma semaphore(%arg21 : memref<!tpu.dma_semaphore, #tpu.memory_space<semaphore_mem>>) src(%dma_wait3A_281 : memref<160000x8xf32, #tpu.memory_space<hbm>>) dst(%dma_wait3A_276 : memref<128x8xf32, #tpu.memory_space<vmem>>)
      %dma_wait3A_282 = arith.constant 1536 : i32
      %dma_wait3A_283 = arith.constant 0 : i32
      %dma_wait3A_284 = tpu.memref_slice %arg17[%dma_wait3A_282, %dma_wait3A_283] : memref<2048x8xf32, #tpu.memory_space<vmem>> -> memref<128x8xf32, #tpu.memory_space<vmem>>
      %dma_wait3A_285 = arith.constant 1536 : i32
      %dma_wait3A_286 = tpu.memref_slice %arg16[%dma_wait3A_285] : memref<2064xi32, #tpu.memory_space<vmem>> -> memref<128xi32, #tpu.memory_space<vmem>>
      %dma_wait3A_287 = arith.constant 0 : i32
      %dma_wait3A_288 = arith.constant 0 : i32
      %dma_wait3A_289 = tpu.memref_slice %arg3[%dma_wait3A_287, %dma_wait3A_288] : memref<160000x8xf32, #tpu.memory_space<hbm>> -> memref<160000x8xf32, #tpu.memory_space<hbm>>
      tpu.wait_indirect_dma semaphore(%arg21 : memref<!tpu.dma_semaphore, #tpu.memory_space<semaphore_mem>>) src(%dma_wait3A_289 : memref<160000x8xf32, #tpu.memory_space<hbm>>) dst(%dma_wait3A_284 : memref<128x8xf32, #tpu.memory_space<vmem>>)
      %dma_wait3A_290 = arith.constant 1664 : i32
      %dma_wait3A_291 = arith.constant 0 : i32
      %dma_wait3A_292 = tpu.memref_slice %arg17[%dma_wait3A_290, %dma_wait3A_291] : memref<2048x8xf32, #tpu.memory_space<vmem>> -> memref<128x8xf32, #tpu.memory_space<vmem>>
      %dma_wait3A_293 = arith.constant 1664 : i32
      %dma_wait3A_294 = tpu.memref_slice %arg16[%dma_wait3A_293] : memref<2064xi32, #tpu.memory_space<vmem>> -> memref<128xi32, #tpu.memory_space<vmem>>
      %dma_wait3A_295 = arith.constant 0 : i32
      %dma_wait3A_296 = arith.constant 0 : i32
      %dma_wait3A_297 = tpu.memref_slice %arg3[%dma_wait3A_295, %dma_wait3A_296] : memref<160000x8xf32, #tpu.memory_space<hbm>> -> memref<160000x8xf32, #tpu.memory_space<hbm>>
      tpu.wait_indirect_dma semaphore(%arg21 : memref<!tpu.dma_semaphore, #tpu.memory_space<semaphore_mem>>) src(%dma_wait3A_297 : memref<160000x8xf32, #tpu.memory_space<hbm>>) dst(%dma_wait3A_292 : memref<128x8xf32, #tpu.memory_space<vmem>>)
      %dma_wait3A_298 = arith.constant 1792 : i32
      %dma_wait3A_299 = arith.constant 0 : i32
      %dma_wait3A_300 = tpu.memref_slice %arg17[%dma_wait3A_298, %dma_wait3A_299] : memref<2048x8xf32, #tpu.memory_space<vmem>> -> memref<128x8xf32, #tpu.memory_space<vmem>>
      %dma_wait3A_301 = arith.constant 1792 : i32
      %dma_wait3A_302 = tpu.memref_slice %arg16[%dma_wait3A_301] : memref<2064xi32, #tpu.memory_space<vmem>> -> memref<128xi32, #tpu.memory_space<vmem>>
      %dma_wait3A_303 = arith.constant 0 : i32
      %dma_wait3A_304 = arith.constant 0 : i32
      %dma_wait3A_305 = tpu.memref_slice %arg3[%dma_wait3A_303, %dma_wait3A_304] : memref<160000x8xf32, #tpu.memory_space<hbm>> -> memref<160000x8xf32, #tpu.memory_space<hbm>>
      tpu.wait_indirect_dma semaphore(%arg21 : memref<!tpu.dma_semaphore, #tpu.memory_space<semaphore_mem>>) src(%dma_wait3A_305 : memref<160000x8xf32, #tpu.memory_space<hbm>>) dst(%dma_wait3A_300 : memref<128x8xf32, #tpu.memory_space<vmem>>)
      %dma_wait3A_306 = arith.constant 1920 : i32
      %dma_wait3A_307 = arith.constant 0 : i32
      %dma_wait3A_308 = tpu.memref_slice %arg17[%dma_wait3A_306, %dma_wait3A_307] : memref<2048x8xf32, #tpu.memory_space<vmem>> -> memref<128x8xf32, #tpu.memory_space<vmem>>
      %dma_wait3A_309 = arith.constant 1920 : i32
      %dma_wait3A_310 = tpu.memref_slice %arg16[%dma_wait3A_309] : memref<2064xi32, #tpu.memory_space<vmem>> -> memref<128xi32, #tpu.memory_space<vmem>>
      %dma_wait3A_311 = arith.constant 0 : i32
      %dma_wait3A_312 = arith.constant 0 : i32
      %dma_wait3A_313 = tpu.memref_slice %arg3[%dma_wait3A_311, %dma_wait3A_312] : memref<160000x8xf32, #tpu.memory_space<hbm>> -> memref<160000x8xf32, #tpu.memory_space<hbm>>
      tpu.wait_indirect_dma semaphore(%arg21 : memref<!tpu.dma_semaphore, #tpu.memory_space<semaphore_mem>>) src(%dma_wait3A_313 : memref<160000x8xf32, #tpu.memory_space<hbm>>) dst(%dma_wait3A_308 : memref<128x8xf32, #tpu.memory_space<vmem>>)
      %scan3A_314 = arith.constant 0 : i32
      %scan3A_315 = arith.constant 0 : i32
      %scan3A_316 = arith.constant 128 : i32
      %scan3A_317 = arith.addi %scan3A_315, %scan3A_316 : i32
      %scan3A_318 = arith.constant 1 : i32
      %scan3A_319 = scf.for %scan3A_407 = %scan3A_315 to %scan3A_317 step %scan3A_318 iter_args(%scan3A_408 = %scan3A_314) -> (i32)  : i32 {
        %mul3A_409 = arith.constant 16 : i32
        %mul3A_410 = arith.muli %scan3A_407, %mul3A_409 : i32
        %add3A_411 = vector.broadcast %mul3A_410 : i32 to vector<16xi32>
        %add3A_412 = arith.addi %iota3A, %add3A_411 : vector<16xi32>
        %broadcast_in_dim3A_413 = arith.constant 0 : i32
        %broadcast_in_dim3A_414 = vector.broadcast %broadcast_in_dim3A_413 : i32 to vector<16xi32>
        %gather3A = tpu.vector_load_idx %arg17[%add3A_412, %broadcast_in_dim3A_414] : memref<2048x8xf32, #tpu.memory_space<vmem>>[vector<16xi32>, vector<16xi32>], vector<16xf32>,
        %mul3A_415 = arith.constant 16 : i32
        %mul3A_416 = arith.muli %scan3A_407, %mul3A_415 : i32
        %swap3A = arith.index_cast %mul3A_416 : i32 to index
        %swap3A_417 = tpu.vector_load %arg10[%swap3A] {strides = array<i32>} : memref<2064xf32, #tpu.memory_space<vmem>>, vector<16xf32>,
        tpu.vector_store %arg10[%swap3A], %gather3A {strides = array<i32>} : memref<2064xf32, #tpu.memory_space<vmem>>, vector<16xf32>,
        %broadcast_in_dim3A_418 = arith.constant 1 : i32
        %broadcast_in_dim3A_419 = vector.broadcast %broadcast_in_dim3A_418 : i32 to vector<16xi32>
        %gather3A_420 = tpu.vector_load_idx %arg17[%add3A_412, %broadcast_in_dim3A_419] : memref<2048x8xf32, #tpu.memory_space<vmem>>[vector<16xi32>, vector<16xi32>], vector<16xf32>,
        %mul3A_421 = arith.constant 16 : i32
        %mul3A_422 = arith.muli %scan3A_407, %mul3A_421 : i32
        %swap3A_423 = arith.index_cast %mul3A_422 : i32 to index
        %swap3A_424 = tpu.vector_load %arg11[%swap3A_423] {strides = array<i32>} : memref<2064xf32, #tpu.memory_space<vmem>>, vector<16xf32>,
        tpu.vector_store %arg11[%swap3A_423], %gather3A_420 {strides = array<i32>} : memref<2064xf32, #tpu.memory_space<vmem>>, vector<16xf32>,
        %broadcast_in_dim3A_425 = arith.constant 2 : i32
        %broadcast_in_dim3A_426 = vector.broadcast %broadcast_in_dim3A_425 : i32 to vector<16xi32>
        %gather3A_427 = tpu.vector_load_idx %arg17[%add3A_412, %broadcast_in_dim3A_426] : memref<2048x8xf32, #tpu.memory_space<vmem>>[vector<16xi32>, vector<16xi32>], vector<16xf32>,
        %mul3A_428 = arith.constant 16 : i32
        %mul3A_429 = arith.muli %scan3A_407, %mul3A_428 : i32
        %swap3A_430 = arith.index_cast %mul3A_429 : i32 to index
        %swap3A_431 = tpu.vector_load %arg12[%swap3A_430] {strides = array<i32>} : memref<2064xf32, #tpu.memory_space<vmem>>, vector<16xf32>,
        tpu.vector_store %arg12[%swap3A_430], %gather3A_427 {strides = array<i32>} : memref<2064xf32, #tpu.memory_space<vmem>>, vector<16xf32>,
        %broadcast_in_dim3A_432 = arith.constant 3 : i32
        %broadcast_in_dim3A_433 = vector.broadcast %broadcast_in_dim3A_432 : i32 to vector<16xi32>
        %gather3A_434 = tpu.vector_load_idx %arg17[%add3A_412, %broadcast_in_dim3A_433] : memref<2048x8xf32, #tpu.memory_space<vmem>>[vector<16xi32>, vector<16xi32>], vector<16xf32>,
        %mul3A_435 = arith.constant 16 : i32
        %mul3A_436 = arith.muli %scan3A_407, %mul3A_435 : i32
        %swap3A_437 = arith.index_cast %mul3A_436 : i32 to index
        %swap3A_438 = tpu.vector_load %arg13[%swap3A_437] {strides = array<i32>} : memref<2064xf32, #tpu.memory_space<vmem>>, vector<16xf32>,
        tpu.vector_store %arg13[%swap3A_437], %gather3A_434 {strides = array<i32>} : memref<2064xf32, #tpu.memory_space<vmem>>, vector<16xf32>,
        %broadcast_in_dim3A_439 = arith.constant 4 : i32
        %broadcast_in_dim3A_440 = vector.broadcast %broadcast_in_dim3A_439 : i32 to vector<16xi32>
        %gather3A_441 = tpu.vector_load_idx %arg17[%add3A_412, %broadcast_in_dim3A_440] : memref<2048x8xf32, #tpu.memory_space<vmem>>[vector<16xi32>, vector<16xi32>], vector<16xf32>,
        %mul3A_442 = arith.constant 16 : i32
        %mul3A_443 = arith.muli %scan3A_407, %mul3A_442 : i32
        %swap3A_444 = arith.index_cast %mul3A_443 : i32 to index
        %swap3A_445 = tpu.vector_load %arg14[%swap3A_444] {strides = array<i32>} : memref<2064xf32, #tpu.memory_space<vmem>>, vector<16xf32>,
        tpu.vector_store %arg14[%swap3A_444], %gather3A_441 {strides = array<i32>} : memref<2064xf32, #tpu.memory_space<vmem>>, vector<16xf32>,
        %scan3A_446 = arith.constant 0 : i32
        scf.yield %scan3A_446 : i32
      }
      %scan3A_320 = arith.constant 128 : i32
      %broadcast_in_dim3A_321 = arith.constant -2.000000e+00 : f32
      %broadcast_in_dim3A_322 = vector.broadcast %broadcast_in_dim3A_321 : f32 to vector<16xf32>
      %scan3A_323 = arith.constant 0 : i32
      %scan3A_324 = arith.constant 128 : i32
      %scan3A_325 = arith.addi %scan3A_323, %scan3A_324 : i32
      %scan3A_326 = arith.constant 1 : i32
      %scan3A_327:2 = scf.for %scan3A_407 = %scan3A_323 to %scan3A_325 step %scan3A_326 iter_args(%scan3A_408 = %broadcast_in_dim3A_322, %scan3A_409 = %broadcast_in_dim3A_5) -> (vector<16xf32>, vector<16xi32>)  : i32 {
        %mul3A_410 = arith.constant 16 : i32
        %mul3A_411 = arith.muli %scan3A_407, %mul3A_410 : i32
        %get3A = arith.index_cast %mul3A_411 : i32 to index
        %get3A_412 = tpu.vector_load %arg9[%get3A] {strides = array<i32>} : memref<2064xf32, #tpu.memory_space<vmem>>, vector<16xf32>,
        %gt3A_413 = arith.cmpf ogt, %get3A_412, %scan3A_408 : vector<16xf32>
        %max3A = arith.maximumf %get3A_412, %scan3A_408 : vector<16xf32>
        %broadcast_in_dim3A_414 = vector.broadcast %scan3A_407 : i32 to vector<16xi32>
        %select_n3A_415 = arith.select %gt3A_413, %broadcast_in_dim3A_414, %scan3A_409 : vector<16xi1>, vector<16xi32>
        scf.yield %max3A, %select_n3A_415 : vector<16xf32>, vector<16xi32>
      }
      %scan3A_328 = arith.constant 128 : i32
      %reduce_max3A = arith.constant true
      %reduce_max3A_329 = vector.broadcast %reduce_max3A : i1 to vector<16xi1>
      %reduce_max3A_330 = tpu.scan <max>, %scan3A_327#0 masked %reduce_max3A_329 : vector<16xf32>, vector<16xi1> -> vector<16xf32>
      %reduce_max3A_331 = vector.extract %reduce_max3A_330[15] : f32 from vector<16xf32>
      %eq3A = vector.broadcast %reduce_max3A_331 : f32 to vector<16xf32>
      %eq3A_332 = arith.cmpf oeq, %scan3A_327#0, %eq3A : vector<16xf32>
      %mul3A_333 = arith.constant 16 : i32
      %mul3A_334 = vector.broadcast %mul3A_333 : i32 to vector<16xi32>
      %mul3A_335 = arith.muli %scan3A_327#1, %mul3A_334 : vector<16xi32>
      %add3A_336 = arith.addi %mul3A_335, %iota3A : vector<16xi32>
      %jit3A = arith.constant 20000 : i32
      %broadcast_in_dim3A_337 = vector.broadcast %jit3A : i32 to vector<16xi32>
      %select_n3A = arith.select %eq3A_332, %add3A_336, %broadcast_in_dim3A_337 : vector<16xi1>, vector<16xi32>
      %reduce_min3A = arith.constant true
      %reduce_min3A_338 = vector.broadcast %reduce_min3A : i1 to vector<16xi1>
      %reduce_min3A_339 = arith.constant -2147483648 : i32
      %reduce_min3A_340 = vector.broadcast %reduce_min3A_339 : i32 to vector<16xi32>
      %reduce_min3A_341 = arith.xori %select_n3A, %reduce_min3A_340 : vector<16xi32>
      %reduce_min3A_342 = tpu.scan <min>, %reduce_min3A_341 masked %reduce_min3A_338 : vector<16xi32>, vector<16xi1> -> vector<16xi32>
      %reduce_min3A_343 = arith.xori %reduce_min3A_342, %reduce_min3A_340 : vector<16xi32>
      %reduce_min3A_344 = vector.extract %reduce_min3A_343[15] : i32 from vector<16xi32>
      %while3A = arith.constant 0 : i32
      %while3A_345 = arith.constant 128 : i32
      %while3A_346:4 = scf.while (%while3A_407 = %while3A, %while3A_408 = %reduce_min3A_344, %while3A_409 = %reduce_max3A_331, %while3A_410 = %while3A_345) : (i32, i32, f32, i32) -> (i32, i32, f32, i32) {
        %lt3A_411 = arith.constant 300 : i32
        %lt3A_412 = arith.cmpi slt, %while3A_407, %lt3A_411 : i32
        %gt3A_413 = arith.constant 0.000000e+00 : f32
        %gt3A_414 = arith.cmpf ogt, %while3A_409, %gt3A_413 : f32
        %and3A = arith.andi %lt3A_412, %gt3A_414 : i1
        scf.condition(%and3A) %while3A_407, %while3A_408, %while3A_409, %while3A_410 : i32, i32, f32, i32
      } do {
      ^bb0(%while3A_407: i32, %while3A_408: i32, %while3A_409: f32, %while3A_410: i32):
        %eq3A_411 = arith.constant 16 : i32
        %eq3A_412 = arith.cmpi eq, %while3A_407, %eq3A_411 : i32
        %eq3A_413 = arith.constant 48 : i32
        %eq3A_414 = arith.cmpi eq, %while3A_407, %eq3A_413 : i32
        %or3A = arith.ori %eq3A_412, %eq3A_414 : i1
        %eq3A_415 = arith.constant 96 : i32
        %eq3A_416 = arith.cmpi eq, %while3A_407, %eq3A_415 : i32
        %or3A_417 = arith.ori %or3A, %eq3A_416 : i1
        %eq3A_418 = arith.constant 160 : i32
        %eq3A_419 = arith.cmpi eq, %while3A_407, %eq3A_418 : i32
        %or3A_420 = arith.ori %or3A_417, %eq3A_419 : i1
        %convert_element_type3A_421 = arith.extui %or3A_420 : i1 to i32
        %cond3A_422 = arith.constant 0 : i32
        %cond3A_423 = arith.cmpi ne, %convert_element_type3A_421, %cond3A_422 : i32
        %cond3A_424:3 = scf.if %cond3A_423 -> (i32, f32, i32) {
          %while3A_581 = arith.constant 0 : i32
          %while3A_582 = arith.constant 0 : i32
          %while3A_583 = arith.subi %while3A_410, %while3A_581 : i32
          %while3A_584 = arith.addi %while3A_581, %while3A_583 : i32
          %while3A_585 = arith.constant 1 : i32
          %while3A_586 = arith.divsi %while3A_583, %while3A_585 : i32
          %while3A_587 = arith.muli %while3A_586, %while3A_585 : i32
          %while3A_588 = arith.addi %while3A_581, %while3A_587 : i32
          %while3A_589 = arith.constant 1 : i32
          %while3A_590 = scf.for %while3A_655 = %while3A_581 to %while3A_588 step %while3A_589 iter_args(%while3A_656 = %while3A_582) -> (i32)  : i32 {
            %mul3A_657 = arith.constant 16 : i32
            %mul3A_658 = arith.muli %while3A_655, %mul3A_657 : i32
            %get3A = arith.index_cast %mul3A_658 : i32 to index
            %get3A_659 = tpu.vector_load %arg9[%get3A] {strides = array<i32>} : memref<2064xf32, #tpu.memory_space<vmem>>, vector<16xf32>,
            %gt3A_660 = arith.constant 0.000000e+00 : f32
            %gt3A_661 = vector.broadcast %gt3A_660 : f32 to vector<16xf32>
            %gt3A_662 = arith.cmpf ogt, %get3A_659, %gt3A_661 : vector<16xf32>
            %swap3A = arith.index_cast %while3A_656 : i32 to index
            %swap3A_663 = tpu.vector_load %arg9[%swap3A] masked %gt3A_662 {strides = array<i32>} : memref<2064xf32, #tpu.memory_space<vmem>>, vector<16xf32>, vector<16xi1>
            tpu.vector_store %arg9[%swap3A], %get3A_659 masked %gt3A_662 {strides = array<i32>} : memref<2064xf32, #tpu.memory_space<vmem>>, vector<16xf32>, vector<16xi1>
            %mul3A_664 = arith.constant 16 : i32
            %mul3A_665 = arith.muli %while3A_655, %mul3A_664 : i32
            %get3A_666 = arith.index_cast %mul3A_665 : i32 to index
            %get3A_667 = tpu.vector_load %arg10[%get3A_666] {strides = array<i32>} : memref<2064xf32, #tpu.memory_space<vmem>>, vector<16xf32>,
            %swap3A_668 = arith.index_cast %while3A_656 : i32 to index
            %swap3A_669 = tpu.vector_load %arg10[%swap3A_668] masked %gt3A_662 {strides = array<i32>} : memref<2064xf32, #tpu.memory_space<vmem>>, vector<16xf32>, vector<16xi1>
            tpu.vector_store %arg10[%swap3A_668], %get3A_667 masked %gt3A_662 {strides = array<i32>} : memref<2064xf32, #tpu.memory_space<vmem>>, vector<16xf32>, vector<16xi1>
            %mul3A_670 = arith.constant 16 : i32
            %mul3A_671 = arith.muli %while3A_655, %mul3A_670 : i32
            %get3A_672 = arith.index_cast %mul3A_671 : i32 to index
            %get3A_673 = tpu.vector_load %arg11[%get3A_672] {strides = array<i32>} : memref<2064xf32, #tpu.memory_space<vmem>>, vector<16xf32>,
            %swap3A_674 = arith.index_cast %while3A_656 : i32 to index
            %swap3A_675 = tpu.vector_load %arg11[%swap3A_674] masked %gt3A_662 {strides = array<i32>} : memref<2064xf32, #tpu.memory_space<vmem>>, vector<16xf32>, vector<16xi1>
            tpu.vector_store %arg11[%swap3A_674], %get3A_673 masked %gt3A_662 {strides = array<i32>} : memref<2064xf32, #tpu.memory_space<vmem>>, vector<16xf32>, vector<16xi1>
            %mul3A_676 = arith.constant 16 : i32
            %mul3A_677 = arith.muli %while3A_655, %mul3A_676 : i32
            %get3A_678 = arith.index_cast %mul3A_677 : i32 to index
            %get3A_679 = tpu.vector_load %arg12[%get3A_678] {strides = array<i32>} : memref<2064xf32, #tpu.memory_space<vmem>>, vector<16xf32>,
            %swap3A_680 = arith.index_cast %while3A_656 : i32 to index
            %swap3A_681 = tpu.vector_load %arg12[%swap3A_680] masked %gt3A_662 {strides = array<i32>} : memref<2064xf32, #tpu.memory_space<vmem>>, vector<16xf32>, vector<16xi1>
            tpu.vector_store %arg12[%swap3A_680], %get3A_679 masked %gt3A_662 {strides = array<i32>} : memref<2064xf32, #tpu.memory_space<vmem>>, vector<16xf32>, vector<16xi1>
            %mul3A_682 = arith.constant 16 : i32
            %mul3A_683 = arith.muli %while3A_655, %mul3A_682 : i32
            %get3A_684 = arith.index_cast %mul3A_683 : i32 to index
            %get3A_685 = tpu.vector_load %arg13[%get3A_684] {strides = array<i32>} : memref<2064xf32, #tpu.memory_space<vmem>>, vector<16xf32>,
            %swap3A_686 = arith.index_cast %while3A_656 : i32 to index
            %swap3A_687 = tpu.vector_load %arg13[%swap3A_686] masked %gt3A_662 {strides = array<i32>} : memref<2064xf32, #tpu.memory_space<vmem>>, vector<16xf32>, vector<16xi1>
            tpu.vector_store %arg13[%swap3A_686], %get3A_685 masked %gt3A_662 {strides = array<i32>} : memref<2064xf32, #tpu.memory_space<vmem>>, vector<16xf32>, vector<16xi1>
            %mul3A_688 = arith.constant 16 : i32
            %mul3A_689 = arith.muli %while3A_655, %mul3A_688 : i32
            %get3A_690 = arith.index_cast %mul3A_689 : i32 to index
            %get3A_691 = tpu.vector_load %arg14[%get3A_690] {strides = array<i32>} : memref<2064xf32, #tpu.memory_space<vmem>>, vector<16xf32>,
            %swap3A_692 = arith.index_cast %while3A_656 : i32 to index
            %swap3A_693 = tpu.vector_load %arg14[%swap3A_692] masked %gt3A_662 {strides = array<i32>} : memref<2064xf32, #tpu.memory_space<vmem>>, vector<16xf32>, vector<16xi1>
            tpu.vector_store %arg14[%swap3A_692], %get3A_691 masked %gt3A_662 {strides = array<i32>} : memref<2064xf32, #tpu.memory_space<vmem>>, vector<16xf32>, vector<16xi1>
            %mul3A_694 = arith.constant 16 : i32
            %mul3A_695 = arith.muli %while3A_655, %mul3A_694 : i32
            %get3A_696 = arith.index_cast %mul3A_695 : i32 to index
            %get3A_697 = tpu.vector_load %arg15[%get3A_696] {strides = array<i32>} : memref<2064xi32, #tpu.memory_space<vmem>>, vector<16xi32>,
            %swap3A_698 = arith.index_cast %while3A_656 : i32 to index
            %swap3A_699 = tpu.vector_load %arg15[%swap3A_698] masked %gt3A_662 {strides = array<i32>} : memref<2064xi32, #tpu.memory_space<vmem>>, vector<16xi32>, vector<16xi1>
            tpu.vector_store %arg15[%swap3A_698], %get3A_697 masked %gt3A_662 {strides = array<i32>} : memref<2064xi32, #tpu.memory_space<vmem>>, vector<16xi32>, vector<16xi1>
            %jit3A_700 = arith.constant 1 : i32
            %jit3A_701 = arith.constant 0 : i32
            %broadcast_in_dim3A_702 = vector.broadcast %jit3A_700 : i32 to vector<16xi32>
            %broadcast_in_dim3A_703 = vector.broadcast %jit3A_701 : i32 to vector<16xi32>
            %select_n3A_704 = arith.select %gt3A_662, %broadcast_in_dim3A_702, %broadcast_in_dim3A_703 : vector<16xi1>, vector<16xi32>
            %reduce_sum3A_705 = arith.constant true
            %reduce_sum3A_706 = vector.broadcast %reduce_sum3A_705 : i1 to vector<16xi1>
            %reduce_sum3A_707 = tpu.scan <sum>, %select_n3A_704 masked %reduce_sum3A_706 : vector<16xi32>, vector<16xi1> -> vector<16xi32>
            %reduce_sum3A_708 = vector.extract %reduce_sum3A_707[15] : i32 from vector<16xi32>
            %add3A_709 = arith.addi %while3A_656, %reduce_sum3A_708 : i32
            scf.yield %add3A_709 : i32
          }
          %while3A_591 = arith.constant 1 : i32
          %while3A_592 = scf.for %while3A_655 = %while3A_588 to %while3A_584 step %while3A_591 iter_args(%while3A_656 = %while3A_590) -> (i32)  : i32 {
            %mul3A_657 = arith.constant 16 : i32
            %mul3A_658 = arith.muli %while3A_655, %mul3A_657 : i32
            %get3A = arith.index_cast %mul3A_658 : i32 to index
            %get3A_659 = tpu.vector_load %arg9[%get3A] {strides = array<i32>} : memref<2064xf32, #tpu.memory_space<vmem>>, vector<16xf32>,
            %gt3A_660 = arith.constant 0.000000e+00 : f32
            %gt3A_661 = vector.broadcast %gt3A_660 : f32 to vector<16xf32>
            %gt3A_662 = arith.cmpf ogt, %get3A_659, %gt3A_661 : vector<16xf32>
            %swap3A = arith.index_cast %while3A_656 : i32 to index
            %swap3A_663 = tpu.vector_load %arg9[%swap3A] masked %gt3A_662 {strides = array<i32>} : memref<2064xf32, #tpu.memory_space<vmem>>, vector<16xf32>, vector<16xi1>
            tpu.vector_store %arg9[%swap3A], %get3A_659 masked %gt3A_662 {strides = array<i32>} : memref<2064xf32, #tpu.memory_space<vmem>>, vector<16xf32>, vector<16xi1>
            %mul3A_664 = arith.constant 16 : i32
            %mul3A_665 = arith.muli %while3A_655, %mul3A_664 : i32
            %get3A_666 = arith.index_cast %mul3A_665 : i32 to index
            %get3A_667 = tpu.vector_load %arg10[%get3A_666] {strides = array<i32>} : memref<2064xf32, #tpu.memory_space<vmem>>, vector<16xf32>,
            %swap3A_668 = arith.index_cast %while3A_656 : i32 to index
            %swap3A_669 = tpu.vector_load %arg10[%swap3A_668] masked %gt3A_662 {strides = array<i32>} : memref<2064xf32, #tpu.memory_space<vmem>>, vector<16xf32>, vector<16xi1>
            tpu.vector_store %arg10[%swap3A_668], %get3A_667 masked %gt3A_662 {strides = array<i32>} : memref<2064xf32, #tpu.memory_space<vmem>>, vector<16xf32>, vector<16xi1>
            %mul3A_670 = arith.constant 16 : i32
            %mul3A_671 = arith.muli %while3A_655, %mul3A_670 : i32
            %get3A_672 = arith.index_cast %mul3A_671 : i32 to index
            %get3A_673 = tpu.vector_load %arg11[%get3A_672] {strides = array<i32>} : memref<2064xf32, #tpu.memory_space<vmem>>, vector<16xf32>,
            %swap3A_674 = arith.index_cast %while3A_656 : i32 to index
            %swap3A_675 = tpu.vector_load %arg11[%swap3A_674] masked %gt3A_662 {strides = array<i32>} : memref<2064xf32, #tpu.memory_space<vmem>>, vector<16xf32>, vector<16xi1>
            tpu.vector_store %arg11[%swap3A_674], %get3A_673 masked %gt3A_662 {strides = array<i32>} : memref<2064xf32, #tpu.memory_space<vmem>>, vector<16xf32>, vector<16xi1>
            %mul3A_676 = arith.constant 16 : i32
            %mul3A_677 = arith.muli %while3A_655, %mul3A_676 : i32
            %get3A_678 = arith.index_cast %mul3A_677 : i32 to index
            %get3A_679 = tpu.vector_load %arg12[%get3A_678] {strides = array<i32>} : memref<2064xf32, #tpu.memory_space<vmem>>, vector<16xf32>,
            %swap3A_680 = arith.index_cast %while3A_656 : i32 to index
            %swap3A_681 = tpu.vector_load %arg12[%swap3A_680] masked %gt3A_662 {strides = array<i32>} : memref<2064xf32, #tpu.memory_space<vmem>>, vector<16xf32>, vector<16xi1>
            tpu.vector_store %arg12[%swap3A_680], %get3A_679 masked %gt3A_662 {strides = array<i32>} : memref<2064xf32, #tpu.memory_space<vmem>>, vector<16xf32>, vector<16xi1>
            %mul3A_682 = arith.constant 16 : i32
            %mul3A_683 = arith.muli %while3A_655, %mul3A_682 : i32
            %get3A_684 = arith.index_cast %mul3A_683 : i32 to index
            %get3A_685 = tpu.vector_load %arg13[%get3A_684] {strides = array<i32>} : memref<2064xf32, #tpu.memory_space<vmem>>, vector<16xf32>,
            %swap3A_686 = arith.index_cast %while3A_656 : i32 to index
            %swap3A_687 = tpu.vector_load %arg13[%swap3A_686] masked %gt3A_662 {strides = array<i32>} : memref<2064xf32, #tpu.memory_space<vmem>>, vector<16xf32>, vector<16xi1>
            tpu.vector_store %arg13[%swap3A_686], %get3A_685 masked %gt3A_662 {strides = array<i32>} : memref<2064xf32, #tpu.memory_space<vmem>>, vector<16xf32>, vector<16xi1>
            %mul3A_688 = arith.constant 16 : i32
            %mul3A_689 = arith.muli %while3A_655, %mul3A_688 : i32
            %get3A_690 = arith.index_cast %mul3A_689 : i32 to index
            %get3A_691 = tpu.vector_load %arg14[%get3A_690] {strides = array<i32>} : memref<2064xf32, #tpu.memory_space<vmem>>, vector<16xf32>,
            %swap3A_692 = arith.index_cast %while3A_656 : i32 to index
            %swap3A_693 = tpu.vector_load %arg14[%swap3A_692] masked %gt3A_662 {strides = array<i32>} : memref<2064xf32, #tpu.memory_space<vmem>>, vector<16xf32>, vector<16xi1>
            tpu.vector_store %arg14[%swap3A_692], %get3A_691 masked %gt3A_662 {strides = array<i32>} : memref<2064xf32, #tpu.memory_space<vmem>>, vector<16xf32>, vector<16xi1>
            %mul3A_694 = arith.constant 16 : i32
            %mul3A_695 = arith.muli %while3A_655, %mul3A_694 : i32
            %get3A_696 = arith.index_cast %mul3A_695 : i32 to index
            %get3A_697 = tpu.vector_load %arg15[%get3A_696] {strides = array<i32>} : memref<2064xi32, #tpu.memory_space<vmem>>, vector<16xi32>,
            %swap3A_698 = arith.index_cast %while3A_656 : i32 to index
            %swap3A_699 = tpu.vector_load %arg15[%swap3A_698] masked %gt3A_662 {strides = array<i32>} : memref<2064xi32, #tpu.memory_space<vmem>>, vector<16xi32>, vector<16xi1>
            tpu.vector_store %arg15[%swap3A_698], %get3A_697 masked %gt3A_662 {strides = array<i32>} : memref<2064xi32, #tpu.memory_space<vmem>>, vector<16xi32>, vector<16xi1>
            %jit3A_700 = arith.constant 1 : i32
            %jit3A_701 = arith.constant 0 : i32
            %broadcast_in_dim3A_702 = vector.broadcast %jit3A_700 : i32 to vector<16xi32>
            %broadcast_in_dim3A_703 = vector.broadcast %jit3A_701 : i32 to vector<16xi32>
            %select_n3A_704 = arith.select %gt3A_662, %broadcast_in_dim3A_702, %broadcast_in_dim3A_703 : vector<16xi1>, vector<16xi32>
            %reduce_sum3A_705 = arith.constant true
            %reduce_sum3A_706 = vector.broadcast %reduce_sum3A_705 : i1 to vector<16xi1>
            %reduce_sum3A_707 = tpu.scan <sum>, %select_n3A_704 masked %reduce_sum3A_706 : vector<16xi32>, vector<16xi1> -> vector<16xi32>
            %reduce_sum3A_708 = vector.extract %reduce_sum3A_707[15] : i32 from vector<16xi32>
            %add3A_709 = arith.addi %while3A_656, %reduce_sum3A_708 : i32
            scf.yield %add3A_709 : i32
          }
          %add3A_593 = arith.constant 16 : i32
          %add3A_594 = arith.addi %while3A_592, %add3A_593 : i32
          %sub3A_595 = arith.constant 1 : i32
          %sub3A_596 = arith.subi %add3A_594, %sub3A_595 : i32
          %jit3A_597 = arith.constant 16 : i32
          %div3A = arith.divsi %sub3A_596, %jit3A_597 : i32
          %sign3A = arith.constant 0 : i32
          %sign3A_598 = arith.cmpi sgt, %sub3A_596, %sign3A : i32
          %sign3A_599 = arith.extui %sign3A_598 : i1 to i32
          %sign3A_600 = arith.constant 0 : i32
          %sign3A_601 = arith.cmpi slt, %sub3A_596, %sign3A_600 : i32
          %sign3A_602 = arith.extui %sign3A_601 : i1 to i32
          %sign3A_603 = arith.subi %sign3A_599, %sign3A_602 : i32
          %sign3A_604 = arith.constant 0 : i32
          %sign3A_605 = arith.cmpi sgt, %jit3A_597, %sign3A_604 : i32
          %sign3A_606 = arith.extui %sign3A_605 : i1 to i32
          %sign3A_607 = arith.constant 0 : i32
          %sign3A_608 = arith.cmpi slt, %jit3A_597, %sign3A_607 : i32
          %sign3A_609 = arith.extui %sign3A_608 : i1 to i32
          %sign3A_610 = arith.subi %sign3A_606, %sign3A_609 : i32
          %ne3A = arith.cmpi ne, %sign3A_603, %sign3A_610 : i32
          %rem3A = arith.remsi %sub3A_596, %jit3A_597 : i32
          %ne3A_611 = arith.constant 0 : i32
          %ne3A_612 = arith.cmpi ne, %rem3A, %ne3A_611 : i32
          %and3A = arith.andi %ne3A, %ne3A_612 : i1
          %sub3A_613 = arith.constant 1 : i32
          %sub3A_614 = arith.subi %div3A, %sub3A_613 : i32
          %select_n3A_615 = arith.select %and3A, %sub3A_614, %div3A : i32
          %gt3A_616 = arith.constant 0 : i32
          %gt3A_617 = arith.cmpi sgt, %while3A_592, %gt3A_616 : i32
          %convert_element_type3A_618 = arith.extui %gt3A_617 : i1 to i32
          %cond3A_619 = arith.constant 0 : i32
          %cond3A_620 = arith.cmpi ne, %convert_element_type3A_618, %cond3A_619 : i32
          scf.if %cond3A_620 {
            %sub3A_655 = arith.constant 1 : i32
            %sub3A_656 = arith.subi %select_n3A_615, %sub3A_655 : i32
            %mul3A_657 = arith.constant 16 : i32
            %mul3A_658 = arith.muli %sub3A_656, %mul3A_657 : i32
            %get3A = arith.index_cast %mul3A_658 : i32 to index
            %get3A_659 = tpu.vector_load %arg9[%get3A] {strides = array<i32>} : memref<2064xf32, #tpu.memory_space<vmem>>, vector<16xf32>,
            %sub3A_660 = arith.constant 1 : i32
            %sub3A_661 = arith.subi %select_n3A_615, %sub3A_660 : i32
            %mul3A_662 = arith.constant 16 : i32
            %mul3A_663 = arith.muli %sub3A_661, %mul3A_662 : i32
            %add3A_664 = vector.broadcast %mul3A_663 : i32 to vector<16xi32>
            %add3A_665 = arith.addi %add3A_664, %iota3A : vector<16xi32>
            %ge3A = vector.broadcast %while3A_592 : i32 to vector<16xi32>
            %ge3A_666 = arith.cmpi sge, %add3A_665, %ge3A : vector<16xi32>
            %jit3A_667 = arith.constant -1.000000e+00 : f32
            %broadcast_in_dim3A_668 = vector.broadcast %jit3A_667 : f32 to vector<16xf32>
            %select_n3A_669 = arith.select %ge3A_666, %broadcast_in_dim3A_668, %get3A_659 : vector<16xi1>, vector<16xf32>
            %swap3A = arith.index_cast %mul3A_658 : i32 to index
            %swap3A_670 = tpu.vector_load %arg9[%swap3A] {strides = array<i32>} : memref<2064xf32, #tpu.memory_space<vmem>>, vector<16xf32>,
            tpu.vector_store %arg9[%swap3A], %select_n3A_669 {strides = array<i32>} : memref<2064xf32, #tpu.memory_space<vmem>>, vector<16xf32>,
          } else {
          }
          %broadcast_in_dim3A_621 = arith.constant -2.000000e+00 : f32
          %broadcast_in_dim3A_622 = vector.broadcast %broadcast_in_dim3A_621 : f32 to vector<16xf32>
          %while3A_623 = arith.constant 0 : i32
          %while3A_624 = arith.subi %select_n3A_615, %while3A_623 : i32
          %while3A_625 = arith.addi %while3A_623, %while3A_624 : i32
          %while3A_626 = arith.constant 1 : i32
          %while3A_627 = arith.divsi %while3A_624, %while3A_626 : i32
          %while3A_628 = arith.muli %while3A_627, %while3A_626 : i32
          %while3A_629 = arith.addi %while3A_623, %while3A_628 : i32
          %while3A_630 = arith.constant 1 : i32
          %while3A_631:2 = scf.for %while3A_655 = %while3A_623 to %while3A_629 step %while3A_630 iter_args(%while3A_656 = %broadcast_in_dim3A_622, %while3A_657 = %broadcast_in_dim3A_5) -> (vector<16xf32>, vector<16xi32>)  : i32 {
            %mul3A_658 = arith.constant 16 : i32
            %mul3A_659 = arith.muli %while3A_655, %mul3A_658 : i32
            %get3A = arith.index_cast %mul3A_659 : i32 to index
            %get3A_660 = tpu.vector_load %arg9[%get3A] {strides = array<i32>} : memref<2064xf32, #tpu.memory_space<vmem>>, vector<16xf32>,
            %gt3A_661 = arith.cmpf ogt, %get3A_660, %while3A_656 : vector<16xf32>
            %max3A = arith.maximumf %get3A_660, %while3A_656 : vector<16xf32>
            %broadcast_in_dim3A_662 = vector.broadcast %while3A_655 : i32 to vector<16xi32>
            %select_n3A_663 = arith.select %gt3A_661, %broadcast_in_dim3A_662, %while3A_657 : vector<16xi1>, vector<16xi32>
            scf.yield %max3A, %select_n3A_663 : vector<16xf32>, vector<16xi32>
          }
          %while3A_632 = arith.constant 1 : i32
          %while3A_633:2 = scf.for %while3A_655 = %while3A_629 to %while3A_625 step %while3A_632 iter_args(%while3A_656 = %while3A_631#0, %while3A_657 = %while3A_631#1) -> (vector<16xf32>, vector<16xi32>)  : i32 {
            %mul3A_658 = arith.constant 16 : i32
            %mul3A_659 = arith.muli %while3A_655, %mul3A_658 : i32
            %get3A = arith.index_cast %mul3A_659 : i32 to index
            %get3A_660 = tpu.vector_load %arg9[%get3A] {strides = array<i32>} : memref<2064xf32, #tpu.memory_space<vmem>>, vector<16xf32>,
            %gt3A_661 = arith.cmpf ogt, %get3A_660, %while3A_656 : vector<16xf32>
            %max3A = arith.maximumf %get3A_660, %while3A_656 : vector<16xf32>
            %broadcast_in_dim3A_662 = vector.broadcast %while3A_655 : i32 to vector<16xi32>
            %select_n3A_663 = arith.select %gt3A_661, %broadcast_in_dim3A_662, %while3A_657 : vector<16xi1>, vector<16xi32>
            scf.yield %max3A, %select_n3A_663 : vector<16xf32>, vector<16xi32>
          }
          %reduce_max3A_634 = arith.constant true
          %reduce_max3A_635 = vector.broadcast %reduce_max3A_634 : i1 to vector<16xi1>
          %reduce_max3A_636 = tpu.scan <max>, %while3A_633#0 masked %reduce_max3A_635 : vector<16xf32>, vector<16xi1> -> vector<16xf32>
          %reduce_max3A_637 = vector.extract %reduce_max3A_636[15] : f32 from vector<16xf32>
          %eq3A_638 = vector.broadcast %reduce_max3A_637 : f32 to vector<16xf32>
          %eq3A_639 = arith.cmpf oeq, %while3A_633#0, %eq3A_638 : vector<16xf32>
          %mul3A_640 = arith.constant 16 : i32
          %mul3A_641 = vector.broadcast %mul3A_640 : i32 to vector<16xi32>
          %mul3A_642 = arith.muli %while3A_633#1, %mul3A_641 : vector<16xi32>
          %add3A_643 = arith.addi %mul3A_642, %iota3A : vector<16xi32>
          %jit3A_644 = arith.constant 20000 : i32
          %broadcast_in_dim3A_645 = vector.broadcast %jit3A_644 : i32 to vector<16xi32>
          %select_n3A_646 = arith.select %eq3A_639, %add3A_643, %broadcast_in_dim3A_645 : vector<16xi1>, vector<16xi32>
          %reduce_min3A_647 = arith.constant true
          %reduce_min3A_648 = vector.broadcast %reduce_min3A_647 : i1 to vector<16xi1>
          %reduce_min3A_649 = arith.constant -2147483648 : i32
          %reduce_min3A_650 = vector.broadcast %reduce_min3A_649 : i32 to vector<16xi32>
          %reduce_min3A_651 = arith.xori %select_n3A_646, %reduce_min3A_650 : vector<16xi32>
          %reduce_min3A_652 = tpu.scan <min>, %reduce_min3A_651 masked %reduce_min3A_648 : vector<16xi32>, vector<16xi1> -> vector<16xi32>
          %reduce_min3A_653 = arith.xori %reduce_min3A_652, %reduce_min3A_650 : vector<16xi32>
          %reduce_min3A_654 = vector.extract %reduce_min3A_653[15] : i32 from vector<16xi32>
          scf.yield %reduce_min3A_654, %reduce_max3A_637, %select_n3A_615 : i32, f32, i32
        } else {
          scf.yield %while3A_408, %while3A_409, %while3A_410 : i32, f32, i32
        }
        %broadcast_in_dim3A_425 = vector.broadcast %cond3A_424#0 : i32 to vector<16xi32>
        %gather3A = tpu.vector_load_idx %arg10[%broadcast_in_dim3A_425] : memref<2064xf32, #tpu.memory_space<vmem>>[vector<16xi32>], vector<16xf32>,
        %reduce_max3A_426 = arith.constant true
        %reduce_max3A_427 = vector.broadcast %reduce_max3A_426 : i1 to vector<16xi1>
        %reduce_max3A_428 = tpu.scan <max>, %gather3A masked %reduce_max3A_427 : vector<16xf32>, vector<16xi1> -> vector<16xf32>
        %reduce_max3A_429 = vector.extract %reduce_max3A_428[15] : f32 from vector<16xf32>
        %broadcast_in_dim3A_430 = vector.broadcast %cond3A_424#0 : i32 to vector<16xi32>
        %gather3A_431 = tpu.vector_load_idx %arg11[%broadcast_in_dim3A_430] : memref<2064xf32, #tpu.memory_space<vmem>>[vector<16xi32>], vector<16xf32>,
        %reduce_max3A_432 = arith.constant true
        %reduce_max3A_433 = vector.broadcast %reduce_max3A_432 : i1 to vector<16xi1>
        %reduce_max3A_434 = tpu.scan <max>, %gather3A_431 masked %reduce_max3A_433 : vector<16xf32>, vector<16xi1> -> vector<16xf32>
        %reduce_max3A_435 = vector.extract %reduce_max3A_434[15] : f32 from vector<16xf32>
        %broadcast_in_dim3A_436 = vector.broadcast %cond3A_424#0 : i32 to vector<16xi32>
        %gather3A_437 = tpu.vector_load_idx %arg12[%broadcast_in_dim3A_436] : memref<2064xf32, #tpu.memory_space<vmem>>[vector<16xi32>], vector<16xf32>,
        %reduce_max3A_438 = arith.constant true
        %reduce_max3A_439 = vector.broadcast %reduce_max3A_438 : i1 to vector<16xi1>
        %reduce_max3A_440 = tpu.scan <max>, %gather3A_437 masked %reduce_max3A_439 : vector<16xf32>, vector<16xi1> -> vector<16xf32>
        %reduce_max3A_441 = vector.extract %reduce_max3A_440[15] : f32 from vector<16xf32>
        %broadcast_in_dim3A_442 = vector.broadcast %cond3A_424#0 : i32 to vector<16xi32>
        %gather3A_443 = tpu.vector_load_idx %arg13[%broadcast_in_dim3A_442] : memref<2064xf32, #tpu.memory_space<vmem>>[vector<16xi32>], vector<16xf32>,
        %reduce_max3A_444 = arith.constant true
        %reduce_max3A_445 = vector.broadcast %reduce_max3A_444 : i1 to vector<16xi1>
        %reduce_max3A_446 = tpu.scan <max>, %gather3A_443 masked %reduce_max3A_445 : vector<16xf32>, vector<16xi1> -> vector<16xf32>
        %reduce_max3A_447 = vector.extract %reduce_max3A_446[15] : f32 from vector<16xf32>
        %broadcast_in_dim3A_448 = vector.broadcast %cond3A_424#0 : i32 to vector<16xi32>
        %gather3A_449 = tpu.vector_load_idx %arg14[%broadcast_in_dim3A_448] : memref<2064xf32, #tpu.memory_space<vmem>>[vector<16xi32>], vector<16xf32>,
        %reduce_max3A_450 = arith.constant true
        %reduce_max3A_451 = vector.broadcast %reduce_max3A_450 : i1 to vector<16xi1>
        %reduce_max3A_452 = tpu.scan <max>, %gather3A_449 masked %reduce_max3A_451 : vector<16xf32>, vector<16xi1> -> vector<16xf32>
        %reduce_max3A_453 = vector.extract %reduce_max3A_452[15] : f32 from vector<16xf32>
        %broadcast_in_dim3A_454 = vector.broadcast %cond3A_424#0 : i32 to vector<16xi32>
        %gather3A_455 = tpu.vector_load_idx %arg15[%broadcast_in_dim3A_454] : memref<2064xi32, #tpu.memory_space<vmem>>[vector<16xi32>], vector<16xi32>,
        %reduce_max3A_456 = arith.constant true
        %reduce_max3A_457 = vector.broadcast %reduce_max3A_456 : i1 to vector<16xi1>
        %reduce_max3A_458 = arith.constant -2147483648 : i32
        %reduce_max3A_459 = vector.broadcast %reduce_max3A_458 : i32 to vector<16xi32>
        %reduce_max3A_460 = arith.xori %gather3A_455, %reduce_max3A_459 : vector<16xi32>
        %reduce_max3A_461 = tpu.scan <max>, %reduce_max3A_460 masked %reduce_max3A_457 : vector<16xi32>, vector<16xi1> -> vector<16xi32>
        %reduce_max3A_462 = arith.xori %reduce_max3A_461, %reduce_max3A_459 : vector<16xi32>
        %reduce_max3A_463 = vector.extract %reduce_max3A_462[15] : i32 from vector<16xi32>
        %sub3A = arith.subf %reduce_max3A_441, %reduce_max3A_429 : f32
        %sub3A_464 = arith.subf %reduce_max3A_447, %reduce_max3A_435 : f32
        %mul3A_465 = arith.mulf %sub3A, %sub3A_464 : f32
        %mul3A_466 = arith.constant 16 : i32
        %mul3A_467 = arith.muli %while3A_407, %mul3A_466 : i32
        %add3A_468 = arith.constant 0 : i32
        %add3A_469 = arith.addi %mul3A_467, %add3A_468 : i32
        %iota3A_470 = tpu.iota {dimensions = array<i32: 0>} : vector<16xi32>
        %broadcast_in_dim3A_471 = vector.broadcast %add3A_469 : i32 to vector<16xi32>
        %broadcast_in_dim3A_472 = vector.broadcast %reduce_max3A_429 : f32 to vector<16xf32>
        %eq3A_473 = arith.constant 0 : i32
        %eq3A_474 = vector.broadcast %eq3A_473 : i32 to vector<16xi32>
        %eq3A_475 = arith.cmpi eq, %iota3A_470, %eq3A_474 : vector<16xi32>
        tpu.vector_store_idx %arg19[%broadcast_in_dim3A_471], %broadcast_in_dim3A_472 masked %eq3A_475 : memref<6144xf32, #tpu.memory_space<vmem>>[vector<16xi32>], vector<16xf32>, vector<16xi1>
        %add3A_476 = arith.constant 1 : i32
        %add3A_477 = arith.addi %mul3A_467, %add3A_476 : i32
        %iota3A_478 = tpu.iota {dimensions = array<i32: 0>} : vector<16xi32>
        %broadcast_in_dim3A_479 = vector.broadcast %add3A_477 : i32 to vector<16xi32>
        %broadcast_in_dim3A_480 = vector.broadcast %reduce_max3A_435 : f32 to vector<16xf32>
        %eq3A_481 = arith.constant 0 : i32
        %eq3A_482 = vector.broadcast %eq3A_481 : i32 to vector<16xi32>
        %eq3A_483 = arith.cmpi eq, %iota3A_478, %eq3A_482 : vector<16xi32>
        tpu.vector_store_idx %arg19[%broadcast_in_dim3A_479], %broadcast_in_dim3A_480 masked %eq3A_483 : memref<6144xf32, #tpu.memory_space<vmem>>[vector<16xi32>], vector<16xf32>, vector<16xi1>
        %add3A_484 = arith.constant 2 : i32
        %add3A_485 = arith.addi %mul3A_467, %add3A_484 : i32
        %iota3A_486 = tpu.iota {dimensions = array<i32: 0>} : vector<16xi32>
        %broadcast_in_dim3A_487 = vector.broadcast %add3A_485 : i32 to vector<16xi32>
        %broadcast_in_dim3A_488 = vector.broadcast %reduce_max3A_441 : f32 to vector<16xf32>
        %eq3A_489 = arith.constant 0 : i32
        %eq3A_490 = vector.broadcast %eq3A_489 : i32 to vector<16xi32>
        %eq3A_491 = arith.cmpi eq, %iota3A_486, %eq3A_490 : vector<16xi32>
        tpu.vector_store_idx %arg19[%broadcast_in_dim3A_487], %broadcast_in_dim3A_488 masked %eq3A_491 : memref<6144xf32, #tpu.memory_space<vmem>>[vector<16xi32>], vector<16xf32>, vector<16xi1>
        %add3A_492 = arith.constant 3 : i32
        %add3A_493 = arith.addi %mul3A_467, %add3A_492 : i32
        %iota3A_494 = tpu.iota {dimensions = array<i32: 0>} : vector<16xi32>
        %broadcast_in_dim3A_495 = vector.broadcast %add3A_493 : i32 to vector<16xi32>
        %broadcast_in_dim3A_496 = vector.broadcast %reduce_max3A_447 : f32 to vector<16xf32>
        %eq3A_497 = arith.constant 0 : i32
        %eq3A_498 = vector.broadcast %eq3A_497 : i32 to vector<16xi32>
        %eq3A_499 = arith.cmpi eq, %iota3A_494, %eq3A_498 : vector<16xi32>
        tpu.vector_store_idx %arg19[%broadcast_in_dim3A_495], %broadcast_in_dim3A_496 masked %eq3A_499 : memref<6144xf32, #tpu.memory_space<vmem>>[vector<16xi32>], vector<16xf32>, vector<16xi1>
        %add3A_500 = arith.constant 4 : i32
        %add3A_501 = arith.addi %mul3A_467, %add3A_500 : i32
        %iota3A_502 = tpu.iota {dimensions = array<i32: 0>} : vector<16xi32>
        %broadcast_in_dim3A_503 = vector.broadcast %add3A_501 : i32 to vector<16xi32>
        %broadcast_in_dim3A_504 = vector.broadcast %cond3A_424#1 : f32 to vector<16xf32>
        %eq3A_505 = arith.constant 0 : i32
        %eq3A_506 = vector.broadcast %eq3A_505 : i32 to vector<16xi32>
        %eq3A_507 = arith.cmpi eq, %iota3A_502, %eq3A_506 : vector<16xi32>
        tpu.vector_store_idx %arg19[%broadcast_in_dim3A_503], %broadcast_in_dim3A_504 masked %eq3A_507 : memref<6144xf32, #tpu.memory_space<vmem>>[vector<16xi32>], vector<16xf32>, vector<16xi1>
        %add3A_508 = arith.constant 5 : i32
        %add3A_509 = arith.addi %mul3A_467, %add3A_508 : i32
        %iota3A_510 = tpu.iota {dimensions = array<i32: 0>} : vector<16xi32>
        %broadcast_in_dim3A_511 = vector.broadcast %add3A_509 : i32 to vector<16xi32>
        %broadcast_in_dim3A_512 = vector.broadcast %reduce_max3A_453 : f32 to vector<16xf32>
        %eq3A_513 = arith.constant 0 : i32
        %eq3A_514 = vector.broadcast %eq3A_513 : i32 to vector<16xi32>
        %eq3A_515 = arith.cmpi eq, %iota3A_510, %eq3A_514 : vector<16xi32>
        tpu.vector_store_idx %arg19[%broadcast_in_dim3A_511], %broadcast_in_dim3A_512 masked %eq3A_515 : memref<6144xf32, #tpu.memory_space<vmem>>[vector<16xi32>], vector<16xf32>, vector<16xi1>
        %mul3A_516 = arith.constant 20000 : i32
        %mul3A_517 = arith.muli %add3A, %mul3A_516 : i32
        %add3A_518 = arith.addi %reduce_max3A_463, %mul3A_517 : i32
        %iota3A_519 = tpu.iota {dimensions = array<i32: 0>} : vector<16xi32>
        %broadcast_in_dim3A_520 = vector.broadcast %while3A_407 : i32 to vector<16xi32>
        %broadcast_in_dim3A_521 = vector.broadcast %add3A_518 : i32 to vector<16xi32>
        %eq3A_522 = arith.constant 0 : i32
        %eq3A_523 = vector.broadcast %eq3A_522 : i32 to vector<16xi32>
        %eq3A_524 = arith.cmpi eq, %iota3A_519, %eq3A_523 : vector<16xi32>
        tpu.vector_store_idx %arg18[%broadcast_in_dim3A_520], %broadcast_in_dim3A_521 masked %eq3A_524 : memref<384xi32, #tpu.memory_space<vmem>>[vector<16xi32>], vector<16xi32>, vector<16xi1>
        %broadcast_in_dim3A_525 = arith.constant 0.000000e+00 : f32
        %broadcast_in_dim3A_526 = vector.broadcast %broadcast_in_dim3A_525 : f32 to vector<16xf32>
        %add3A_527 = vector.broadcast %reduce_max3A_429 : f32 to vector<16xf32>
        %add3A_528 = arith.addf %broadcast_in_dim3A_526, %add3A_527 : vector<16xf32>
        %broadcast_in_dim3A_529 = arith.constant 0.000000e+00 : f32
        %broadcast_in_dim3A_530 = vector.broadcast %broadcast_in_dim3A_529 : f32 to vector<16xf32>
        %add3A_531 = vector.broadcast %reduce_max3A_435 : f32 to vector<16xf32>
        %add3A_532 = arith.addf %broadcast_in_dim3A_530, %add3A_531 : vector<16xf32>
        %broadcast_in_dim3A_533 = arith.constant 0.000000e+00 : f32
        %broadcast_in_dim3A_534 = vector.broadcast %broadcast_in_dim3A_533 : f32 to vector<16xf32>
        %add3A_535 = vector.broadcast %reduce_max3A_441 : f32 to vector<16xf32>
        %add3A_536 = arith.addf %broadcast_in_dim3A_534, %add3A_535 : vector<16xf32>
        %broadcast_in_dim3A_537 = arith.constant 0.000000e+00 : f32
        %broadcast_in_dim3A_538 = vector.broadcast %broadcast_in_dim3A_537 : f32 to vector<16xf32>
        %add3A_539 = vector.broadcast %reduce_max3A_447 : f32 to vector<16xf32>
        %add3A_540 = arith.addf %broadcast_in_dim3A_538, %add3A_539 : vector<16xf32>
        %broadcast_in_dim3A_541 = arith.constant 0.000000e+00 : f32
        %broadcast_in_dim3A_542 = vector.broadcast %broadcast_in_dim3A_541 : f32 to vector<16xf32>
        %add3A_543 = vector.broadcast %mul3A_465 : f32 to vector<16xf32>
        %add3A_544 = arith.addf %broadcast_in_dim3A_542, %add3A_543 : vector<16xf32>
        %broadcast_in_dim3A_545 = arith.constant -2.000000e+00 : f32
        %broadcast_in_dim3A_546 = vector.broadcast %broadcast_in_dim3A_545 : f32 to vector<16xf32>
        %while3A_547 = arith.constant 0 : i32
        %while3A_548 = arith.subi %cond3A_424#2, %while3A_547 : i32
        %while3A_549 = arith.addi %while3A_547, %while3A_548 : i32
        %while3A_550 = arith.constant 1 : i32
        %while3A_551 = arith.divsi %while3A_548, %while3A_550 : i32
        %while3A_552 = arith.muli %while3A_551, %while3A_550 : i32
        %while3A_553 = arith.addi %while3A_547, %while3A_552 : i32
        %while3A_554 = arith.constant 1 : i32
        %while3A_555:2 = scf.for %while3A_581 = %while3A_547 to %while3A_553 step %while3A_554 iter_args(%while3A_582 = %broadcast_in_dim3A_546, %while3A_583 = %broadcast_in_dim3A_5) -> (vector<16xf32>, vector<16xi32>)  : i32 {
          %mul3A_584 = arith.constant 16 : i32
          %mul3A_585 = arith.muli %while3A_581, %mul3A_584 : i32
          %get3A = arith.index_cast %mul3A_585 : i32 to index
          %get3A_586 = tpu.vector_load %arg9[%get3A] {strides = array<i32>} : memref<2064xf32, #tpu.memory_space<vmem>>, vector<16xf32>,
          %get3A_587 = arith.index_cast %mul3A_585 : i32 to index
          %get3A_588 = tpu.vector_load %arg10[%get3A_587] {strides = array<i32>} : memref<2064xf32, #tpu.memory_space<vmem>>, vector<16xf32>,
          %get3A_589 = arith.index_cast %mul3A_585 : i32 to index
          %get3A_590 = tpu.vector_load %arg11[%get3A_589] {strides = array<i32>} : memref<2064xf32, #tpu.memory_space<vmem>>, vector<16xf32>,
          %get3A_591 = arith.index_cast %mul3A_585 : i32 to index
          %get3A_592 = tpu.vector_load %arg12[%get3A_591] {strides = array<i32>} : memref<2064xf32, #tpu.memory_space<vmem>>, vector<16xf32>,
          %get3A_593 = arith.index_cast %mul3A_585 : i32 to index
          %get3A_594 = tpu.vector_load %arg13[%get3A_593] {strides = array<i32>} : memref<2064xf32, #tpu.memory_space<vmem>>, vector<16xf32>,
          %max3A = arith.maximumf %add3A_528, %get3A_588 : vector<16xf32>
          %max3A_595 = arith.maximumf %add3A_532, %get3A_590 : vector<16xf32>
          %min3A = arith.minimumf %add3A_536, %get3A_592 : vector<16xf32>
          %min3A_596 = arith.minimumf %add3A_540, %get3A_594 : vector<16xf32>
          %sub3A_597 = arith.subf %min3A, %max3A : vector<16xf32>
          %max3A_598 = arith.constant 0.000000e+00 : f32
          %max3A_599 = vector.broadcast %max3A_598 : f32 to vector<16xf32>
          %max3A_600 = arith.maximumf %sub3A_597, %max3A_599 : vector<16xf32>
          %sub3A_601 = arith.subf %min3A_596, %max3A_595 : vector<16xf32>
          %max3A_602 = arith.constant 0.000000e+00 : f32
          %max3A_603 = vector.broadcast %max3A_602 : f32 to vector<16xf32>
          %max3A_604 = arith.maximumf %sub3A_601, %max3A_603 : vector<16xf32>
          %mul3A_605 = arith.mulf %max3A_600, %max3A_604 : vector<16xf32>
          %sub3A_606 = arith.subf %get3A_592, %get3A_588 : vector<16xf32>
          %sub3A_607 = arith.subf %get3A_594, %get3A_590 : vector<16xf32>
          %mul3A_608 = arith.mulf %sub3A_606, %sub3A_607 : vector<16xf32>
          %add3A_609 = arith.addf %add3A_544, %mul3A_608 : vector<16xf32>
          %sub3A_610 = arith.subf %add3A_609, %mul3A_605 : vector<16xf32>
          %add3A_611 = arith.constant 9.99999971E-10 : f32
          %add3A_612 = vector.broadcast %add3A_611 : f32 to vector<16xf32>
          %add3A_613 = arith.addf %sub3A_610, %add3A_612 : vector<16xf32>
          %div3A = arith.divf %mul3A_605, %add3A_613 : vector<16xf32>
          %gt3A_614 = arith.constant 4.500000e-01 : f32
          %gt3A_615 = vector.broadcast %gt3A_614 : f32 to vector<16xf32>
          %gt3A_616 = arith.cmpf ogt, %div3A, %gt3A_615 : vector<16xf32>
          %jit3A_617 = arith.constant -1.000000e+00 : f32
          %broadcast_in_dim3A_618 = vector.broadcast %jit3A_617 : f32 to vector<16xf32>
          %select_n3A_619 = arith.select %gt3A_616, %broadcast_in_dim3A_618, %get3A_586 : vector<16xi1>, vector<16xf32>
          %swap3A = arith.index_cast %mul3A_585 : i32 to index
          %swap3A_620 = tpu.vector_load %arg9[%swap3A] {strides = array<i32>} : memref<2064xf32, #tpu.memory_space<vmem>>, vector<16xf32>,
          tpu.vector_store %arg9[%swap3A], %select_n3A_619 {strides = array<i32>} : memref<2064xf32, #tpu.memory_space<vmem>>, vector<16xf32>,
          %gt3A_621 = arith.cmpf ogt, %select_n3A_619, %while3A_582 : vector<16xf32>
          %max3A_622 = arith.maximumf %select_n3A_619, %while3A_582 : vector<16xf32>
          %broadcast_in_dim3A_623 = vector.broadcast %while3A_581 : i32 to vector<16xi32>
          %select_n3A_624 = arith.select %gt3A_621, %broadcast_in_dim3A_623, %while3A_583 : vector<16xi1>, vector<16xi32>
          scf.yield %max3A_622, %select_n3A_624 : vector<16xf32>, vector<16xi32>
        }
        %while3A_556 = arith.constant 1 : i32
        %while3A_557:2 = scf.for %while3A_581 = %while3A_553 to %while3A_549 step %while3A_556 iter_args(%while3A_582 = %while3A_555#0, %while3A_583 = %while3A_555#1) -> (vector<16xf32>, vector<16xi32>)  : i32 {
          %mul3A_584 = arith.constant 16 : i32
          %mul3A_585 = arith.muli %while3A_581, %mul3A_584 : i32
          %get3A = arith.index_cast %mul3A_585 : i32 to index
          %get3A_586 = tpu.vector_load %arg9[%get3A] {strides = array<i32>} : memref<2064xf32, #tpu.memory_space<vmem>>, vector<16xf32>,
          %get3A_587 = arith.index_cast %mul3A_585 : i32 to index
          %get3A_588 = tpu.vector_load %arg10[%get3A_587] {strides = array<i32>} : memref<2064xf32, #tpu.memory_space<vmem>>, vector<16xf32>,
          %get3A_589 = arith.index_cast %mul3A_585 : i32 to index
          %get3A_590 = tpu.vector_load %arg11[%get3A_589] {strides = array<i32>} : memref<2064xf32, #tpu.memory_space<vmem>>, vector<16xf32>,
          %get3A_591 = arith.index_cast %mul3A_585 : i32 to index
          %get3A_592 = tpu.vector_load %arg12[%get3A_591] {strides = array<i32>} : memref<2064xf32, #tpu.memory_space<vmem>>, vector<16xf32>,
          %get3A_593 = arith.index_cast %mul3A_585 : i32 to index
          %get3A_594 = tpu.vector_load %arg13[%get3A_593] {strides = array<i32>} : memref<2064xf32, #tpu.memory_space<vmem>>, vector<16xf32>,
          %max3A = arith.maximumf %add3A_528, %get3A_588 : vector<16xf32>
          %max3A_595 = arith.maximumf %add3A_532, %get3A_590 : vector<16xf32>
          %min3A = arith.minimumf %add3A_536, %get3A_592 : vector<16xf32>
          %min3A_596 = arith.minimumf %add3A_540, %get3A_594 : vector<16xf32>
          %sub3A_597 = arith.subf %min3A, %max3A : vector<16xf32>
          %max3A_598 = arith.constant 0.000000e+00 : f32
          %max3A_599 = vector.broadcast %max3A_598 : f32 to vector<16xf32>
          %max3A_600 = arith.maximumf %sub3A_597, %max3A_599 : vector<16xf32>
          %sub3A_601 = arith.subf %min3A_596, %max3A_595 : vector<16xf32>
          %max3A_602 = arith.constant 0.000000e+00 : f32
          %max3A_603 = vector.broadcast %max3A_602 : f32 to vector<16xf32>
          %max3A_604 = arith.maximumf %sub3A_601, %max3A_603 : vector<16xf32>
          %mul3A_605 = arith.mulf %max3A_600, %max3A_604 : vector<16xf32>
          %sub3A_606 = arith.subf %get3A_592, %get3A_588 : vector<16xf32>
          %sub3A_607 = arith.subf %get3A_594, %get3A_590 : vector<16xf32>
          %mul3A_608 = arith.mulf %sub3A_606, %sub3A_607 : vector<16xf32>
          %add3A_609 = arith.addf %add3A_544, %mul3A_608 : vector<16xf32>
          %sub3A_610 = arith.subf %add3A_609, %mul3A_605 : vector<16xf32>
          %add3A_611 = arith.constant 9.99999971E-10 : f32
          %add3A_612 = vector.broadcast %add3A_611 : f32 to vector<16xf32>
          %add3A_613 = arith.addf %sub3A_610, %add3A_612 : vector<16xf32>
          %div3A = arith.divf %mul3A_605, %add3A_613 : vector<16xf32>
          %gt3A_614 = arith.constant 4.500000e-01 : f32
          %gt3A_615 = vector.broadcast %gt3A_614 : f32 to vector<16xf32>
          %gt3A_616 = arith.cmpf ogt, %div3A, %gt3A_615 : vector<16xf32>
          %jit3A_617 = arith.constant -1.000000e+00 : f32
          %broadcast_in_dim3A_618 = vector.broadcast %jit3A_617 : f32 to vector<16xf32>
          %select_n3A_619 = arith.select %gt3A_616, %broadcast_in_dim3A_618, %get3A_586 : vector<16xi1>, vector<16xf32>
          %swap3A = arith.index_cast %mul3A_585 : i32 to index
          %swap3A_620 = tpu.vector_load %arg9[%swap3A] {strides = array<i32>} : memref<2064xf32, #tpu.memory_space<vmem>>, vector<16xf32>,
          tpu.vector_store %arg9[%swap3A], %select_n3A_619 {strides = array<i32>} : memref<2064xf32, #tpu.memory_space<vmem>>, vector<16xf32>,
          %gt3A_621 = arith.cmpf ogt, %select_n3A_619, %while3A_582 : vector<16xf32>
          %max3A_622 = arith.maximumf %select_n3A_619, %while3A_582 : vector<16xf32>
          %broadcast_in_dim3A_623 = vector.broadcast %while3A_581 : i32 to vector<16xi32>
          %select_n3A_624 = arith.select %gt3A_621, %broadcast_in_dim3A_623, %while3A_583 : vector<16xi1>, vector<16xi32>
          scf.yield %max3A_622, %select_n3A_624 : vector<16xf32>, vector<16xi32>
        }
        %reduce_max3A_558 = arith.constant true
        %reduce_max3A_559 = vector.broadcast %reduce_max3A_558 : i1 to vector<16xi1>
        %reduce_max3A_560 = tpu.scan <max>, %while3A_557#0 masked %reduce_max3A_559 : vector<16xf32>, vector<16xi1> -> vector<16xf32>
        %reduce_max3A_561 = vector.extract %reduce_max3A_560[15] : f32 from vector<16xf32>
        %eq3A_562 = vector.broadcast %reduce_max3A_561 : f32 to vector<16xf32>
        %eq3A_563 = arith.cmpf oeq, %while3A_557#0, %eq3A_562 : vector<16xf32>
        %mul3A_564 = arith.constant 16 : i32
        %mul3A_565 = vector.broadcast %mul3A_564 : i32 to vector<16xi32>
        %mul3A_566 = arith.muli %while3A_557#1, %mul3A_565 : vector<16xi32>
        %add3A_567 = arith.addi %mul3A_566, %iota3A : vector<16xi32>
        %jit3A_568 = arith.constant 20000 : i32
        %broadcast_in_dim3A_569 = vector.broadcast %jit3A_568 : i32 to vector<16xi32>
        %select_n3A_570 = arith.select %eq3A_563, %add3A_567, %broadcast_in_dim3A_569 : vector<16xi1>, vector<16xi32>
        %reduce_min3A_571 = arith.constant true
        %reduce_min3A_572 = vector.broadcast %reduce_min3A_571 : i1 to vector<16xi1>
        %reduce_min3A_573 = arith.constant -2147483648 : i32
        %reduce_min3A_574 = vector.broadcast %reduce_min3A_573 : i32 to vector<16xi32>
        %reduce_min3A_575 = arith.xori %select_n3A_570, %reduce_min3A_574 : vector<16xi32>
        %reduce_min3A_576 = tpu.scan <min>, %reduce_min3A_575 masked %reduce_min3A_572 : vector<16xi32>, vector<16xi1> -> vector<16xi32>
        %reduce_min3A_577 = arith.xori %reduce_min3A_576, %reduce_min3A_574 : vector<16xi32>
        %reduce_min3A_578 = vector.extract %reduce_min3A_577[15] : i32 from vector<16xi32>
        %add3A_579 = arith.constant 1 : i32
        %add3A_580 = arith.addi %while3A_407, %add3A_579 : i32
        scf.yield %add3A_580, %reduce_min3A_578, %reduce_max3A_561, %cond3A_424#2 : i32, i32, f32, i32
      }
      %dma_start3A_347 = arith.constant 0 : i32
      %dma_start3A_348 = arith.constant 0 : i32
      %dma_start3A_349 = tpu.memref_slice %arg20[%dma_start3A_347, %dma_start3A_348] : memref<384x80xf32, #tpu.memory_space<vmem>> -> memref<128x80xf32, #tpu.memory_space<vmem>>
      %dma_start3A_350 = arith.constant 0 : i32
      %dma_start3A_351 = tpu.memref_slice %arg18[%dma_start3A_350] : memref<384xi32, #tpu.memory_space<vmem>> -> memref<128xi32, #tpu.memory_space<vmem>>
      %dma_start3A_352 = arith.constant 0 : i32
      %dma_start3A_353 = arith.constant 0 : i32
      %dma_start3A_354 = tpu.memref_slice %arg4[%dma_start3A_352, %dma_start3A_353] : memref<160000x80xf32, #tpu.memory_space<hbm>> -> memref<160000x80xf32, #tpu.memory_space<hbm>>
      tpu.enqueue_indirect_dma source(%dma_start3A_354 : memref<160000x80xf32, #tpu.memory_space<hbm>>) target(%dma_start3A_349 : memref<128x80xf32, #tpu.memory_space<vmem>>) offsets(%dma_start3A_351 : memref<128xi32, #tpu.memory_space<vmem>>) semaphore(%arg21 : memref<!tpu.dma_semaphore, #tpu.memory_space<semaphore_mem>>)
      %dma_start3A_355 = arith.constant 128 : i32
      %dma_start3A_356 = arith.constant 0 : i32
      %dma_start3A_357 = tpu.memref_slice %arg20[%dma_start3A_355, %dma_start3A_356] : memref<384x80xf32, #tpu.memory_space<vmem>> -> memref<128x80xf32, #tpu.memory_space<vmem>>
      %dma_start3A_358 = arith.constant 128 : i32
      %dma_start3A_359 = tpu.memref_slice %arg18[%dma_start3A_358] : memref<384xi32, #tpu.memory_space<vmem>> -> memref<128xi32, #tpu.memory_space<vmem>>
      %dma_start3A_360 = arith.constant 0 : i32
      %dma_start3A_361 = arith.constant 0 : i32
      %dma_start3A_362 = tpu.memref_slice %arg4[%dma_start3A_360, %dma_start3A_361] : memref<160000x80xf32, #tpu.memory_space<hbm>> -> memref<160000x80xf32, #tpu.memory_space<hbm>>
      tpu.enqueue_indirect_dma source(%dma_start3A_362 : memref<160000x80xf32, #tpu.memory_space<hbm>>) target(%dma_start3A_357 : memref<128x80xf32, #tpu.memory_space<vmem>>) offsets(%dma_start3A_359 : memref<128xi32, #tpu.memory_space<vmem>>) semaphore(%arg21 : memref<!tpu.dma_semaphore, #tpu.memory_space<semaphore_mem>>)
      %dma_start3A_363 = arith.constant 256 : i32
      %dma_start3A_364 = arith.constant 0 : i32
      %dma_start3A_365 = tpu.memref_slice %arg20[%dma_start3A_363, %dma_start3A_364] : memref<384x80xf32, #tpu.memory_space<vmem>> -> memref<128x80xf32, #tpu.memory_space<vmem>>
      %dma_start3A_366 = arith.constant 256 : i32
      %dma_start3A_367 = tpu.memref_slice %arg18[%dma_start3A_366] : memref<384xi32, #tpu.memory_space<vmem>> -> memref<128xi32, #tpu.memory_space<vmem>>
      %dma_start3A_368 = arith.constant 0 : i32
      %dma_start3A_369 = arith.constant 0 : i32
      %dma_start3A_370 = tpu.memref_slice %arg4[%dma_start3A_368, %dma_start3A_369] : memref<160000x80xf32, #tpu.memory_space<hbm>> -> memref<160000x80xf32, #tpu.memory_space<hbm>>
      tpu.enqueue_indirect_dma source(%dma_start3A_370 : memref<160000x80xf32, #tpu.memory_space<hbm>>) target(%dma_start3A_365 : memref<128x80xf32, #tpu.memory_space<vmem>>) offsets(%dma_start3A_367 : memref<128xi32, #tpu.memory_space<vmem>>) semaphore(%arg21 : memref<!tpu.dma_semaphore, #tpu.memory_space<semaphore_mem>>)
      %dma_wait3A_371 = arith.constant 0 : i32
      %dma_wait3A_372 = arith.constant 0 : i32
      %dma_wait3A_373 = tpu.memref_slice %arg20[%dma_wait3A_371, %dma_wait3A_372] : memref<384x80xf32, #tpu.memory_space<vmem>> -> memref<128x80xf32, #tpu.memory_space<vmem>>
      %dma_wait3A_374 = arith.constant 0 : i32
      %dma_wait3A_375 = tpu.memref_slice %arg18[%dma_wait3A_374] : memref<384xi32, #tpu.memory_space<vmem>> -> memref<128xi32, #tpu.memory_space<vmem>>
      %dma_wait3A_376 = arith.constant 0 : i32
      %dma_wait3A_377 = arith.constant 0 : i32
      %dma_wait3A_378 = tpu.memref_slice %arg4[%dma_wait3A_376, %dma_wait3A_377] : memref<160000x80xf32, #tpu.memory_space<hbm>> -> memref<160000x80xf32, #tpu.memory_space<hbm>>
      tpu.wait_indirect_dma semaphore(%arg21 : memref<!tpu.dma_semaphore, #tpu.memory_space<semaphore_mem>>) src(%dma_wait3A_378 : memref<160000x80xf32, #tpu.memory_space<hbm>>) dst(%dma_wait3A_373 : memref<128x80xf32, #tpu.memory_space<vmem>>)
      %dma_wait3A_379 = arith.constant 128 : i32
      %dma_wait3A_380 = arith.constant 0 : i32
      %dma_wait3A_381 = tpu.memref_slice %arg20[%dma_wait3A_379, %dma_wait3A_380] : memref<384x80xf32, #tpu.memory_space<vmem>> -> memref<128x80xf32, #tpu.memory_space<vmem>>
      %dma_wait3A_382 = arith.constant 128 : i32
      %dma_wait3A_383 = tpu.memref_slice %arg18[%dma_wait3A_382] : memref<384xi32, #tpu.memory_space<vmem>> -> memref<128xi32, #tpu.memory_space<vmem>>
      %dma_wait3A_384 = arith.constant 0 : i32
      %dma_wait3A_385 = arith.constant 0 : i32
      %dma_wait3A_386 = tpu.memref_slice %arg4[%dma_wait3A_384, %dma_wait3A_385] : memref<160000x80xf32, #tpu.memory_space<hbm>> -> memref<160000x80xf32, #tpu.memory_space<hbm>>
      tpu.wait_indirect_dma semaphore(%arg21 : memref<!tpu.dma_semaphore, #tpu.memory_space<semaphore_mem>>) src(%dma_wait3A_386 : memref<160000x80xf32, #tpu.memory_space<hbm>>) dst(%dma_wait3A_381 : memref<128x80xf32, #tpu.memory_space<vmem>>)
      %dma_wait3A_387 = arith.constant 256 : i32
      %dma_wait3A_388 = arith.constant 0 : i32
      %dma_wait3A_389 = tpu.memref_slice %arg20[%dma_wait3A_387, %dma_wait3A_388] : memref<384x80xf32, #tpu.memory_space<vmem>> -> memref<128x80xf32, #tpu.memory_space<vmem>>
      %dma_wait3A_390 = arith.constant 256 : i32
      %dma_wait3A_391 = tpu.memref_slice %arg18[%dma_wait3A_390] : memref<384xi32, #tpu.memory_space<vmem>> -> memref<128xi32, #tpu.memory_space<vmem>>
      %dma_wait3A_392 = arith.constant 0 : i32
      %dma_wait3A_393 = arith.constant 0 : i32
      %dma_wait3A_394 = tpu.memref_slice %arg4[%dma_wait3A_392, %dma_wait3A_393] : memref<160000x80xf32, #tpu.memory_space<hbm>> -> memref<160000x80xf32, #tpu.memory_space<hbm>>
      tpu.wait_indirect_dma semaphore(%arg21 : memref<!tpu.dma_semaphore, #tpu.memory_space<semaphore_mem>>) src(%dma_wait3A_394 : memref<160000x80xf32, #tpu.memory_space<hbm>>) dst(%dma_wait3A_389 : memref<128x80xf32, #tpu.memory_space<vmem>>)
      %while3A_395 = arith.constant 384 : i32
      %while3A_396 = arith.constant 0 : i32
      %while3A_397 = arith.subi %while3A_395, %while3A_346#0 : i32
      %while3A_398 = arith.addi %while3A_346#0, %while3A_397 : i32
      %while3A_399 = arith.constant 1 : i32
      %while3A_400 = arith.divsi %while3A_397, %while3A_399 : i32
      %while3A_401 = arith.muli %while3A_400, %while3A_399 : i32
      %while3A_402 = arith.addi %while3A_346#0, %while3A_401 : i32
      %while3A_403 = arith.constant 1 : i32
      %while3A_404 = scf.for %while3A_407 = %while3A_346#0 to %while3A_402 step %while3A_403 iter_args(%while3A_408 = %while3A_396) -> (i32)  : i32 {
        %swap3A = arith.index_cast %while3A_407 : i32 to index
        %swap3A_409 = arith.constant 0 : index
        %swap3A_410 = tpu.vector_load %arg20[%swap3A, %swap3A_409] {strides = array<i32>} : memref<384x80xf32, #tpu.memory_space<vmem>>, vector<16xf32>,
        tpu.vector_store %arg20[%swap3A, %swap3A_409], %broadcast_in_dim3A_3 {strides = array<i32>} : memref<384x80xf32, #tpu.memory_space<vmem>>, vector<16xf32>,
        %swap3A_411 = arith.index_cast %while3A_407 : i32 to index
        %swap3A_412 = arith.constant 16 : index
        %swap3A_413 = tpu.vector_load %arg20[%swap3A_411, %swap3A_412] {strides = array<i32>} : memref<384x80xf32, #tpu.memory_space<vmem>>, vector<16xf32>,
        tpu.vector_store %arg20[%swap3A_411, %swap3A_412], %broadcast_in_dim3A_3 {strides = array<i32>} : memref<384x80xf32, #tpu.memory_space<vmem>>, vector<16xf32>,
        %swap3A_414 = arith.index_cast %while3A_407 : i32 to index
        %swap3A_415 = arith.constant 32 : index
        %swap3A_416 = tpu.vector_load %arg20[%swap3A_414, %swap3A_415] {strides = array<i32>} : memref<384x80xf32, #tpu.memory_space<vmem>>, vector<16xf32>,
        tpu.vector_store %arg20[%swap3A_414, %swap3A_415], %broadcast_in_dim3A_3 {strides = array<i32>} : memref<384x80xf32, #tpu.memory_space<vmem>>, vector<16xf32>,
        %swap3A_417 = arith.index_cast %while3A_407 : i32 to index
        %swap3A_418 = arith.constant 48 : index
        %swap3A_419 = tpu.vector_load %arg20[%swap3A_417, %swap3A_418] {strides = array<i32>} : memref<384x80xf32, #tpu.memory_space<vmem>>, vector<16xf32>,
        tpu.vector_store %arg20[%swap3A_417, %swap3A_418], %broadcast_in_dim3A_3 {strides = array<i32>} : memref<384x80xf32, #tpu.memory_space<vmem>>, vector<16xf32>,
        %swap3A_420 = arith.index_cast %while3A_407 : i32 to index
        %swap3A_421 = arith.constant 64 : index
        %swap3A_422 = tpu.vector_load %arg20[%swap3A_420, %swap3A_421] {strides = array<i32>} : memref<384x80xf32, #tpu.memory_space<vmem>>, vector<16xf32>,
        tpu.vector_store %arg20[%swap3A_420, %swap3A_421], %broadcast_in_dim3A_3 {strides = array<i32>} : memref<384x80xf32, #tpu.memory_space<vmem>>, vector<16xf32>,
        %while3A_423 = arith.constant 0 : i32
        scf.yield %while3A_423 : i32
      }
      %while3A_405 = arith.constant 1 : i32
      %while3A_406 = scf.for %while3A_407 = %while3A_402 to %while3A_398 step %while3A_405 iter_args(%while3A_408 = %while3A_404) -> (i32)  : i32 {
        %swap3A = arith.index_cast %while3A_407 : i32 to index
        %swap3A_409 = arith.constant 0 : index
        %swap3A_410 = tpu.vector_load %arg20[%swap3A, %swap3A_409] {strides = array<i32>} : memref<384x80xf32, #tpu.memory_space<vmem>>, vector<16xf32>,
        tpu.vector_store %arg20[%swap3A, %swap3A_409], %broadcast_in_dim3A_3 {strides = array<i32>} : memref<384x80xf32, #tpu.memory_space<vmem>>, vector<16xf32>,
        %swap3A_411 = arith.index_cast %while3A_407 : i32 to index
        %swap3A_412 = arith.constant 16 : index
        %swap3A_413 = tpu.vector_load %arg20[%swap3A_411, %swap3A_412] {strides = array<i32>} : memref<384x80xf32, #tpu.memory_space<vmem>>, vector<16xf32>,
        tpu.vector_store %arg20[%swap3A_411, %swap3A_412], %broadcast_in_dim3A_3 {strides = array<i32>} : memref<384x80xf32, #tpu.memory_space<vmem>>, vector<16xf32>,
        %swap3A_414 = arith.index_cast %while3A_407 : i32 to index
        %swap3A_415 = arith.constant 32 : index
        %swap3A_416 = tpu.vector_load %arg20[%swap3A_414, %swap3A_415] {strides = array<i32>} : memref<384x80xf32, #tpu.memory_space<vmem>>, vector<16xf32>,
        tpu.vector_store %arg20[%swap3A_414, %swap3A_415], %broadcast_in_dim3A_3 {strides = array<i32>} : memref<384x80xf32, #tpu.memory_space<vmem>>, vector<16xf32>,
        %swap3A_417 = arith.index_cast %while3A_407 : i32 to index
        %swap3A_418 = arith.constant 48 : index
        %swap3A_419 = tpu.vector_load %arg20[%swap3A_417, %swap3A_418] {strides = array<i32>} : memref<384x80xf32, #tpu.memory_space<vmem>>, vector<16xf32>,
        tpu.vector_store %arg20[%swap3A_417, %swap3A_418], %broadcast_in_dim3A_3 {strides = array<i32>} : memref<384x80xf32, #tpu.memory_space<vmem>>, vector<16xf32>,
        %swap3A_420 = arith.index_cast %while3A_407 : i32 to index
        %swap3A_421 = arith.constant 64 : index
        %swap3A_422 = tpu.vector_load %arg20[%swap3A_420, %swap3A_421] {strides = array<i32>} : memref<384x80xf32, #tpu.memory_space<vmem>>, vector<16xf32>,
        tpu.vector_store %arg20[%swap3A_420, %swap3A_421], %broadcast_in_dim3A_3 {strides = array<i32>} : memref<384x80xf32, #tpu.memory_space<vmem>>, vector<16xf32>,
        %while3A_423 = arith.constant 0 : i32
        scf.yield %while3A_423 : i32
      }
      "tpu.region"() ({
        %run_scoped3A = tpu.sem_alloc : memref<!tpu.dma_semaphore, #tpu.memory_space<semaphore_mem>>
        %dma_start3A_407 = arith.constant 0 : i32
        %dma_start3A_408 = tpu.memref_slice %arg5[%add3A, %dma_start3A_407] : memref<8x6144xf32, #tpu.memory_space<hbm>> -> memref<1x6144xf32, #tpu.memory_space<hbm>>
        %dma_start3A_409 = tpu.memref_squeeze %dma_start3A_408 : memref<1x6144xf32, #tpu.memory_space<hbm>> -> memref<6144xf32, #tpu.memory_space<hbm>>
        %dma_start3A_410 = arith.constant 0 : i32
        %dma_start3A_411 = tpu.memref_slice %arg5[%add3A, %dma_start3A_410] : memref<8x6144xf32, #tpu.memory_space<hbm>> -> memref<1x6144xf32, #tpu.memory_space<hbm>>
        %dma_start3A_412 = tpu.memref_squeeze %dma_start3A_411 : memref<1x6144xf32, #tpu.memory_space<hbm>> -> memref<6144xf32, #tpu.memory_space<hbm>>
        tpu.enqueue_dma source(%arg19 : memref<6144xf32, #tpu.memory_space<vmem>>) target(%dma_start3A_412 : memref<6144xf32, #tpu.memory_space<hbm>>) target_semaphore(%run_scoped3A : memref<!tpu.dma_semaphore, #tpu.memory_space<semaphore_mem>>)
        %dma_wait3A_413 = arith.constant 0 : i32
        %dma_wait3A_414 = tpu.memref_slice %arg5[%add3A, %dma_wait3A_413] : memref<8x6144xf32, #tpu.memory_space<hbm>> -> memref<1x6144xf32, #tpu.memory_space<hbm>>
        %dma_wait3A_415 = tpu.memref_squeeze %dma_wait3A_414 : memref<1x6144xf32, #tpu.memory_space<hbm>> -> memref<6144xf32, #tpu.memory_space<hbm>>
        %dma_wait3A_416 = arith.constant 0 : i32
        %dma_wait3A_417 = tpu.memref_slice %arg5[%add3A, %dma_wait3A_416] : memref<8x6144xf32, #tpu.memory_space<hbm>> -> memref<1x6144xf32, #tpu.memory_space<hbm>>
        %dma_wait3A_418 = tpu.memref_squeeze %dma_wait3A_417 : memref<1x6144xf32, #tpu.memory_space<hbm>> -> memref<6144xf32, #tpu.memory_space<hbm>>
        tpu.wait_dma2 semaphore(%run_scoped3A : memref<!tpu.dma_semaphore, #tpu.memory_space<semaphore_mem>>) src(%arg19 : memref<6144xf32, #tpu.memory_space<vmem>>) dst(%dma_wait3A_418 : memref<6144xf32, #tpu.memory_space<hbm>>)
        tpu.yield
      }) : () -> ()
      "tpu.region"() ({
        %run_scoped3A = tpu.sem_alloc : memref<!tpu.dma_semaphore, #tpu.memory_space<semaphore_mem>>
        %dma_start3A_407 = arith.constant 0 : i32
        %dma_start3A_408 = arith.constant 0 : i32
        %dma_start3A_409 = tpu.memref_slice %arg6[%add3A, %dma_start3A_407, %dma_start3A_408] : memref<8x384x80xf32, #tpu.memory_space<hbm>> -> memref<1x384x80xf32, #tpu.memory_space<hbm>>
        %dma_start3A_410 = tpu.memref_squeeze %dma_start3A_409 : memref<1x384x80xf32, #tpu.memory_space<hbm>> -> memref<384x80xf32, #tpu.memory_space<hbm>>
        %dma_start3A_411 = arith.constant 0 : i32
        %dma_start3A_412 = arith.constant 0 : i32
        %dma_start3A_413 = tpu.memref_slice %arg6[%add3A, %dma_start3A_411, %dma_start3A_412] : memref<8x384x80xf32, #tpu.memory_space<hbm>> -> memref<1x384x80xf32, #tpu.memory_space<hbm>>
        %dma_start3A_414 = tpu.memref_squeeze %dma_start3A_413 : memref<1x384x80xf32, #tpu.memory_space<hbm>> -> memref<384x80xf32, #tpu.memory_space<hbm>>
        tpu.enqueue_dma source(%arg20 : memref<384x80xf32, #tpu.memory_space<vmem>>) target(%dma_start3A_414 : memref<384x80xf32, #tpu.memory_space<hbm>>) target_semaphore(%run_scoped3A : memref<!tpu.dma_semaphore, #tpu.memory_space<semaphore_mem>>)
        %dma_wait3A_415 = arith.constant 0 : i32
        %dma_wait3A_416 = arith.constant 0 : i32
        %dma_wait3A_417 = tpu.memref_slice %arg6[%add3A, %dma_wait3A_415, %dma_wait3A_416] : memref<8x384x80xf32, #tpu.memory_space<hbm>> -> memref<1x384x80xf32, #tpu.memory_space<hbm>>
        %dma_wait3A_418 = tpu.memref_squeeze %dma_wait3A_417 : memref<1x384x80xf32, #tpu.memory_space<hbm>> -> memref<384x80xf32, #tpu.memory_space<hbm>>
        %dma_wait3A_419 = arith.constant 0 : i32
        %dma_wait3A_420 = arith.constant 0 : i32
        %dma_wait3A_421 = tpu.memref_slice %arg6[%add3A, %dma_wait3A_419, %dma_wait3A_420] : memref<8x384x80xf32, #tpu.memory_space<hbm>> -> memref<1x384x80xf32, #tpu.memory_space<hbm>>
        %dma_wait3A_422 = tpu.memref_squeeze %dma_wait3A_421 : memref<1x384x80xf32, #tpu.memory_space<hbm>> -> memref<384x80xf32, #tpu.memory_space<hbm>>
        tpu.wait_dma2 semaphore(%run_scoped3A : memref<!tpu.dma_semaphore, #tpu.memory_space<semaphore_mem>>) src(%arg20 : memref<384x80xf32, #tpu.memory_space<vmem>>) dst(%dma_wait3A_422 : memref<384x80xf32, #tpu.memory_space<hbm>>)
        tpu.yield
      }) : () -> ()
    } else {
    }
    return
  }
}

module attributes {stable_mosaic.version = 14 : i64} {
  func.func @_score_kernel(%arg0: i32, %arg1: i32, %arg2: memref<1x2000x85xf32, #tpu.memory_space<vmem>>, %arg3: memref<1x1x2000xf32, #tpu.memory_space<vmem>>, %arg4: memref<1x2000x8xf32, #tpu.memory_space<vmem>>) attributes {dimension_semantics = [#tpu.dimension_semantics<arbitrary>, #tpu.dimension_semantics<arbitrary>], iteration_bounds = array<i64: 8, 10>, scalar_prefetch = 0 : i64, scratch_operands = 0 : i64, tpu.core_type = #tpu.core_type<tc>, window_params = [{transform_indices = @transform_0, window_bounds = array<i64: 1, 2000, 85>}, {transform_indices = @transform_1, window_bounds = array<i64: 1, 1, 2000>}, {transform_indices = @transform_2, window_bounds = array<i64: 1, 2000, 8>}]} {
    %get3A = arith.constant 0 : index
    %get3A_0 = arith.constant 0 : index
    %get3A_1 = arith.constant 0 : index
    %get3A_2 = vector.load %arg2[%get3A, %get3A_0, %get3A_1] : memref<1x2000x85xf32, #tpu.memory_space<vmem>>, vector<1x2000x85xf32>
    %get3A_3 = vector.shape_cast %get3A_2 : vector<1x2000x85xf32> to vector<2000x85xf32>
    %slice3A = vector.extract_strided_slice %get3A_3 {offsets = [0, 4], sizes = [2000, 1], strides = [1, 1]} : vector<2000x85xf32> to vector<2000x1xf32>
    %squeeze3A = vector.shape_cast %slice3A : vector<2000x1xf32> to vector<2000xf32>
    %slice3A_4 = vector.extract_strided_slice %get3A_3 {offsets = [0, 5], sizes = [2000, 80], strides = [1, 1]} : vector<2000x85xf32> to vector<2000x80xf32>
    %broadcast_in_dim3A = vector.shape_cast %squeeze3A : vector<2000xf32> to vector<2000x1xf32>
    %mul3A = vector.broadcast %broadcast_in_dim3A : vector<2000x1xf32> to vector<2000x80xf32>
    %mul3A_5 = arith.mulf %slice3A_4, %mul3A : vector<2000x80xf32>
    %reduce_max3A = arith.constant dense<0xFF800000> : vector<2000xf32>
    %reduce_max3A_6 = vector.multi_reduction <maximumf>, %mul3A_5, %reduce_max3A [1] : vector<2000x80xf32> to vector<2000xf32>
    %iota3A = tpu.iota {dimensions = array<i32: 1>} : vector<2000x80xi32>
    %broadcast_in_dim3A_7 = vector.shape_cast %reduce_max3A_6 : vector<2000xf32> to vector<2000x1xf32>
    %eq3A = vector.broadcast %broadcast_in_dim3A_7 : vector<2000x1xf32> to vector<2000x80xf32>
    %eq3A_8 = arith.cmpf oeq, %mul3A_5, %eq3A : vector<2000x80xf32>
    %jit3A = arith.constant 80 : i32
    %broadcast_in_dim3A_9 = vector.broadcast %jit3A : i32 to vector<2000x80xi32>
    %select_n3A = arith.select %eq3A_8, %iota3A, %broadcast_in_dim3A_9 : vector<2000x80xi1>, vector<2000x80xi32>
    %reduce_min3A = arith.constant dense<2147483647> : vector<2000xi32>
    %reduce_min3A_10 = vector.multi_reduction <minsi>, %select_n3A, %reduce_min3A [1] : vector<2000x80xi32> to vector<2000xi32>
    %gt3A = arith.constant 2.500000e-01 : f32
    %gt3A_11 = vector.broadcast %gt3A : f32 to vector<2000xf32>
    %gt3A_12 = arith.cmpf ogt, %squeeze3A, %gt3A_11 : vector<2000xf32>
    %gt3A_13 = arith.constant 2.500000e-01 : f32
    %gt3A_14 = vector.broadcast %gt3A_13 : f32 to vector<2000xf32>
    %gt3A_15 = arith.cmpf ogt, %reduce_max3A_6, %gt3A_14 : vector<2000xf32>
    %and3A = arith.andi %gt3A_12, %gt3A_15 : vector<2000xi1>
    %jit3A_16 = arith.constant -1.000000e+00 : f32
    %broadcast_in_dim3A_17 = vector.broadcast %jit3A_16 : f32 to vector<2000xf32>
    %select_n3A_18 = arith.select %and3A, %reduce_max3A_6, %broadcast_in_dim3A_17 : vector<2000xi1>, vector<2000xf32>
    %swap3A = arith.constant 0 : index
    %swap3A_19 = arith.constant 0 : index
    %swap3A_20 = arith.constant 0 : index
    %swap3A_21 = vector.load %arg3[%swap3A, %swap3A_19, %swap3A_20] : memref<1x1x2000xf32, #tpu.memory_space<vmem>>, vector<1x1x2000xf32>
    %swap3A_22 = vector.shape_cast %swap3A_21 : vector<1x1x2000xf32> to vector<2000xf32>
    %swap3A_23 = vector.shape_cast %select_n3A_18 : vector<2000xf32> to vector<1x1x2000xf32>
    tpu.vector_store %arg3[%swap3A, %swap3A_19, %swap3A_20], %swap3A_23 {strides = array<i32>} : memref<1x1x2000xf32, #tpu.memory_space<vmem>>, vector<1x1x2000xf32>,
    %slice3A_24 = vector.extract_strided_slice %get3A_3 {offsets = [0, 0], sizes = [2000, 1], strides = [1, 1]} : vector<2000x85xf32> to vector<2000x1xf32>
    %squeeze3A_25 = vector.shape_cast %slice3A_24 : vector<2000x1xf32> to vector<2000xf32>
    %slice3A_26 = vector.extract_strided_slice %get3A_3 {offsets = [0, 2], sizes = [2000, 1], strides = [1, 1]} : vector<2000x85xf32> to vector<2000x1xf32>
    %squeeze3A_27 = vector.shape_cast %slice3A_26 : vector<2000x1xf32> to vector<2000xf32>
    %div3A = arith.constant 2.000000e+00 : f32
    %div3A_28 = vector.broadcast %div3A : f32 to vector<2000xf32>
    %div3A_29 = arith.divf %squeeze3A_27, %div3A_28 : vector<2000xf32>
    %sub3A = arith.subf %squeeze3A_25, %div3A_29 : vector<2000xf32>
    %slice3A_30 = vector.extract_strided_slice %get3A_3 {offsets = [0, 1], sizes = [2000, 1], strides = [1, 1]} : vector<2000x85xf32> to vector<2000x1xf32>
    %squeeze3A_31 = vector.shape_cast %slice3A_30 : vector<2000x1xf32> to vector<2000xf32>
    %slice3A_32 = vector.extract_strided_slice %get3A_3 {offsets = [0, 3], sizes = [2000, 1], strides = [1, 1]} : vector<2000x85xf32> to vector<2000x1xf32>
    %squeeze3A_33 = vector.shape_cast %slice3A_32 : vector<2000x1xf32> to vector<2000xf32>
    %div3A_34 = arith.constant 2.000000e+00 : f32
    %div3A_35 = vector.broadcast %div3A_34 : f32 to vector<2000xf32>
    %div3A_36 = arith.divf %squeeze3A_33, %div3A_35 : vector<2000xf32>
    %sub3A_37 = arith.subf %squeeze3A_31, %div3A_36 : vector<2000xf32>
    %slice3A_38 = vector.extract_strided_slice %get3A_3 {offsets = [0, 0], sizes = [2000, 1], strides = [1, 1]} : vector<2000x85xf32> to vector<2000x1xf32>
    %squeeze3A_39 = vector.shape_cast %slice3A_38 : vector<2000x1xf32> to vector<2000xf32>
    %slice3A_40 = vector.extract_strided_slice %get3A_3 {offsets = [0, 2], sizes = [2000, 1], strides = [1, 1]} : vector<2000x85xf32> to vector<2000x1xf32>
    %squeeze3A_41 = vector.shape_cast %slice3A_40 : vector<2000x1xf32> to vector<2000xf32>
    %div3A_42 = arith.constant 2.000000e+00 : f32
    %div3A_43 = vector.broadcast %div3A_42 : f32 to vector<2000xf32>
    %div3A_44 = arith.divf %squeeze3A_41, %div3A_43 : vector<2000xf32>
    %add3A = arith.addf %squeeze3A_39, %div3A_44 : vector<2000xf32>
    %slice3A_45 = vector.extract_strided_slice %get3A_3 {offsets = [0, 1], sizes = [2000, 1], strides = [1, 1]} : vector<2000x85xf32> to vector<2000x1xf32>
    %squeeze3A_46 = vector.shape_cast %slice3A_45 : vector<2000x1xf32> to vector<2000xf32>
    %slice3A_47 = vector.extract_strided_slice %get3A_3 {offsets = [0, 3], sizes = [2000, 1], strides = [1, 1]} : vector<2000x85xf32> to vector<2000x1xf32>
    %squeeze3A_48 = vector.shape_cast %slice3A_47 : vector<2000x1xf32> to vector<2000xf32>
    %div3A_49 = arith.constant 2.000000e+00 : f32
    %div3A_50 = vector.broadcast %div3A_49 : f32 to vector<2000xf32>
    %div3A_51 = arith.divf %squeeze3A_48, %div3A_50 : vector<2000xf32>
    %add3A_52 = arith.addf %squeeze3A_46, %div3A_51 : vector<2000xf32>
    %broadcast_in_dim3A_53 = arith.constant 0.000000e+00 : f32
    %broadcast_in_dim3A_54 = vector.broadcast %broadcast_in_dim3A_53 : f32 to vector<2000xf32>
    %convert_element_type3A = arith.sitofp %reduce_min3A_10 : vector<2000xi32> to vector<2000xf32>
    %stack3A = vector.shape_cast %sub3A : vector<2000xf32> to vector<2000x1xf32>
    %stack3A_55 = vector.shape_cast %sub3A_37 : vector<2000xf32> to vector<2000x1xf32>
    %stack3A_56 = vector.shape_cast %add3A : vector<2000xf32> to vector<2000x1xf32>
    %stack3A_57 = vector.shape_cast %add3A_52 : vector<2000xf32> to vector<2000x1xf32>
    %stack3A_58 = vector.shape_cast %convert_element_type3A : vector<2000xf32> to vector<2000x1xf32>
    %stack3A_59 = vector.shape_cast %select_n3A_18 : vector<2000xf32> to vector<2000x1xf32>
    %stack3A_60 = vector.shape_cast %broadcast_in_dim3A_54 : vector<2000xf32> to vector<2000x1xf32>
    %stack3A_61 = vector.shape_cast %broadcast_in_dim3A_54 : vector<2000xf32> to vector<2000x1xf32>
    %stack3A_62 = tpu.concatenate %stack3A, %stack3A_55, %stack3A_56, %stack3A_57, %stack3A_58, %stack3A_59, %stack3A_60, %stack3A_61 in 1 : vector<2000x1xf32>, vector<2000x1xf32>, vector<2000x1xf32>, vector<2000x1xf32>, vector<2000x1xf32>, vector<2000x1xf32>, vector<2000x1xf32>, vector<2000x1xf32> -> vector<2000x8xf32>
    %swap3A_63 = arith.constant 0 : index
    %swap3A_64 = arith.constant 0 : index
    %swap3A_65 = arith.constant 0 : index
    %swap3A_66 = vector.load %arg4[%swap3A_63, %swap3A_64, %swap3A_65] : memref<1x2000x8xf32, #tpu.memory_space<vmem>>, vector<1x2000x8xf32>
    %swap3A_67 = vector.shape_cast %swap3A_66 : vector<1x2000x8xf32> to vector<2000x8xf32>
    %swap3A_68 = vector.shape_cast %stack3A_62 : vector<2000x8xf32> to vector<1x2000x8xf32>
    tpu.vector_store %arg4[%swap3A_63, %swap3A_64, %swap3A_65], %swap3A_68 {strides = array<i32>} : memref<1x2000x8xf32, #tpu.memory_space<vmem>>, vector<1x2000x8xf32>,
    return
  }
  func.func @transform_0(%arg0: i32, %arg1: i32) -> (i32, i32, i32) {
    %c0_i32 = arith.constant 0 : i32
    %c0_i32_0 = arith.constant 0 : i32
    return %arg0, %arg1, %c0_i32 : i32, i32, i32
  }
  func.func @transform_1(%arg0: i32, %arg1: i32) -> (i32, i32, i32) {
    %mul3A = arith.constant 10 : i32
    %mul3A_0 = arith.muli %arg0, %mul3A : i32
    %add3A = arith.addi %mul3A_0, %arg1 : i32
    %c0_i32 = arith.constant 0 : i32
    %c0_i32_1 = arith.constant 0 : i32
    %c0_i32_2 = arith.constant 0 : i32
    return %add3A, %c0_i32, %c0_i32_1 : i32, i32, i32
  }
  func.func @transform_2(%arg0: i32, %arg1: i32) -> (i32, i32, i32) {
    %c0_i32 = arith.constant 0 : i32
    %c0_i32_0 = arith.constant 0 : i32
    return %arg0, %arg1, %c0_i32 : i32, i32, i32
  }
}

</mosaic_0001>

<sc_bundles>
// kernel: kernel.4.cloned.1.call-start
scs
__scs_entry_jumppad:
0x0: {  	(pc) =	sbr.rel $0x88, $3  }
0x1: {  	(tag) =	ssettag $0x0;
	lr =	simm.s32 $0x1  }
0x2: {  	[smem:$0x3F9F] =	sst lr;
	_ =	strace $0xD0000000  }
0x3: {  	_ = 	snop  }
0x4: {  	_ = 	snop  }
0x5: {  	_ = 	snop  }
0x6: {  	_ = 	snop  }
0x7: {  	_ = 	snop  }
__scs_overlays_trampoline_lowered:
0x8: {  	[smem:$0x3FAE] =	sst s0  }
0x9: {  	[smem:$0x3FAF] =	sst s1  }
0xa: {  	[smem:$0x3FB0] =	sst s2  }
0xb: {  	[smem:$0x3FB1] =	sst s3  }
0xc: {  	[smem:$0x3FB2] =	sst s4  }
0xd: {  	[smem:$0x3FB3] =	sst s5  }
0xe: {  	[smem:$0x3FB4] =	sst s6  }
0xf: {  	[smem:$0x3FB5] =	sst s7  }
0x10: {  	[smem:$0x3FB6] =	sst s8  }
0x11: {  	[smem:$0x3FB7] =	sst s9;
	s0 =	simm.s32 @!p0 $0x0  }
0x12: {  	s1 =	sld [smem:$0x3F9D];
	s0 =	simm.s32 @p0 $0x1  }
0x13: {  	[smem:$0x3FB8] =	sst s0;
	s0 =	simm.s32 @!p1 $0x0  }
0x14: {  	s2 =	sld [smem:$0x3F9C];
	s0 =	simm.s32 @p1 $0x1  }
0x15: {  	[smem:$0x3FB9] =	sst s0;
	s0 =	simm.s32 @!p2 $0x0  }
0x16: {  	s3 =	sld [smem:$0x3FDB];
	s0 =	simm.s32 @p2 $0x1  }
0x17: {  	s4 =	simm.s32 $0x1BF5;
	[smem:$0x3FBB] =	sst s0  }
0x18: {  	s0 =	sld [smem:$0x3F9E];
	_ =	swait.ge [sflag:s4], $0x0  }
0x19: {  	s7 =	sld [smem:$0x3F9F]  }
0x1a: {  	s8 =	sadd.s32 $0xFFFFE003, lr  }
0x1b: {  	s9 =	sadd.s32 $0xFFFFFEF7, lr;
	s5 =	simm.s32 $0xFFFFFFFF;
	p2 =	slt.u32 s8, $0xFFFFF086  }
0x1c: {  	p1 =	slt.u32 s9, $0xF7A;
	s5 =	simm.s32 @!p2 $0x0  }
0x1d: {  	s5 =	simm.s32 @p1 $0x1;
	p0 =	seq.s32 s7, s2  }
0x1e: {  	s7 =	smul.u32 @!p0 $0xF7A, s2;
	p2 =	seq.s32 @!p0 s5, $0x0  }
0x1f: {  	s9 =	smul.u32 $0xF7A, s1;
	s8 =	simm.s32 @!p0 $0x1BF5;
	p2 =	por !p2, p0  }
0x20: {  	[sflag:s8] =	ssyncset.s32 @!p0 $0xFFFFF086;
	s6 =	sadd.s32 @!p0 s3, s7;
	s7 =	simm.s32 @!p0 $0x108  }
0x21: {  	s3 =	sadd.s32 s3, s9;
	s6 =	sadd.s32 @!p0 $0x88, s6;
	s7 =	simm.s32 @p2 $0x1082  }
0x22: {  	[simem:s7], [sflag:s8] =	dma.local @!p0 [hbm:s6], $0xF7A  }
0x23: {  	s9 =	sor.u32 $0xD0000000, s2;
	s6 =	simm.s32 $0x108;
	_ =	swait.ge @!p0 [sflag:s8], $0x0  }
0x24: {  	s3 =	sadd.s32 $0x88, s3;
	s6 =	simm.s32 @!p1 $0x1082;
	[sflag:s4] =	ssyncset.s32 $0xFFFFF086  }
0x25: {  	[simem:s6], [sflag:s4] =	dma.local [hbm:s3], $0xF7A  }
0x26: {  	[smem:$0x3F9F] =	sst s1;
	(tag) =	ssettag s2;
	_ =	strace s9  }
0x27: {  	s1 =	sld [smem:$0x3FAF]  }
0x28: {  	s2 =	sld [smem:$0x3FB0]  }
0x29: {  	s4 =	sld [smem:$0x3FB2]  }
0x2a: {  	p0 =	seq.s32 s5, $0x0;
	s5 =	sld [smem:$0x3FB3]  }
0x2b: {  	s6 =	sld [smem:$0x3FB4]  }
0x2c: {  	s7 =	sld [smem:$0x3FB5]  }
0x2d: {  	s3 =	simm.s32 $0x108;
	s8 =	sld [smem:$0x3FB6]  }
0x2e: {  	s3 =	simm.s32 @!p0 $0x1082;
	s9 =	sld [smem:$0x3FB7]  }
0x2f: {  	lr =	sadd.s32 s0, s3;
	s0 =	sld [smem:$0x3FAE]  }
0x30: {  	s3 =	sld [smem:$0x3FB1]  }
0x31: {  	[smem:$0x3FBA] =	sst s10  }
0x32: {  	s10 =	sld [smem:$0x3FB8];
	_ =	sdelay $0x3  }
0x33: {  	p0 =	seq.s32 s10, $0x1;
	s10 =	sld [smem:$0x3FBA];
	_ =	sdelay $0x3  }
0x34: {  	[smem:$0x3FBA] =	sst s10  }
0x35: {  	s10 =	sld [smem:$0x3FB9];
	_ =	sdelay $0x3  }
0x36: {  	p1 =	seq.s32 s10, $0x1;
	s10 =	sld [smem:$0x3FBA];
	_ =	sdelay $0x3  }
0x37: {  	[smem:$0x3FBA] =	sst s10  }
0x38: {  	s10 =	sld [smem:$0x3FBB]  }
0x39: {  	_ = 	snop;
	(pc) =	sbr.ind lr, $3  }
0x3a: {  	_ = 	snop  }
0x3b: {  	_ = 	snop  }
0x3c: {  	p2 =	seq.s32 s10, $0x1;
	s10 =	sld [smem:$0x3FBA]  }
0x3d: {  	_ =	shalt  }
0x3e: {  	_ =	shalt  }
0x3f: {  	_ =	shalt  }
0x40: {  	_ =	shalt  }
0x41: {  	_ =	shalt  }
0x42: {  	_ =	shalt  }
0x43: {  	_ =	shalt  }
0x44: {  	_ =	shalt  }
0x45: {  	_ =	shalt  }
0x46: {  	_ =	shalt  }
0x47: {  	_ =	shalt  }
0x48: {  	_ =	shalt  }
0x49: {  	_ =	shalt  }
0x4a: {  	_ =	shalt  }
0x4b: {  	_ =	shalt  }
0x4c: {  	_ =	shalt  }
0x4d: {  	_ =	shalt  }
0x4e: {  	_ =	shalt  }
0x4f: {  	_ =	shalt  }
0x50: {  	_ =	shalt  }
0x51: {  	_ =	shalt  }
0x52: {  	_ =	shalt  }
0x53: {  	_ =	shalt  }
0x54: {  	_ =	shalt  }
0x55: {  	_ =	shalt  }
0x56: {  	_ =	shalt  }
0x57: {  	_ =	shalt  }
0x58: {  	_ =	shalt  }
0x59: {  	_ =	shalt  }
0x5a: {  	_ =	shalt  }
0x5b: {  	_ =	shalt  }
0x5c: {  	_ =	shalt  }
0x5d: {  	_ =	shalt  }
0x5e: {  	_ =	shalt  }
0x5f: {  	_ =	shalt  }
0x60: {  	_ =	shalt  }
0x61: {  	_ =	shalt  }
0x62: {  	_ =	shalt  }
0x63: {  	_ =	shalt  }
0x64: {  	_ =	shalt  }
0x65: {  	_ =	shalt  }
0x66: {  	_ =	shalt  }
0x67: {  	_ =	shalt  }
0x68: {  	_ =	shalt  }
0x69: {  	_ =	shalt  }
0x6a: {  	_ =	shalt  }
0x6b: {  	_ =	shalt  }
0x6c: {  	_ =	shalt  }
0x6d: {  	_ =	shalt  }
0x6e: {  	_ =	shalt  }
0x6f: {  	_ =	shalt  }
0x70: {  	_ =	shalt  }
0x71: {  	_ =	shalt  }
0x72: {  	_ =	shalt  }
0x73: {  	_ =	shalt  }
0x74: {  	_ =	shalt  }
0x75: {  	_ =	shalt  }
0x76: {  	_ =	shalt  }
0x77: {  	_ =	shalt  }
0x78: {  	_ =	shalt  }
0x79: {  	_ =	shalt  }
0x7a: {  	_ =	shalt  }
0x7b: {  	_ =	shalt  }
0x7c: {  	_ =	shalt  }
0x7d: {  	_ =	shalt  }
0x7e: {  	_ =	shalt  }
0x7f: {  	_ =	shalt  }
0x80: {  	_ =	shalt  }
0x81: {  	_ =	shalt  }
0x82: {  	_ =	shalt  }
0x83: {  	_ =	shalt  }
0x84: {  	_ =	shalt  }
0x85: {  	_ =	shalt  }
0x86: {  	_ =	shalt  }
0x87: {  	_ =	shalt  }
.Lfunc_end0:
.L_simem_size_0:
called_computation_lowered:
.L_overlay_start_0:
0x88: {  	s2 =	sld [smem:$0x3FD9]  }
0x89: {  	s3 =	sld [smem:$0x3FFE];
	_ =	sdelay $0x1  }
0x8a: {  	s1 =	srdreg.scid  }
0x8b: {  	s0 =	sand.u32 $0x1, s1  }
0x8c: {  	s17 =	sshll.u32 s0, $0xA;
	s2 =	sadd.s32 s3, s2  }
0x8d: {  	s2 =	sadd.s32 s2, s17  }
0x8e: {  	[smem:$0x3FC6] =	sst s2  }
0x8f: {  	_ = 	snop  }
0x90: {  	s2 =	sld [smem:$0x3FD0];
	(tm) =	ssettm $0x1  }
0x91: {  	s18 =	sld [smem:$0x3FFB];
	_ =	sdelay $0x3  }
0x92: {  	_ =	strace s18  }
0x93: {  	s3 =	sld [smem:$0x3FFC];
	_ =	sdelay $0x3  }
0x94: {  	_ =	strace s3  }
0x95: {  	s3 =	sld [smem:$0x3FFD];
	_ =	sdelay $0x3  }
0x96: {  	_ =	strace s3  }
0x97: {  	_ =	strace $0x8FFFFFFF  }
0x98: {  	s19 =	sld [smem:$0x3FDB];
	_ =	sdelay $0x1  }
0x99: {  	s4 =	simm.s32 $_scs_section_size  }
0x9a: {  	s5 =	simm.s32 $_size__tile_overlayer_lowered;
	s6 =	simm.s32 $_tile_overlayer_lowered  }
0x9b: {  	s22 =	simm.s32 $0x1BFF;
	s21 =	sshll.u32 s6, $0x1;
	s3 =	sadd.s32 s4, s19  }
0x9c: {  	s7 =	simm.s32 $0x0;
	s20 =	sshll.u32 s5, $0x1;
	s5 =	sadd.s32 s21, s3  }
0x9d: {  	[timem:s7], [sflag:s22] =	dma.local [hbm:s5], s20  }
0x9e: {  	_ =	swait.ge [sflag:s22], s20  }
0x9f: {  	s4 =	ssub.s32 $0x0, s20;
	[sflag:s22] =	ssyncset.done $0x0  }
0xa0: {  	[sflag:s22] =	ssyncadd.s32 s4;
	_ =	sdelay $0x1  }
0xa1: {  	s23 =	simm.s32 $0x1B8B  }
0xa2: {  	_ =	swait.ge [sflag:s23], $0x1  }
0xa3: {  	[sflag:s23] =	ssyncset.done $0x0  }
0xa4: {  	s25 =	simm.s32 $0x1B8E;
	s24 =	sld [smem:$0x3FFE];
	[sflag:s23] =	ssyncadd.s32 $0xFFFFFFFF  }
0xa5: {  	s26 =	simm.s32 $execute0_lowered;
	[smem:$0x3FD2] =	sst s25  }
0xa6: {  	s5 =	sshll.u32 s26, $0x1;
	_ =	strace $0x80000046;
	[dreg:$0x1] =	wrdreg $0xFFFFFFFF  }
0xa7: {  	s28 =	simm.s32 $_size_execute0_lowered;
	s3 =	sadd.s32 s3, s5;
	[dreg:$0x0] =	wrdreg $0x0  }
0xa8: {  	s5 =	sshll.u32 s28, $0x1;
	[dreg:$0x2] =	wrdreg s3  }
0xa9: {  	[dreg:$0x3] =	wrdreg s5  }
0xaa: {  	[dreg:$0x4] =	wrdreg $0xC0  }
0xab: {  	_ =	task [dreg:s7], $0x5FFFF  }
0xac: {  	[dreg:$0x1] =	wrdreg $0xFFFFFFFF  }
0xad: {  	[dreg:$0x0] =	wrdreg $0x60  }
0xae: {  	[dreg:$0x2] =	wrdreg s24  }
0xaf: {  	[dreg:$0x3] =	wrdreg s2  }
0xb0: {  	[dreg:$0x4] =	wrdreg $0x9  }
0xb1: {  	_ =	task.clear_ibuf [dreg:s7], $0x5FFFF;
	_ =	strace $0x90000046  }
0xb2: {  	s29 =	simm.s32 $0x9;
	_ =	strace $0x80000048  }
0xb3: {  	_ =	swait.ge [sflag:s29], $0x1  }
0xb4: {  	[sflag:s29] =	ssyncadd.s32 $0xFFFFFFFF  }
0xb5: {  	_ =	strace $0x90000048  }
0xb6: {  	_ =	sfence  }
0xb7: {  	s30 =	sld [smem:$0x0];
	_ =	sdelay $0x2  }
0xb8: {  	s31 =	sshll.u32 s1, $0xD;
	s1 =	sshrl.u32 s1, $0x2  }
0xb9: {  	s3 =	sand.u32 $0x4000, s31;
	s1 =	sadd.s32 s1, s30  }
0xba: {  	s0 =	sor.u32 s3, s0;
	s1 =	sshll.u32 s1, $0x11  }
0xbb: {  	s0 =	sor.u32 s1, s0  }
0xbc: {  	s0 =	sadd.s32 $0x8F2B, s0  }
0xbd: {  	[sflag:s0] =	ssyncadd.remote.s32 $0x1  }
0xbe: {  	_ =	sfence.sel $0xFFFF  }
0xbf: {  	[dreg:$0x0] =	wrdreg $0xFFFFFFFF;
	(pc) =	sbr.abs _section_cstart, $3  }
0xc0: {  	[dreg:$0x1] =	wrdreg $0xFFFFFFFF  }
0xc1: {  	_ =	task.clear_ibuf [dreg:s7], $0x2FFFF;
	_ =	strace $0x9FFFFFFF  }
0xc2: {  	(tm) =	ssettm $0x7FFFFFFF  }
0xc3: {  	_ =	shalt  }
tec
execute0_lowered:
.L_overlay_start_1:
0x0: {  	(tag) =	ssettag $0x1  }
0x1: {  	s3 =	stileid.u32  }
0x2: {  	p0 =	sgt.u32 s3, $0x3  }
.Ltmp0:
0x3: {  	_ = 	snop;
	(pc) =	sbr.rel @p0 .LBB2_66-.Ltmp0, $4  }
0x4: {  	_ = 	snop  }
0x5: {  	s1 =	rddreg [dreg:$0x0];
	s2 =	simm.s32 $0x0  }
0x6: {  	[smem:$0x7FF] =	sst s2  }
0x7: {  	s0 =	rddreg [dreg:$0x1];
	_ =	strace $0x80000047  }
0x8: {  	s3 =	srdreg.scid;
	s23 =	stileid.u32;
	s8 =	sadd.s32 $0x800, s1  }
0x9: {  	s11 =	simm.s32 $0x4E20;
	s12 =	simm.s32 $0x1;
	s13 =	simm.s32 $0x80  }
0xa: {  	s15 =	simm.s32 $0x9EA0;
	s5 =	sand.u32 $0x1, s3;
	s3 =	sshll.u32 s23, $0x1  }
0xb: {  	s29 =	simm.s32 $0x8670;
	s30 =	simm.s32 $0x8E80;
	s6 =	sor.u32 s5, s3  }
0xc: {  	s31 =	simm.s32 $0xE020;
	s19 =	simm.s32 $0x0;
	s7 =	smul.u32 $0x300, s6  }
0xd: {  	s3 =	sadd.s32 $0x5800, s1;
	s10 =	ssub.s32 $0x2, s5;
	s4 =	smul.u32 $0x4E20, s6  }
.Ltmp1:
0xe: {  	v0 =	vlaneseq.u32;
	v2 =	vimm.f32 $0.0e+00;
	s5 =	sadd.s32 $0x29DA00, s1;
	s25 =	sshrl.u32 s10, $0x1;
	(pc) =	sbr.rel .LBB2_2-.Ltmp1, $4  }
0xf: {  	v3 =	vimm.s32 $0x0;
	v6 =	vimm.s32 $0x1;
	v1 =	vshrl.u32 v0, $0x3;
	s9 =	smul.u32 $0xF00, s6;
	s26 =	ssub.s32 s10, s25;
	s10 =	simm.s32 $0x2  }
0x10: {  	v8 =	vimm.f32 $-1.000000000e+00;
	vm0 =	vcmask $0x300;
	v4 =	vmul.u32 $0x8, v1;
	s7 =	sadd.s32 s7, s1;
	s28 =	sshrl.u32 s4, $0x3;
	s1 =	simm.s32 $0xF820  }
0x11: {  	v5 =	vand.u32 $0x7, v0;
	v7 =	vor.u32 $0xFF8, v0;
	v9 =	vmul.u32 $0x8, v0;
	s24 =	sadd.s32 $0x2CA00, s7;
	s7 =	sadd.s32 s0, s9;
	s8 =	sadd.s32 s8, s28  }
0x12: {  	v10 =	vor.u32 $0x80000000, v0;
	v4 =	vor.u32 $0x800, v4;
	v1 =	vmov s4;
	s9 =	smax.u32 s26, $0x1;
	s0 =	simm.s32 $0xDEA0;
	[dreg:$0x3] =	wrdreg s24  }
.LBB2_64:
0x13: {  	[tilespmem:s14+$0xF860] =	vst v2  }
0x14: {  	[tilespmem:s14+$0xF850] =	vst v2  }
0x15: {  	[tilespmem:s14+$0xF840] =	vst v2  }
0x16: {  	[tilespmem:s14+$0xF820] =	vst v2  }
0x17: {  	[tilespmem:s14+$0xF830] =	vst v2  }
.LBB2_65:
0x18: {  	s6 =	rddreg [dreg:$0x3]  }
0x19: {  	[hbm4b:s6+s2] =	stream.linear.scatter [tilespmem:s31], [sflag:$0x2], $0x1800, $0x38;
	[tilespmem:$0x17020] =	vst v63  }
0x1a: {  	s19 =	sadd.s32 $0x1, s19;
	_ =	swait.ge [sflag:s10], $0x1800  }
0x1b: {  	p0 =	sne.s32 s19, s9;
	[sflag:s10] =	ssyncset.done $0x0  }
.Ltmp2:
0x1c: {  	[sflag:s10] =	ssyncadd.s32 $0xFFFFE800;
	(pc) =	sbr.rel @!p0 .LBB2_66-.Ltmp2, $4  }
0x1d: {  	[hbm4b:s7+s2] =	stream.linear.scatter [tilespmem:s1], [sflag:$0x2], $0x7800, $0x38;
	[tilespmem:$0x17020] =	vst v63  }
0x1e: {  	_ =	swait.ge [sflag:s10], $0x7800  }
0x1f: {  	[sflag:s10] =	ssyncset.done $0x0  }
0x20: {  	[sflag:s10] =	ssyncadd.s32 $0xFFFF8800  }
.LBB2_2:
0x21: {  	s14 =	simm.s32 $0x0  }
0x22: {  	[tilespmem:s14], [sflag:$0x2] =	stream.linear.gather [hbm4b:s8+s14], $0x4E20, $0x38;
	[tilespmem:$0x17020] =	vst v63  }
0x23: {  	_ =	swait.ge [sflag:s10], $0x4E20  }
0x24: {  	[sflag:s10] =	ssyncset.done $0x0  }
0x25: {  	s16 =	simm.s32 $0x0;
	s14 =	simm.s32 $0x40;
	[sflag:s10] =	ssyncadd.s32 $0xFFFFB1E0  }
.LBB2_3:
0x26: {  	p0 =	sne.s32 s14, $0x5FC0;
	[tilespmem:s16+$0xE020] =	vst v2;
	s16 =	smov.u32 s14;
	s14 =	sadd.s32 $0x40, s14  }
.Ltmp3:
0x27: {  	(pc) =	sbr.rel @p0 .LBB2_3-.Ltmp3, $2  }
0x28: {  	_ =	sdelay $0x2  }
0x29: {  	s16 =	sshra.s32 s16, $0x2  }
0x2a: {  	[tilespmem:s16+$0xE020] =	vst v2;
	v11 =	vimm.s32 $0x0  }
0x2b: {  	[tilespmem:$0xDEA0] =	vst v11  }
0x2c: {  	[tilespmem:$0xDEB0] =	vst v11  }
0x2d: {  	[tilespmem:$0xDEC0] =	vst v11  }
0x2e: {  	[tilespmem:$0xDED0] =	vst v11  }
0x2f: {  	[tilespmem:$0xDEE0] =	vst v11  }
0x30: {  	[tilespmem:$0xDEF0] =	vst v11  }
0x31: {  	[tilespmem:$0xDF00] =	vst v11  }
0x32: {  	[tilespmem:$0xDF10] =	vst v11  }
0x33: {  	[tilespmem:$0xDF20] =	vst v11  }
0x34: {  	[tilespmem:$0xDF30] =	vst v11  }
0x35: {  	[tilespmem:$0xDF40] =	vst v11  }
0x36: {  	[tilespmem:$0xDF50] =	vst v11  }
0x37: {  	[tilespmem:$0xDF60] =	vst v11  }
0x38: {  	[tilespmem:$0xDF70] =	vst v11  }
0x39: {  	[tilespmem:$0xDF80] =	vst v11  }
0x3a: {  	[tilespmem:$0xDF90] =	vst v11  }
0x3b: {  	[tilespmem:$0xDFA0] =	vst v11  }
0x3c: {  	[tilespmem:$0xDFB0] =	vst v11  }
0x3d: {  	[tilespmem:$0xDFC0] =	vst v11  }
0x3e: {  	[tilespmem:$0xDFD0] =	vst v11  }
0x3f: {  	[tilespmem:$0xDFE0] =	vst v11  }
0x40: {  	[tilespmem:$0xDFF0] =	vst v11  }
0x41: {  	[tilespmem:$0xE000] =	vst v11  }
0x42: {  	s28 =	simm.s32 $0x0;
	[tilespmem:$0xE010] =	vst v11  }
0x43: {  	v12 =	vld [tilespmem:s28+$0x0]  }
0x44: {  	s14 =	simm.s32 $0x40  }
.LBB2_5:
0x45: {  	p0 =	sne.s32 s14, $0x13840  }
.Ltmp4:
0x46: {  	_ = 	snop;
	(pc) =	sbr.rel @p0 .LBB2_5-.Ltmp4, $4  }
0x47: {  	_ = 	snop  }
0x48: {  	s16 =	sshra.s32 s14, $0x2;
	s14 =	sadd.s32 $0x40, s14;
	vm1 =	vgt.f32 v12, $0.0e+00  }
0x49: {  	v12 =	vld [tilespmem:s16+$0x0];
	v13 =	vsel vm1, $0x1, v3  }
0x4a: {  	v11 =	vadd.s32 v13, v11  }
0x4b: {  	_ =	sdelay $0x2  }
0x4c: {  	vm1 =	vgt.f32 v12, $0.0e+00  }
0x4d: {  	v12 =	vsel vm1, $0x1, v3  }
0x4e: {  	v11 =	vadd.s32 v12, v11  }
0x4f: {  	(xrf0) =	vadd.scan.msk.s32 $0xffff, v11;
	_ =	sdelay $0x5  }
0x50: {  	v11, _, _ =	vpop (xrf0)  }
0x51: {  	(v2sf) =	vpush v11, $0xF;
	_ =	sdelay $0xe  }
0x52: {  	s14 =	spop (v2sf)  }
0x53: {  	p0 =	slt.s32 s14, $0x801  }
.Ltmp5:
0x54: {  	_ = 	snop;
	(pc) =	sbr.rel @p0 .LBB2_26-.Ltmp5, $2  }
0x55: {  	_ =	sdelay $0x2  }
0x56: {  	s16 =	simm.s32 $0x0;
	s14 =	simm.s32 $0x0  }
0x57: {  	s14 =	simm.s32 $0x40;
	s16 =	simm.s32 $0x0  }
.LBB2_8:
0x58: {  	p0 =	sne.s32 s14, $0x3FC0;
	[tilespmem:s16+$0x4E20] =	vst v3;
	s16 =	smov.u32 s14;
	s14 =	sadd.s32 $0x40, s14  }
.Ltmp6:
0x59: {  	(pc) =	sbr.rel @p0 .LBB2_8-.Ltmp6, $2  }
0x5a: {  	_ =	sdelay $0x2  }
0x5b: {  	s16 =	sshra.s32 s16, $0x2  }
0x5c: {  	[tilespmem:s16+$0x4E20] =	vst v3;
	s17 =	simm.s32 $0x0;
	s16 =	simm.s32 $0x40  }
.LBB2_10:
0x5d: {  	p0 =	sne.s32 s16, $0x13840;
	v11 =	vld [tilespmem:s17+$0x0];
	_ =	sdelay $0x4  }
0x5e: {  	v12 =	vshrl.u32 v11, $0xC  }
0x5f: {  	v12 =	vand.u32 $0xFF0, v12  }
0x60: {  	vm1 =	vgt.f32 v11, $0.0e+00;
	v11 =	vxor.u32 v4, v12  }
0x61: {  	v11 =	vor.u32 v5, v11  }
.Ltmp7:
0x62: {  	(pc) =	sbr.rel @p0 .LBB2_10-.Ltmp7, $2  }
0x63: {  	_ =	sdelay $0x2  }
0x64: {  	s17 =	sshra.s32 s16, $0x2;
	s16 =	sadd.s32 $0x40, s16;
	s14 =	simm.s32 $0xFF;
	[tilespmem:v11+s11+$0x0] =	vst.idx.add.s32.msk vm1, v6  }
0x65: {  	v11 =	vld [tilespmem:s17+$0x0];
	_ =	sdelay $0x4  }
0x66: {  	v12 =	vshrl.u32 v11, $0xC  }
0x67: {  	v12 =	vand.u32 $0xFF0, v12  }
0x68: {  	vm1 =	vgt.f32 v11, $0.0e+00;
	v11 =	vxor.u32 v4, v12  }
0x69: {  	v11 =	vor.u32 v5, v11;
	_ =	sdelay $0x4  }
0x6a: {  	s21 =	simm.s32 $0x0;
	[tilespmem:v11+s11+$0x0] =	vst.idx.add.s32.msk vm1, v6  }
.LBB2_12:
0x6b: {  	s16 =	sshll.u32 s14, $0x6  }
0x6c: {  	s16 =	sshra.s32 s16, $0x2  }
0x6d: {  	v11 =	vld [tilespmem:s16+$0x4E20];
	_ =	sdelay $0x4  }
0x6e: {  	(xrf0) =	vadd.scan.msk.s32 $0xffff, v11;
	_ =	sdelay $0x5  }
0x6f: {  	v11, _, _ =	vpop (xrf0)  }
0x70: {  	(v2sf) =	vpush v11, $0xF;
	_ =	sdelay $0xe  }
0x71: {  	s28 =	spop (v2sf)  }
0x72: {  	s16 =	sadd.s32 s21, s28  }
0x73: {  	s17 =	simm.s32 $0x1;
	p1 =	slt.s32 s16, $0x800  }
0x74: {  	s17 =	simm.s32 @!p1 $0x0  }
0x75: {  	s14 =	ssub.s32 s14, s17  }
0x76: {  	p0 =	slt.s32 s14, $0x0  }
0x77: {  	p2 =	slt.s32 @!p0 s16, $0x800  }
0x78: {  	p2 =	por p0, !p2  }
.Ltmp8:
0x79: {  	_ = 	snop;
	(pc) =	sbr.rel @!p2 .LBB2_12-.Ltmp8, $2  }
0x7a: {  	_ =	sdelay $0x2  }
0x7b: {  	s21 =	smov.u32 @p1 s16  }
0x7c: {  	s17 =	simm.s32 $0x0  }
0x7d: {  	s17 =	simm.s32 @p0 $0x0  }
0x7e: {  	p0 =	seq.s32 s17, $0x3FC0  }
.Ltmp9:
0x7f: {  	_ = 	snop;
	(pc) =	sbr.rel @p0 .LBB2_15-.Ltmp9, $2  }
0x80: {  	_ =	sdelay $0x2  }
0x81: {  	s16 =	sadd.s32 $0x40, s17;
	s17 =	sshra.s32 s17, $0x2  }
.LBB2_14:
0x82: {  	p0 =	seq.s32 s16, $0x3FC0;
	[tilespmem:s17+$0x4E20] =	vst v3;
	s17 =	smov.u32 s16;
	s16 =	sadd.s32 $0x40, s16  }
.Ltmp10:
0x83: {  	(pc) =	sbr.rel @!p0 .LBB2_14-.Ltmp10, $2  }
0x84: {  	_ =	sdelay $0x2  }
0x85: {  	s17 =	sshra.s32 s17, $0x2  }
.LBB2_15:
0x86: {  	p0 =	sgt.s32 s14, $0x0  }
0x87: {  	s14 =	simm.s32 @!p0 $0x0  }
0x88: {  	s20 =	sshll.u32 s14, $0x10  }
0x89: {  	[tilespmem:s17+$0x4E20] =	vst v3;
	s16 =	simm.s32 $0x0;
	s14 =	simm.s32 $0x40;
	v11 =	vmov s20  }
.LBB2_16:
0x8a: {  	p0 =	sne.s32 s14, $0x13840;
	v12 =	vld [tilespmem:s16+$0x0];
	_ =	sdelay $0x4  }
0x8b: {  	v13 =	vand.u32 $0xFF0000, v12  }
0x8c: {  	v13 =	vxor.u32 v11, v13  }
0x8d: {  	vm1 =	vgt.f32 v12, $0.0e+00;
	v12 =	vshrl.u32 v12, $0x4;
	vm2 =	veq.s32 v13, $0x800000  }
0x8e: {  	v12 =	vand.u32 $0xFF0, v12;
	vm1 =	vmand vm1, vm2  }
0x8f: {  	v12 =	vor.u32 v0, v12  }
.Ltmp11:
0x90: {  	(pc) =	sbr.rel @p0 .LBB2_16-.Ltmp11, $2  }
0x91: {  	_ =	sdelay $0x2  }
0x92: {  	s16 =	sshra.s32 s14, $0x2;
	s14 =	sadd.s32 $0x40, s14;
	[tilespmem:v12+s11+$0x0] =	vst.idx.add.s32.msk vm1, v6  }
0x93: {  	v12 =	vld [tilespmem:s16+$0x0];
	_ =	sdelay $0x4  }
0x94: {  	v13 =	vand.u32 $0xFF0000, v12  }
0x95: {  	v11 =	vxor.u32 v11, v13  }
0x96: {  	vm1 =	vgt.f32 v12, $0.0e+00;
	vm2 =	veq.s32 v11, $0x800000;
	v11 =	vshrl.u32 v12, $0x4  }
0x97: {  	vm1 =	vmand vm1, vm2;
	v11 =	vand.u32 $0xFF0, v11  }
0x98: {  	v11 =	vor.u32 v0, v11;
	_ =	sdelay $0x4  }
0x99: {  	s21 =	ssub.s32 $0x800, s21;
	s14 =	simm.s32 $0xFF;
	s22 =	simm.s32 $0x0;
	[tilespmem:v11+s11+$0x0] =	vst.idx.add.s32.msk vm1, v6  }
.LBB2_18:
0x9a: {  	s16 =	sshll.u32 s14, $0x6  }
0x9b: {  	s16 =	sshra.s32 s16, $0x2  }
0x9c: {  	v11 =	vld [tilespmem:s16+$0x4E20];
	_ =	sdelay $0x4  }
0x9d: {  	(xrf0) =	vadd.scan.msk.s32 $0xffff, v11;
	_ =	sdelay $0x5  }
0x9e: {  	v11, _, _ =	vpop (xrf0)  }
0x9f: {  	(v2sf) =	vpush v11, $0xF;
	_ =	sdelay $0xe  }
0xa0: {  	s28 =	spop (v2sf)  }
0xa1: {  	s16 =	sadd.s32 s22, s28  }
0xa2: {  	s17 =	simm.s32 $0x1;
	p1 =	slt.s32 s16, s21  }
0xa3: {  	s17 =	simm.s32 @!p1 $0x0  }
0xa4: {  	s14 =	ssub.s32 s14, s17  }
0xa5: {  	p0 =	slt.s32 s14, $0x0  }
0xa6: {  	p2 =	slt.s32 @!p0 s16, s21  }
0xa7: {  	p2 =	por p0, !p2  }
.Ltmp12:
0xa8: {  	_ = 	snop;
	(pc) =	sbr.rel @!p2 .LBB2_18-.Ltmp12, $2  }
0xa9: {  	_ =	sdelay $0x2  }
0xaa: {  	s22 =	smov.u32 @p1 s16  }
0xab: {  	s17 =	simm.s32 $0x0  }
0xac: {  	s17 =	simm.s32 @p0 $0x0  }
0xad: {  	p0 =	seq.s32 s17, $0x3FC0  }
.Ltmp13:
0xae: {  	_ = 	snop;
	(pc) =	sbr.rel @p0 .LBB2_21-.Ltmp13, $2  }
0xaf: {  	_ =	sdelay $0x2  }
0xb0: {  	s16 =	sadd.s32 $0x40, s17;
	s17 =	sshra.s32 s17, $0x2  }
.LBB2_20:
0xb1: {  	p0 =	seq.s32 s16, $0x3FC0;
	[tilespmem:s17+$0x4E20] =	vst v3;
	s17 =	smov.u32 s16;
	s16 =	sadd.s32 $0x40, s16  }
.Ltmp14:
0xb2: {  	(pc) =	sbr.rel @!p0 .LBB2_20-.Ltmp14, $2  }
0xb3: {  	_ =	sdelay $0x2  }
0xb4: {  	s17 =	sshra.s32 s17, $0x2  }
.LBB2_21:
0xb5: {  	p0 =	sgt.s32 s14, $0x0  }
0xb6: {  	s14 =	simm.s32 @!p0 $0x0  }
0xb7: {  	s14 =	sshll.u32 s14, $0x8  }
0xb8: {  	s14 =	sor.u32 s20, s14  }
0xb9: {  	[tilespmem:s17+$0x4E20] =	vst v3;
	s17 =	simm.s32 $0x0;
	s16 =	simm.s32 $0x40;
	v11 =	vmov s14  }
.LBB2_22:
0xba: {  	p0 =	sne.s32 s16, $0x13840;
	v12 =	vld [tilespmem:s17+$0x0];
	_ =	sdelay $0x4  }
0xbb: {  	v13 =	vand.u32 $0xFFFF00, v12  }
0xbc: {  	v13 =	vxor.u32 v11, v13  }
0xbd: {  	vm1 =	vgt.f32 v12, $0.0e+00;
	v12 =	vshll.u32 v12, $0x4;
	vm2 =	veq.s32 v13, $0x800000  }
0xbe: {  	v12 =	vor.u32 v0, v12;
	vm1 =	vmand vm1, vm2  }
0xbf: {  	v12 =	vand.u32 v7, v12  }
.Ltmp15:
0xc0: {  	(pc) =	sbr.rel @p0 .LBB2_22-.Ltmp15, $2  }
0xc1: {  	_ =	sdelay $0x2  }
0xc2: {  	s17 =	sshra.s32 s16, $0x2;
	s16 =	sadd.s32 $0x40, s16;
	[tilespmem:v12+s11+$0x0] =	vst.idx.add.s32.msk vm1, v6  }
0xc3: {  	v12 =	vld [tilespmem:s17+$0x0];
	_ =	sdelay $0x4  }
0xc4: {  	v13 =	vand.u32 $0xFFFF00, v12  }
0xc5: {  	v11 =	vxor.u32 v11, v13  }
0xc6: {  	vm1 =	vgt.f32 v12, $0.0e+00;
	vm2 =	veq.s32 v11, $0x800000;
	v11 =	vshll.u32 v12, $0x4  }
0xc7: {  	vm1 =	vmand vm1, vm2;
	v11 =	vor.u32 v0, v11  }
0xc8: {  	v11 =	vand.u32 v7, v11;
	_ =	sdelay $0x4  }
0xc9: {  	s16 =	ssub.s32 s21, s22;
	s18 =	simm.s32 $0xFF;
	s17 =	simm.s32 $0x0;
	[tilespmem:v11+s11+$0x0] =	vst.idx.add.s32.msk vm1, v6  }
.LBB2_24:
0xca: {  	s20 =	sshll.u32 s18, $0x6  }
0xcb: {  	s20 =	sshra.s32 s20, $0x2  }
0xcc: {  	v11 =	vld [tilespmem:s20+$0x4E20];
	_ =	sdelay $0x4  }
0xcd: {  	(xrf0) =	vadd.scan.msk.s32 $0xffff, v11;
	_ =	sdelay $0x5  }
0xce: {  	v11, _, _ =	vpop (xrf0)  }
0xcf: {  	(v2sf) =	vpush v11, $0xF;
	_ =	sdelay $0xe  }
0xd0: {  	s28 =	spop (v2sf)  }
0xd1: {  	s20 =	sadd.s32 s17, s28  }
0xd2: {  	s21 =	simm.s32 $0x1;
	p0 =	slt.s32 s20, s16  }
0xd3: {  	s21 =	simm.s32 @!p0 $0x0  }
0xd4: {  	s18 =	ssub.s32 s18, s21  }
0xd5: {  	p1 =	slt.s32 s18, $0x0  }
0xd6: {  	p2 =	slt.s32 @!p1 s20, s16  }
0xd7: {  	p1 =	por p1, !p2  }
.Ltmp16:
0xd8: {  	_ = 	snop;
	(pc) =	sbr.rel @!p1 .LBB2_24-.Ltmp16, $2  }
0xd9: {  	_ =	sdelay $0x2  }
0xda: {  	s17 =	smov.u32 @p0 s20  }
0xdb: {  	p0 =	sgt.s32 s18, $0x0  }
0xdc: {  	s18 =	simm.s32 @!p0 $0x0  }
0xdd: {  	s18 =	sor.u32 s14, s18  }
0xde: {  	s14 =	ssub.s32 s16, s17;
	s16 =	sadd.s32 $0x3E800000, s18  }
.LBB2_26:
0xdf: {  	s17 =	simm.s32 $0x40;
	s18 =	simm.s32 $0x0  }
.LBB2_27:
0xe0: {  	p0 =	seq.s32 s17, $0x2000;
	[tilespmem:s18+$0x5E20] =	vst v8;
	s20 =	smov.u32 s17;
	s17 =	sadd.s32 $0x40, s17  }
.Ltmp17:
0xe1: {  	[tilespmem:s18+$0x8E80] =	vst v3;
	(pc) =	sbr.rel @!p0 .LBB2_27-.Ltmp17, $2  }
0xe2: {  	_ =	sdelay $0x2  }
0xe3: {  	s18 =	sshra.s32 s20, $0x2  }
0xe4: {  	[tilespmem:s18+$0x5E20] =	vst v8  }
0xe5: {  	[tilespmem:s18+$0x8E80] =	vst v3;
	s20 =	simm.s32 $0x0  }
0xe6: {  	v13 =	vld [tilespmem:s20+$0x0];
	_ =	sdelay $0x3  }
0xe7: {  	v11 =	vmov s16  }
0xe8: {  	vm1 =	vgt.f32 v13, $0.0e+00;
	vm2 =	veq.s32 v11, v13  }
0xe9: {  	vm2 =	vmand vm1, vm2  }
0xea: {  	v14 =	vsel vm2, $0x1, v3  }
0xeb: {  	(xrf0) =	vadd.scan.msk.s32 $0xffff, v14;
	_ =	sdelay $0x4  }
0xec: {  	v14 =	vsel vm2, $0xFFFFFFFF, v3  }
0xed: {  	v14 =	vadd.s32 s20, v14;
	v15, _, _ =	vpop (xrf0)  }
0xee: {  	v12 =	vmov s14;
	v14 =	vadd.s32 v15, v14;
	(v2sf) =	vpush v15, $0xF  }
0xef: {  	vm4 =	vlt.u32 v11, v13;
	vm3 =	vlt.s32 v14, v12  }
0xf0: {  	vm1 =	vmand vm1, vm4;
	vm2 =	vmand vm2, vm3  }
0xf1: {  	vm1 =	vmor vm1, vm2  }
0xf2: {  	v14 =	vsel vm1, $0x1, v3  }
0xf3: {  	(xrf0) =	vadd.scan.msk.s32 $0xffff, v14  }
0xf4: {  	[tilespmem:s20+$0x5E20] =	vst.msk vm1, v13;
	v13 =	vor.u32 s20, v0  }
0xf5: {  	s21 =	simm.s32 $0x10;
	[tilespmem:s20+$0x8E80] =	vst.msk vm1, v13  }
0xf6: {  	s14 =	simm.s32 $0x20;
	s22 =	simm.s32 $0x0;
	s16 =	simm.s32 $0x10;
	v13 =	vld [tilespmem:s21+$0x0]  }
.LBB2_29:
0xf7: {  	p0 =	sne.s32 s14, $0x4E10;
	_ =	sdelay $0x1  }
0xf8: {  	v14, _, _ =	vpop (xrf0)  }
0xf9: {  	(v2sf) =	vpush v14, $0xF  }
0xfa: {  	vm1 =	vgt.f32 v13, $0.0e+00;
	vm2 =	veq.s32 v11, v13  }
0xfb: {  	vm2 =	vmand vm1, vm2  }
0xfc: {  	v14 =	vsel vm2, $0x1, v3;
	s17 =	spop (v2sf)  }
0xfd: {  	(xrf0) =	vadd.scan.msk.s32 $0xffff, v14;
	s20 =	sadd.s32 s20, s17;
	_ =	sdelay $0x4  }
0xfe: {  	v14 =	vsel vm2, $0xFFFFFFFF, v3  }
0xff: {  	v14 =	vadd.s32 s20, v14;
	v15, _, _ =	vpop (xrf0)  }
0x100: {  	v14 =	vadd.s32 v15, v14;
	(v2sf) =	vpush v15, $0xF  }
0x101: {  	vm4 =	vlt.u32 v11, v13;
	vm3 =	vlt.s32 v14, v12  }
0x102: {  	vm1 =	vmand vm1, vm4;
	vm2 =	vmand vm2, vm3  }
0x103: {  	vm1 =	vmor vm1, vm2  }
.Ltmp18:
0x104: {  	v14 =	vsel vm1, $0x1, v3;
	s17 =	spop (v2sf);
	(pc) =	sbr.rel @p0 .LBB2_29-.Ltmp18, $4  }
0x105: {  	(xrf0) =	vadd.scan.msk.s32 $0xffff, v14;
	s22 =	sadd.s32 s22, s17  }
0x106: {  	[tilespmem:s22+$0x5E20] =	vst.msk vm1, v13;
	v13 =	vor.u32 s21, v0;
	s21 =	smov.u32 s14  }
0x107: {  	s16 =	sadd.s32 $0x10, s16;
	[tilespmem:s22+$0x8E80] =	vst.msk vm1, v13  }
0x108: {  	s14 =	sadd.s32 $0x10, s14;
	v13 =	vld [tilespmem:s16+$0x0]  }
0x109: {  	_ =	sdelay $0x3  }
0x10a: {  	vm1 =	vgt.f32 v13, $0.0e+00;
	vm2 =	veq.s32 v11, v13  }
0x10b: {  	vm2 =	vmand vm1, vm2  }
0x10c: {  	v14 =	vsel vm2, $0x1, v3  }
0x10d: {  	(xrf0) =	vadd.scan.msk.s32 $0xffff, v14;
	_ =	sdelay $0x3  }
0x10e: {  	s14 =	spop (v2sf)  }
0x10f: {  	v63, _, _ =	vpop (xrf0);
	v15 =	vsel vm2, $0xFFFFFFFF, v3;
	s14 =	sadd.s32 s20, s14  }
0x110: {  	v15 =	vadd.s32 s14, v15;
	v16, _, _ =	vpop (xrf0)  }
0x111: {  	v15 =	vadd.s32 v16, v15  }
0x112: {  	vm4 =	vlt.u32 v11, v13;
	vm3 =	vlt.s32 v15, v12  }
0x113: {  	vm1 =	vmand vm1, vm4;
	vm2 =	vmand vm2, vm3  }
0x114: {  	vm1 =	vmor vm1, vm2  }
0x115: {  	v11 =	vsel vm1, $0x1, v3  }
0x116: {  	(xrf0) =	vadd.scan.msk.s32 $0xffff, v11;
	_ =	sdelay $0x3  }
0x117: {  	(v2sf) =	vpush v63, $0xF;
	_ =	sdelay $0x1  }
0x118: {  	(v2sf) =	vpush v16, $0xF;
	v11, _, _ =	vpop (xrf0)  }
0x119: {  	(v2sf) =	vpush v11, $0xF;
	_ =	sdelay $0xb  }
0x11a: {  	s26 =	spop (v2sf)  }
0x11b: {  	s14 =	sadd.s32 s22, s26  }
0x11c: {  	[tilespmem:s14+$0x5E20] =	vst.msk vm1, v13;
	v11 =	vor.u32 s21, v0;
	s28 =	spop (v2sf)  }
0x11d: {  	[tilespmem:s14+$0x8E80] =	vst.msk vm1, v11;
	s14 =	simm.s32 $0x0;
	s16 =	spop (v2sf)  }
0x11e: {  	v11 =	vld [tilespmem:s14+$0x8E80];
	s16 =	simm.s32 $0x40  }
.LBB2_31:
0x11f: {  	p0 =	sne.s32 s16, $0x2000  }
.Ltmp19:
0x120: {  	_ = 	snop;
	(pc) =	sbr.rel @p0 .LBB2_31-.Ltmp19, $3  }
0x121: {  	_ =	sdelay $0x1  }
0x122: {  	s17 =	sshra.s32 s16, $0x2;
	s16 =	sadd.s32 $0x40, s16;
	v12 =	vadd.s32 v1, v11  }
0x123: {  	v11 =	vld [tilespmem:s17+$0x8E80];
	[tilespmem:s14+$0x9690] =	vst v12;
	s14 =	smov.u32 s17  }
0x124: {  	_ =	sdelay $0x3  }
0x125: {  	v11 =	vadd.s32 v1, v11  }
0x126: {  	s6 =	simm.s32 $0x9690;
	[tilespmem:s14+$0x9690] =	vst v11  }
0x127: {  	[tilespmem:s15], [sflag:$0x1] =	stream.indirect.gather [hbm4b:s3+s13], $0x8, s6, s13, $0xb8;
	[tilespmem:$0x17020] =	vst v63  }
0x128: {  	s16 =	simm.s32 $0xA2A0;
	s14 =	simm.s32 $0x9710  }
0x129: {  	[tilespmem:s16], [sflag:$0x1] =	stream.indirect.gather [hbm4b:s3+s13], $0x8, s14, s13, $0xb8;
	[tilespmem:$0x17020] =	vst v63  }
0x12a: {  	s17 =	simm.s32 $0x9790;
	s18 =	simm.s32 $0xA6A0  }
0x12b: {  	[tilespmem:s18], [sflag:$0x1] =	stream.indirect.gather [hbm4b:s3+s13], $0x8, s17, s13, $0xb8;
	[tilespmem:$0x17020] =	vst v63  }
0x12c: {  	s20 =	simm.s32 $0x9810;
	s21 =	simm.s32 $0xAAA0  }
0x12d: {  	[tilespmem:s21], [sflag:$0x1] =	stream.indirect.gather [hbm4b:s3+s13], $0x8, s20, s13, $0xb8;
	[tilespmem:$0x17020] =	vst v63  }
0x12e: {  	s22 =	simm.s32 $0x9890;
	s23 =	simm.s32 $0xAEA0  }
0x12f: {  	[tilespmem:s23], [sflag:$0x1] =	stream.indirect.gather [hbm4b:s3+s13], $0x8, s22, s13, $0xb8;
	[tilespmem:$0x17020] =	vst v63  }
0x130: {  	s24 =	simm.s32 $0x9910;
	s25 =	simm.s32 $0xB2A0  }
0x131: {  	[tilespmem:s25], [sflag:$0x1] =	stream.indirect.gather [hbm4b:s3+s13], $0x8, s24, s13, $0xb8;
	[tilespmem:$0x17020] =	vst v63  }
0x132: {  	s26 =	simm.s32 $0x9990;
	s28 =	simm.s32 $0xB6A0  }
0x133: {  	[tilespmem:s28], [sflag:$0x1] =	stream.indirect.gather [hbm4b:s3+s13], $0x8, s26, s13, $0xb8;
	[tilespmem:$0x17020] =	vst v63  }
0x134: {  	s14 =	simm.s32 $0x9A10;
	s16 =	simm.s32 $0xBAA0  }
0x135: {  	[tilespmem:s16], [sflag:$0x1] =	stream.indirect.gather [hbm4b:s3+s13], $0x8, s14, s13, $0xb8;
	[tilespmem:$0x17020] =	vst v63  }
0x136: {  	s17 =	simm.s32 $0x9A90;
	s18 =	simm.s32 $0xBEA0  }
0x137: {  	[tilespmem:s18], [sflag:$0x1] =	stream.indirect.gather [hbm4b:s3+s13], $0x8, s17, s13, $0xb8;
	[tilespmem:$0x17020] =	vst v63  }
0x138: {  	s20 =	simm.s32 $0x9B10;
	s21 =	simm.s32 $0xC2A0  }
0x139: {  	[tilespmem:s21], [sflag:$0x1] =	stream.indirect.gather [hbm4b:s3+s13], $0x8, s20, s13, $0xb8;
	[tilespmem:$0x17020] =	vst v63  }
0x13a: {  	s22 =	simm.s32 $0x9B90;
	s23 =	simm.s32 $0xC6A0  }
0x13b: {  	[tilespmem:s23], [sflag:$0x1] =	stream.indirect.gather [hbm4b:s3+s13], $0x8, s22, s13, $0xb8;
	[tilespmem:$0x17020] =	vst v63  }
0x13c: {  	s24 =	simm.s32 $0x9C10;
	s25 =	simm.s32 $0xCAA0  }
0x13d: {  	[tilespmem:s25], [sflag:$0x1] =	stream.indirect.gather [hbm4b:s3+s13], $0x8, s24, s13, $0xb8;
	[tilespmem:$0x17020] =	vst v63  }
0x13e: {  	s26 =	simm.s32 $0x9C90;
	s28 =	simm.s32 $0xCEA0  }
0x13f: {  	[tilespmem:s28], [sflag:$0x1] =	stream.indirect.gather [hbm4b:s3+s13], $0x8, s26, s13, $0xb8;
	[tilespmem:$0x17020] =	vst v63  }
0x140: {  	s16 =	simm.s32 $0x9D10;
	s17 =	simm.s32 $0xD2A0  }
0x141: {  	[tilespmem:s17], [sflag:$0x1] =	stream.indirect.gather [hbm4b:s3+s13], $0x8, s16, s13, $0xb8;
	[tilespmem:$0x17020] =	vst v63  }
0x142: {  	s18 =	simm.s32 $0x9D90;
	s20 =	simm.s32 $0xD6A0  }
0x143: {  	[tilespmem:s20], [sflag:$0x1] =	stream.indirect.gather [hbm4b:s3+s13], $0x8, s18, s13, $0xb8;
	[tilespmem:$0x17020] =	vst v63  }
0x144: {  	s21 =	simm.s32 $0x9E10;
	s22 =	simm.s32 $0xDAA0  }
0x145: {  	[tilespmem:s22], [sflag:$0x1] =	stream.indirect.gather [hbm4b:s3+s13], $0x8, s21, s13, $0xb8;
	[tilespmem:$0x17020] =	vst v63  }
0x146: {  	_ =	swait.ge [sflag:s12], $0x400  }
0x147: {  	[sflag:s12] =	ssyncset.done $0x0  }
0x148: {  	[sflag:s12] =	ssyncadd.s32 $0xFFFFFC00  }
0x149: {  	_ =	swait.ge [sflag:s12], $0x400  }
0x14a: {  	[sflag:s12] =	ssyncset.done $0x0  }
0x14b: {  	[sflag:s12] =	ssyncadd.s32 $0xFFFFFC00  }
0x14c: {  	_ =	swait.ge [sflag:s12], $0x400  }
0x14d: {  	[sflag:s12] =	ssyncset.done $0x0  }
0x14e: {  	[sflag:s12] =	ssyncadd.s32 $0xFFFFFC00  }
0x14f: {  	_ =	swait.ge [sflag:s12], $0x400  }
0x150: {  	[sflag:s12] =	ssyncset.done $0x0  }
0x151: {  	[sflag:s12] =	ssyncadd.s32 $0xFFFFFC00  }
0x152: {  	_ =	swait.ge [sflag:s12], $0x400  }
0x153: {  	[sflag:s12] =	ssyncset.done $0x0  }
0x154: {  	[sflag:s12] =	ssyncadd.s32 $0xFFFFFC00  }
0x155: {  	_ =	swait.ge [sflag:s12], $0x400  }
0x156: {  	[sflag:s12] =	ssyncset.done $0x0  }
0x157: {  	[sflag:s12] =	ssyncadd.s32 $0xFFFFFC00  }
0x158: {  	_ =	swait.ge [sflag:s12], $0x400  }
0x159: {  	[sflag:s12] =	ssyncset.done $0x0  }
0x15a: {  	[sflag:s12] =	ssyncadd.s32 $0xFFFFFC00  }
0x15b: {  	_ =	swait.ge [sflag:s12], $0x400  }
0x15c: {  	[sflag:s12] =	ssyncset.done $0x0  }
0x15d: {  	[sflag:s12] =	ssyncadd.s32 $0xFFFFFC00  }
0x15e: {  	_ =	swait.ge [sflag:s12], $0x400  }
0x15f: {  	[sflag:s12] =	ssyncset.done $0x0  }
0x160: {  	[sflag:s12] =	ssyncadd.s32 $0xFFFFFC00  }
0x161: {  	_ =	swait.ge [sflag:s12], $0x400  }
0x162: {  	[sflag:s12] =	ssyncset.done $0x0  }
0x163: {  	[sflag:s12] =	ssyncadd.s32 $0xFFFFFC00  }
0x164: {  	_ =	swait.ge [sflag:s12], $0x400  }
0x165: {  	[sflag:s12] =	ssyncset.done $0x0  }
0x166: {  	[sflag:s12] =	ssyncadd.s32 $0xFFFFFC00  }
0x167: {  	_ =	swait.ge [sflag:s12], $0x400  }
0x168: {  	[sflag:s12] =	ssyncset.done $0x0  }
0x169: {  	[sflag:s12] =	ssyncadd.s32 $0xFFFFFC00  }
0x16a: {  	_ =	swait.ge [sflag:s12], $0x400  }
0x16b: {  	[sflag:s12] =	ssyncset.done $0x0  }
0x16c: {  	[sflag:s12] =	ssyncadd.s32 $0xFFFFFC00  }
0x16d: {  	_ =	swait.ge [sflag:s12], $0x400  }
0x16e: {  	s20 =	simm.s32 $0x0;
	[sflag:s12] =	ssyncset.done $0x0  }
0x16f: {  	v11 =	vmov s20;
	[sflag:s12] =	ssyncadd.s32 $0xFFFFFC00  }
0x170: {  	v11 =	vshll.u32 v11, $0x3;
	_ =	swait.ge [sflag:s12], $0x400  }
0x171: {  	v11 =	vor.u32 v9, v11;
	[sflag:s12] =	ssyncset.done $0x0  }
0x172: {  	[sflag:s12] =	ssyncadd.s32 $0xFFFFFC00  }
0x173: {  	_ =	swait.ge [sflag:s12], $0x400  }
0x174: {  	[sflag:s12] =	ssyncset.done $0x0  }
0x175: {  	[sflag:s12] =	ssyncadd.s32 $0xFFFFFC00  }
0x176: {  	v12 =	vld.idx.msk [tilespmem:v11+s15+$0x0], $0xffff  }
0x177: {  	v13 =	vor.u32 $0x1, v11;
	_ =	sdelay $0x2  }
0x178: {  	s23 =	simm.s32 $0x6630  }
0x179: {  	[tilespmem:s23+$0x0] =	vst v12  }
0x17a: {  	v12 =	vld.idx.msk [tilespmem:v13+s15+$0x0], $0xffff  }
0x17b: {  	v13 =	vor.u32 $0x2, v11;
	_ =	sdelay $0x2  }
0x17c: {  	s24 =	simm.s32 $0x6E40  }
0x17d: {  	[tilespmem:s24+$0x0] =	vst v12  }
0x17e: {  	v12 =	vld.idx.msk [tilespmem:v13+s15+$0x0], $0xffff  }
0x17f: {  	v13 =	vor.u32 $0x3, v11;
	_ =	sdelay $0x2  }
0x180: {  	s25 =	simm.s32 $0x7650  }
0x181: {  	[tilespmem:s25+$0x0] =	vst v12  }
0x182: {  	v12 =	vld.idx.msk [tilespmem:v13+s15+$0x0], $0xffff  }
0x183: {  	v11 =	vor.u32 $0x4, v11;
	_ =	sdelay $0x2  }
0x184: {  	s26 =	simm.s32 $0x7E60;
	s16 =	simm.s32 $0x10  }
0x185: {  	[tilespmem:s26+$0x0] =	vst v12;
	v12 =	vmov s16  }
0x186: {  	v11 =	vld.idx.msk [tilespmem:v11+s15+$0x0], $0xffff;
	v12 =	vshll.u32 v12, $0x3  }
0x187: {  	v12 =	vor.u32 v9, v12;
	_ =	sdelay $0x2  }
0x188: {  	s21 =	simm.s32 $0x8670  }
0x189: {  	[tilespmem:s21+$0x0] =	vst v11  }
0x18a: {  	v11 =	vld.idx.msk [tilespmem:v12+s15+$0x0], $0xffff  }
0x18b: {  	v13 =	vor.u32 $0x1, v12;
	_ =	sdelay $0x2  }
0x18c: {  	s22 =	simm.s32 $0x6640  }
0x18d: {  	[tilespmem:s22+$0x0] =	vst v11  }
0x18e: {  	v11 =	vld.idx.msk [tilespmem:v13+s15+$0x0], $0xffff  }
0x18f: {  	v13 =	vor.u32 $0x2, v12;
	_ =	sdelay $0x2  }
0x190: {  	s23 =	simm.s32 $0x6E50  }
0x191: {  	[tilespmem:s23+$0x0] =	vst v11  }
0x192: {  	v11 =	vld.idx.msk [tilespmem:v13+s15+$0x0], $0xffff  }
0x193: {  	v13 =	vor.u32 $0x3, v12;
	_ =	sdelay $0x2  }
0x194: {  	s24 =	simm.s32 $0x7660  }
0x195: {  	[tilespmem:s24+$0x0] =	vst v11  }
0x196: {  	v11 =	vld.idx.msk [tilespmem:v13+s15+$0x0], $0xffff  }
0x197: {  	v13 =	vor.u32 $0x4, v12;
	_ =	sdelay $0x2  }
0x198: {  	s25 =	simm.s32 $0x7E70  }
0x199: {  	s28 =	simm.s32 $0x20;
	[tilespmem:s25+$0x0] =	vst v11  }
0x19a: {  	s14 =	simm.s32 $0x30;
	v12 =	vmov s28;
	v11 =	vld.idx.msk [tilespmem:v13+s15+$0x0], $0xffff  }
.LBB2_33:
0x19b: {  	p0 =	sne.s32 s14, $0x7F0;
	v12 =	vshll.u32 v12, $0x3  }
0x19c: {  	v12 =	vor.u32 v9, v12;
	_ =	sdelay $0x2  }
0x19d: {  	s21 =	sadd.s32 $0x10, s21  }
0x19e: {  	[tilespmem:s21+$0x0] =	vst v11  }
0x19f: {  	v11 =	vld.idx.msk [tilespmem:v12+s15+$0x0], $0xffff;
	_ =	sdelay $0x1  }
0x1a0: {  	v13 =	vor.u32 $0x1, v12;
	_ =	sdelay $0x2  }
0x1a1: {  	s22 =	sadd.s32 $0x10, s22  }
0x1a2: {  	[tilespmem:s22+$0x0] =	vst v11  }
0x1a3: {  	v11 =	vld.idx.msk [tilespmem:v13+s15+$0x0], $0xffff;
	_ =	sdelay $0x1  }
0x1a4: {  	v13 =	vor.u32 $0x2, v12;
	_ =	sdelay $0x2  }
0x1a5: {  	s23 =	sadd.s32 $0x10, s23  }
0x1a6: {  	[tilespmem:s23+$0x0] =	vst v11  }
0x1a7: {  	v11 =	vld.idx.msk [tilespmem:v13+s15+$0x0], $0xffff;
	_ =	sdelay $0x1  }
0x1a8: {  	v13 =	vor.u32 $0x3, v12;
	_ =	sdelay $0x2  }
0x1a9: {  	s24 =	sadd.s32 $0x10, s24  }
0x1aa: {  	[tilespmem:s24+$0x0] =	vst v11  }
0x1ab: {  	v11 =	vld.idx.msk [tilespmem:v13+s15+$0x0], $0xffff;
	_ =	sdelay $0x1  }
0x1ac: {  	v13 =	vor.u32 $0x4, v12  }
.Ltmp20:
0x1ad: {  	(pc) =	sbr.rel @p0 .LBB2_33-.Ltmp20, $4  }
0x1ae: {  	_ = 	snop  }
0x1af: {  	s25 =	sadd.s32 $0x10, s25  }
0x1b0: {  	[tilespmem:s25+$0x0] =	vst v11  }
0x1b1: {  	v12 =	vmov s14;
	s14 =	sadd.s32 $0x10, s14;
	v11 =	vld.idx.msk [tilespmem:v13+s15+$0x0], $0xffff  }
0x1b2: {  	v12 =	vshll.u32 v12, $0x3  }
0x1b3: {  	v12 =	vor.u32 v9, v12;
	_ =	sdelay $0x2  }
0x1b4: {  	s14 =	sadd.s32 $0x10, s21  }
0x1b5: {  	[tilespmem:s14+$0x0] =	vst v11  }
0x1b6: {  	v11 =	vld.idx.msk [tilespmem:v12+s15+$0x0], $0xffff  }
0x1b7: {  	v13 =	vor.u32 $0x1, v12;
	_ =	sdelay $0x2  }
0x1b8: {  	s16 =	sadd.s32 $0x10, s22  }
0x1b9: {  	[tilespmem:s16+$0x0] =	vst v11  }
0x1ba: {  	v11 =	vld.idx.msk [tilespmem:v13+s15+$0x0], $0xffff  }
0x1bb: {  	v13 =	vor.u32 $0x2, v12;
	_ =	sdelay $0x2  }
0x1bc: {  	s23 =	sadd.s32 $0x10, s23  }
0x1bd: {  	[tilespmem:s23+$0x0] =	vst v11  }
0x1be: {  	v11 =	vld.idx.msk [tilespmem:v13+s15+$0x0], $0xffff  }
0x1bf: {  	v13 =	vor.u32 $0x3, v12;
	_ =	sdelay $0x2  }
0x1c0: {  	s24 =	sadd.s32 $0x10, s24  }
0x1c1: {  	[tilespmem:s24+$0x0] =	vst v11  }
0x1c2: {  	v11 =	vld.idx.msk [tilespmem:v13+s15+$0x0], $0xffff  }
0x1c3: {  	v12 =	vor.u32 $0x4, v12;
	_ =	sdelay $0x2  }
0x1c4: {  	s26 =	sadd.s32 $0x10, s25  }
0x1c5: {  	[tilespmem:s26+$0x0] =	vst v11  }
0x1c6: {  	v11 =	vld.idx.msk [tilespmem:v12+s15+$0x0], $0xffff;
	_ =	sdelay $0x3  }
0x1c7: {  	s14 =	sadd.s32 $0x10, s14  }
0x1c8: {  	s28 =	simm.s32 $0x5E20;
	[tilespmem:s14+$0x0] =	vst v11  }
0x1c9: {  	v12 =	vld [tilespmem:s28+$0x0];
	_ =	sdelay $0x3  }
0x1ca: {  	v13 =	vimm.f32 $-2.000000000e+00  }
0x1cb: {  	s17 =	simm.s32 $0x5E30;
	s16 =	simm.s32 $0x2;
	v11 =	vimm.s32 $0x0;
	s14 =	simm.s32 $0x1;
	vm1 =	vgt.f32 v12, v13;
	v12 =	vmax.f32 v12, v13  }
.LBB2_35:
0x1cc: {  	p0 =	sne.s32 s16, $0x7F  }
0x1cd: {  	v13 =	vld [tilespmem:s17+$0x0];
	v11 =	vsel vm1, s20, v11;
	s20 =	smov.u32 s14;
	s14 =	smov.u32 s16;
	s16 =	sadd.s32 $0x1, s16  }
.Ltmp21:
0x1ce: {  	(pc) =	sbr.rel @p0 .LBB2_35-.Ltmp21, $2  }
0x1cf: {  	_ =	sdelay $0x2  }
0x1d0: {  	s17 =	sadd.s32 $0x10, s17;
	vm1 =	vgt.f32 v13, v12;
	v12 =	vmax.f32 v13, v12  }
0x1d1: {  	v15 =	vld [tilespmem:s17+$0x0];
	_ =	sdelay $0x4  }
0x1d2: {  	v13 =	vmax.f32 v15, v12  }
0x1d3: {  	(xrf0) =	vmax.scan.msk.f32 $0xffff, v13;
	_ =	sdelay $0x5  }
0x1d4: {  	v14, _, _ =	vpop (xrf0)  }
0x1d5: {  	(v2sf) =	vpush v14, $0xF;
	_ =	sdelay $0xe  }
0x1d6: {  	s25 =	spop (v2sf)  }
0x1d7: {  	p0 =	sgt.f32 s25, $0.0e+00  }
.Ltmp22:
0x1d8: {  	_ = 	snop;
	(pc) =	sbr.rel @!p0 .LBB2_61-.Ltmp22, $3  }
0x1d9: {  	_ =	sdelay $0x1  }
0x1da: {  	v11 =	vsel vm1, s20, v11;
	vm1 =	vgt.f32 v15, v12  }
0x1db: {  	v11 =	vsel vm1, s14, v11;
	s14 =	simm.s32 $0x0  }
0x1dc: {  	v12 =	vbroadcast v14, $0xF  }
0x1dd: {  	v11 =	vshll.u32 v11, $0x4  }
0x1de: {  	v11 =	vxor.u32 v10, v11;
	vm1 =	veq.f32 v13, v12  }
0x1df: {  	v11 =	vnsel vm1, $0x80004E20, v11  }
0x1e0: {  	(xrf0) =	vmin.scan.msk.u32 $0xffff, v11;
	_ =	sdelay $0x5  }
0x1e1: {  	v11, _, _ =	vpop (xrf0)  }
0x1e2: {  	(v2sf) =	vpush v11, $0xF;
	_ =	sdelay $0xa  }
.Ltmp23:
0x1e3: {  	_ = 	snop;
	(pc) =	sbr.rel .LBB2_38-.Ltmp23, $2  }
0x1e4: {  	_ =	sdelay $0x2  }
0x1e5: {  	s20 =	simm.s32 $0x0;
	s21 =	simm.s32 $0x80;
	s16 =	spop (v2sf)  }
.LBB2_55:
0x1e6: {  	v11 =	vmov v10  }
.LBB2_59:
0x1e7: {  	(xrf0) =	vmax.scan.msk.f32 $0xffff, v12;
	_ =	sdelay $0x5  }
0x1e8: {  	v13, _, _ =	vpop (xrf0)  }
0x1e9: {  	v14 =	vbroadcast v13, $0xF;
	_ =	sdelay $0x1  }
0x1ea: {  	vm1 =	veq.f32 v12, v14  }
0x1eb: {  	(v2sf) =	vpush v13, $0xF;
	v11 =	vnsel vm1, $0x80004E20, v11  }
0x1ec: {  	(xrf0) =	vmin.scan.msk.u32 $0xffff, v11;
	_ =	sdelay $0x5  }
0x1ed: {  	v11, _, _ =	vpop (xrf0)  }
0x1ee: {  	(v2sf) =	vpush v11, $0xF;
	_ =	sdelay $0x6  }
0x1ef: {  	p0 =	sgt.u32 s20, $0x12A;
	s25 =	spop (v2sf)  }
0x1f0: {  	p1 =	sgt.f32 @!p0 s25, $0.0e+00;
	_ =	sdelay $0x1  }
0x1f1: {  	p1 =	por p0, !p1  }
.Ltmp24:
0x1f2: {  	_ = 	snop;
	(pc) =	sbr.rel @p1 .LBB2_60-.Ltmp24, $3  }
0x1f3: {  	_ =	sdelay $0x1  }
0x1f4: {  	s14 =	sadd.s32 $0x1, s20  }
0x1f5: {  	s20 =	smov.u32 s14;
	s16 =	spop (v2sf)  }
.LBB2_38:
0x1f6: {  	s14 =	sshrl.u32 s20, $0x4;
	s17 =	sshll.u32 s20, $0x1C  }
0x1f7: {  	s14 =	sor.u32 s14, s17  }
0x1f8: {  	p0 =	sgt.u32 s14, $0xA  }
0x1f9: {  	s17 =	simm.s32 @!p0 $0x1  }
0x1fa: {  	s14 =	sshll.u32 @!p0 s17, s14  }
0x1fb: {  	s14 =	sand.u32 @!p0 $0x44A, s14  }
0x1fc: {  	p1 =	sne.s32 @!p0 s14, $0x0  }
0x1fd: {  	p1 =	por p0, !p1  }
.Ltmp25:
0x1fe: {  	_ = 	snop;
	(pc) =	sbr.rel @p1 .LBB2_39-.Ltmp25, $1  }
0x1ff: {  	_ =	sdelay $0x3  }
0x200: {  	p0 =	slt.s32 s21, $0x1  }
.Ltmp26:
0x201: {  	_ = 	snop;
	(pc) =	sbr.rel @p0 .LBB2_44-.Ltmp26, $2  }
0x202: {  	_ =	sdelay $0x2  }
0x203: {  	s22 =	simm.s32 $0x0;
	s24 =	simm.s32 $0x0  }
0x204: {  	s23 =	simm.s32 $0x5E20  }
0x205: {  	v11 =	vld [tilespmem:s23+$0x0];
	_ =	sdelay $0x4  }
0x206: {  	vm1 =	vgt.f32 v11, $0.0e+00  }
0x207: {  	s25 =	simm.s32 $0x6630;
	[tilespmem:s22+$0x5E20] =	vst.msk vm1, v11  }
0x208: {  	v11 =	vld [tilespmem:s25+$0x0];
	_ =	sdelay $0x4  }
0x209: {  	s26 =	simm.s32 $0x6E40;
	[tilespmem:s22+$0x6630] =	vst.msk vm1, v11  }
0x20a: {  	v11 =	vld [tilespmem:s26+$0x0];
	_ =	sdelay $0x3  }
0x20b: {  	v12 =	vsel vm1, $0x1, v3  }
0x20c: {  	s14 =	simm.s32 $0x7650;
	(xrf0) =	vadd.scan.msk.s32 $0xffff, v12;
	[tilespmem:s22+$0x6E40] =	vst.msk vm1, v11  }
0x20d: {  	v63 =	vld [tilespmem:s14+$0x0];
	_ =	sdelay $0x4  }
0x20e: {  	s17 =	simm.s32 $0x7E60;
	v11, _, _ =	vpop (xrf0);
	[tilespmem:s22+$0x7650] =	vst.msk vm1, v63  }
0x20f: {  	(v2sf) =	vpush v11, $0xF;
	v11 =	vld [tilespmem:s17+$0x0];
	_ =	sdelay $0x4  }
0x210: {  	s18 =	simm.s32 $0x8670;
	[tilespmem:s22+$0x7E60] =	vst.msk vm1, v11  }
0x211: {  	v11 =	vld [tilespmem:s18+$0x0];
	_ =	sdelay $0x4  }
0x212: {  	s16 =	simm.s32 $0x8E80;
	p0 =	sne.s32 s21, $0x1;
	[tilespmem:s22+$0x8670] =	vst.msk vm1, v11  }
.Ltmp27:
0x213: {  	v11 =	vld [tilespmem:s16+$0x0];
	(pc) =	sbr.rel @!p0 .LBB2_43-.Ltmp27, $4  }
0x214: {  	_ = 	snop  }
0x215: {  	s21 =	sadd.s32 $0xFFFFFFFF, s21;
	s28 =	simm.s32 $0x8E90  }
0x216: {  	s14 =	simm.s32 $0x7660;
	s17 =	simm.s32 $0x8680;
	s24 =	spop (v2sf)  }
0x217: {  	s18 =	simm.s32 $0x0;
	s24 =	sadd.s32 $0x0, s24;
	s16 =	simm.s32 $0x7E70  }
.LBB2_42:
0x218: {  	[tilespmem:s18+$0x8E80] =	vst.msk vm1, v11;
	s23 =	sadd.s32 $0x10, s23;
	s25 =	sadd.s32 $0x10, s25;
	s26 =	sadd.s32 $0x10, s26  }
0x219: {  	p0 =	sne.s32 s21, $0x1;
	s21 =	sadd.s32 $0xFFFFFFFF, s21;
	s18 =	smov.u32 s24;
	v11 =	vld [tilespmem:s23+$0x0]  }
0x21a: {  	_ =	sdelay $0x3  }
0x21b: {  	vm1 =	vgt.f32 v11, $0.0e+00  }
0x21c: {  	[tilespmem:s24+$0x5E20] =	vst.msk vm1, v11;
	v11 =	vsel vm1, $0x1, v3  }
0x21d: {  	v12 =	vld [tilespmem:s25+$0x0];
	(xrf0) =	vadd.scan.msk.s32 $0xffff, v11;
	_ =	sdelay $0x4  }
0x21e: {  	[tilespmem:s24+$0x6630] =	vst.msk vm1, v12  }
0x21f: {  	v11 =	vld [tilespmem:s26+$0x0];
	v12, _, _ =	vpop (xrf0)  }
0x220: {  	(v2sf) =	vpush v12, $0xF;
	_ =	sdelay $0x3  }
0x221: {  	[tilespmem:s24+$0x6E40] =	vst.msk vm1, v11  }
0x222: {  	v11 =	vld [tilespmem:s14+$0x0];
	_ =	sdelay $0x4  }
0x223: {  	[tilespmem:s24+$0x7650] =	vst.msk vm1, v11  }
0x224: {  	v11 =	vld [tilespmem:s16+$0x0];
	_ =	sdelay $0x3  }
0x225: {  	s6 =	spop (v2sf)  }
0x226: {  	[tilespmem:s18+$0x7E60] =	vst.msk vm1, v11;
	s24 =	sadd.s32 s24, s6  }
0x227: {  	v11 =	vld [tilespmem:s17+$0x0];
	_ =	sdelay $0x4  }
0x228: {  	[tilespmem:s18+$0x8670] =	vst.msk vm1, v11  }
.Ltmp28:
0x229: {  	v11 =	vld [tilespmem:s28+$0x0];
	(pc) =	sbr.rel @p0 .LBB2_42-.Ltmp28, $3  }
0x22a: {  	_ =	sdelay $0x1  }
0x22b: {  	s28 =	sadd.s32 $0x10, s28  }
0x22c: {  	s14 =	sadd.s32 $0x10, s14;
	s16 =	sadd.s32 $0x10, s16;
	s17 =	sadd.s32 $0x10, s17  }
.LBB2_43:
0x22d: {  	[tilespmem:s18+$0x8E80] =	vst.msk vm1, v11  }
.LBB2_44:
0x22e: {  	s6 =	sadd.s32 $0xF, s24  }
0x22f: {  	s14 =	sand.u32 $0xF, s6  }
0x230: {  	s16 =	sshra.s32 s6, $0x1F;
	p0 =	slt.s32 s6, $0x1;
	p1 =	sne.s32 s14, $0x0  }
0x231: {  	s28 =	sshrl.u32 s16, $0x1C;
	p0 =	por !p0, !p1  }
0x232: {  	s14 =	simm.s32 $0x1;
	s6 =	sadd.s32 s28, s6;
	p0 =	por !p0, !p0  }
0x233: {  	s6 =	sshra.s32 s6, $0x4;
	s14 =	simm.s32 @!p0 $0x0  }
0x234: {  	p0 =	slt.s32 s24, $0x1;
	s21 =	ssub.s32 s6, s14  }
0x235: {  	s6 =	sshll.u32 @!p0 s21, $0x4  }
0x236: {  	v11 =	vld @!p0 [tilespmem:s6+$0x5E10]  }
0x237: {  	p1 =	slt.s32 s21, $0x1  }
.Ltmp29:
0x238: {  	v12 =	vlaneseq.u32 @!p0;
	s14 =	sadd.s32 @!p0 $0xFFFFFFF0, s6;
	(pc) =	sbr.rel @p1 .LBB2_45-.Ltmp29, $4  }
0x239: {  	v12 =	vor.u32 @!p0 s14, v12  }
0x23a: {  	vm1 =	vlt.s32 @!p0 v12, s24  }
0x23b: {  	v11 =	vnsel @!p0 vm1, $0xBF800000, v11  }
0x23c: {  	[tilespmem:s6+$0x5E10] =	vst @!p0 v11;
	v11 =	vimm.f32 $-2.000000000e+00  }
0x23d: {  	p1 =	sne.s32 s21, $0x1  }
.Ltmp30:
0x23e: {  	_ = 	snop;
	(pc) =	sbr.rel @!p1 .LBB2_47-.Ltmp30, $2  }
0x23f: {  	_ =	sdelay $0x2  }
0x240: {  	v12 =	vimm.s32 $0x0;
	s14 =	simm.s32 $0x5E20;
	s16 =	simm.s32 $0x1;
	p0 =	por $0x0, $0x0  }
0x241: {  	v13 =	vld [tilespmem:s14+$0x0];
	p1 =	sne.s32 s21, $0x2  }
.Ltmp31:
0x242: {  	_ = 	snop;
	(pc) =	sbr.rel @!p1 .LBB2_49-.Ltmp31, $2  }
0x243: {  	_ =	sdelay $0x2  }
0x244: {  	s17 =	simm.s32 $0x2;
	s14 =	simm.s32 $0x5E30;
	p0 =	por $0x1, $0x1;
	vm1 =	vgt.f32 v13, v11;
	v11 =	vmax.f32 v13, v11;
	v13 =	vimm.s32 $0x0  }
.LBB2_50:
0x245: {  	v13 =	vsel vm1, s22, v13;
	s22 =	smov.u32 s16;
	s16 =	smov.u32 s17;
	s17 =	sadd.s32 $0x1, s17  }
0x246: {  	v14 =	vld [tilespmem:s14+$0x0];
	p1 =	sne.s32 s21, s17  }
.Ltmp32:
0x247: {  	(pc) =	sbr.rel @p1 .LBB2_50-.Ltmp32, $2  }
0x248: {  	_ =	sdelay $0x2  }
0x249: {  	s14 =	sadd.s32 $0x10, s14;
	vm1 =	vgt.f32 v14, v11;
	v11 =	vmax.f32 v14, v11  }
0x24a: {  	s17 =	smov.u32 s22;
	s22 =	smov.u32 s16  }
.LBB2_52:
0x24b: {  	v14 =	vld [tilespmem:s14+$0x0];
	_ =	sdelay $0x3  }
.Ltmp33:
0x24c: {  	v13 =	vsel @p0 vm1, s17, v13;
	(pc) =	sbr.rel .LBB2_53-.Ltmp33, $4  }
0x24d: {  	v12 =	vpsel p0, v13, v12;
	vm1 =	vgt.f32 v14, v11  }
0x24e: {  	v12 =	vsel vm1, s22, v12  }
0x24f: {  	v12 =	vshll.u32 v12, $0x4  }
0x250: {  	v11 =	vmax.f32 v14, v11;
	v12 =	vxor.u32 v10, v12  }
.LBB2_45:
0x251: {  	v12 =	vmov v10  }
.LBB2_53:
0x252: {  	(xrf0) =	vmax.scan.msk.f32 $0xffff, v11;
	_ =	sdelay $0x5  }
0x253: {  	v13, _, _ =	vpop (xrf0)  }
0x254: {  	v14 =	vbroadcast v13, $0xF;
	_ =	sdelay $0x1  }
0x255: {  	vm1 =	veq.f32 v11, v14  }
0x256: {  	v11 =	vnsel vm1, $0x80004E20, v12  }
0x257: {  	(xrf0) =	vmin.scan.msk.u32 $0xffff, v11;
	_ =	sdelay $0x5  }
0x258: {  	(v2sf) =	vpush v13, $0xF;
	v11, _, _ =	vpop (xrf0)  }
0x259: {  	(v2sf) =	vpush v11, $0xF;
	_ =	sdelay $0xd  }
0x25a: {  	s25 =	spop (v2sf)  }
0x25b: {  	s16 =	spop (v2sf)  }
.LBB2_54:
0x25c: {  	s6 =	sxor.u32 $0x80000000, s16  }
0x25d: {  	v11 =	vmov s6;
	_ =	sdelay $0x3  }
0x25e: {  	s14 =	simm.s32 $0x6630  }
0x25f: {  	s22 =	simm.s32 $0x6E40;
	v12 =	vld.idx.msk [tilespmem:v11+s14+$0x0], $0xffff  }
0x260: {  	s23 =	simm.s32 $0x7650;
	v13 =	vld.idx.msk [tilespmem:v11+s22+$0x0], $0xffff  }
0x261: {  	s24 =	simm.s32 $0x7E60;
	v14 =	vld.idx.msk [tilespmem:v11+s23+$0x0], $0xffff  }
0x262: {  	v15 =	vld.idx.msk [tilespmem:v11+s24+$0x0], $0xffff  }
0x263: {  	v16 =	vld.idx.msk [tilespmem:v11+s29+$0x0], $0xffff  }
0x264: {  	v11 =	vld.idx.msk [tilespmem:v11+s30+$0x0], $0xffff  }
0x265: {  	(xrf0) =	vmax.scan.msk.f32 $0xffff, v12  }
0x266: {  	(xrf0) =	vmax.scan.msk.f32 $0xffff, v13  }
0x267: {  	(xrf0) =	vmax.scan.msk.f32 $0xffff, v14  }
0x268: {  	(xrf0) =	vmax.scan.msk.f32 $0xffff, v15  }
0x269: {  	v11 =	vxor.u32 $0x80000000, v11;
	(xrf0) =	vmax.scan.msk.f32 $0xffff, v16  }
0x26a: {  	(xrf0) =	vmax.scan.msk.u32 $0xffff, v11  }
0x26b: {  	v12, _, _ =	vpop (xrf0)  }
0x26c: {  	v14, _, _ =	vpop (xrf0)  }
0x26d: {  	(v2sf) =	vpush v12, $0xF;
	v15, _, _ =	vpop (xrf0)  }
0x26e: {  	(v2sf) =	vpush v14, $0xF;
	v16, _, _ =	vpop (xrf0)  }
0x26f: {  	(v2sf) =	vpush v15, $0xF;
	v17, _, _ =	vpop (xrf0)  }
0x270: {  	(v2sf) =	vpush v16, $0xF;
	v11, _, _ =	vpop (xrf0)  }
0x271: {  	(v2sf) =	vpush v11, $0xF;
	_ =	sdelay $0x2  }
0x272: {  	s26 =	sshll.u32 s20, $0x4  }
0x273: {  	v13 =	vmov s26;
	v11 =	vimm.s32 $0x0  }
0x274: {  	v13 =	vshrl.u32 v13, $0x3;
	v18 =	vsel vm0, $0x3, v11  }
0x275: {  	v18 =	vshll.u32 v13, v18  }
0x276: {  	v19 =	vbroadcast v18, $0x0;
	v13 =	vor.u32 $0x1, v18  }
0x277: {  	v20 =	vbroadcast v13, $0x0;
	v13 =	vadd.s32 $0x2, v18  }
0x278: {  	v21 =	vbroadcast v13, $0x0;
	v13 =	vadd.s32 $0x3, v18  }
0x279: {  	v23 =	vadd.s32 $0x4, v18;
	v22 =	vbroadcast v13, $0x0  }
0x27a: {  	v18 =	vadd.s32 $0x5, v18;
	v13 =	vbroadcast v12, $0xF;
	v12 =	vbroadcast v23, $0x0;
	s16 =	spop (v2sf)  }
0x27b: {  	v14 =	vbroadcast v14, $0xF;
	v18 =	vbroadcast v18, $0x0;
	s17 =	spop (v2sf)  }
0x27c: {  	v15 =	vbroadcast v15, $0xF;
	[tilespmem:v19+s31+$0x0] =	vst.idx.msk $0x1, v13;
	s18 =	spop (v2sf)  }
0x27d: {  	p0 =	slt.s32 s21, $0x1;
	v16 =	vbroadcast v16, $0xF;
	v19 =	vmov s20;
	[tilespmem:v20+s31+$0x0] =	vst.idx.msk $0x1, v14;
	s26 =	spop (v2sf)  }
.Ltmp34:
0x27e: {  	[tilespmem:v21+s31+$0x0] =	vst.idx.msk $0x1, v15;
	s28 =	spop (v2sf);
	(pc) =	sbr.rel @p0 .LBB2_55-.Ltmp34, $4  }
0x27f: {  	v63 =	vmov s25;
	v17 =	vbroadcast v17, $0xF;
	[tilespmem:v22+s31+$0x0] =	vst.idx.msk $0x1, v16;
	s6 =	sadd.s32 s28, s4  }
0x280: {  	[tilespmem:v12+s31+$0x0] =	vst.idx.msk $0x1, v63;
	s6 =	sadd.s32 $0x80000000, s6  }
0x281: {  	[tilespmem:v18+s31+$0x0] =	vst.idx.msk $0x1, v17;
	v12 =	vmov s6  }
0x282: {  	[tilespmem:v19+s0+$0x0] =	vst.idx.msk $0x1, v12;
	v12 =	vimm.f32 $-2.000000000e+00  }
0x283: {  	s6 =	ssub.f32 s18, s16;
	v17 =	vld [tilespmem:s14+$0x0]  }
0x284: {  	s28 =	ssub.f32 s26, s17;
	v18 =	vld [tilespmem:s23+$0x0]  }
0x285: {  	v19 =	vld [tilespmem:s22+$0x0]  }
0x286: {  	v20 =	vld [tilespmem:s24+$0x0];
	s6 =	smul.f32 s28, s6  }
0x287: {  	v13 =	vadd.f32 $0.0e+00, v13  }
0x288: {  	v14 =	vadd.f32 $0.0e+00, v14;
	v15 =	vadd.f32 $0.0e+00, v15;
	v21 =	vmov s6  }
0x289: {  	v16 =	vadd.f32 $0.0e+00, v16;
	v21 =	vadd.f32 $0.0e+00, v21  }
0x28a: {  	v22 =	vmax.f32 v13, v17;
	v23 =	vmin.f32 v15, v18;
	v18 =	vsub.f32 v18, v17  }
0x28b: {  	v17 =	vmax.f32 v14, v19;
	v24 =	vmin.f32 v16, v20;
	v19 =	vsub.f32 v20, v19  }
0x28c: {  	v60 =	vsub.f32 v23, v22;
	v61 =	vsub.f32 v24, v17  }
0x28d: {  	v17 =	vbroadcast v21, $0x0;
	v18 =	vmul.f32 v19, v18  }
0x28e: {  	v19 =	vmax.f32 v60, $0.0e+00;
	v62 =	vmax.f32 v61, $0.0e+00  }
0x28f: {  	v19 =	vmul.f32 v62, v19;
	v18 =	vadd.f32 v18, v17;
	_ =	sdelay $0x1  }
0x290: {  	v18 =	vsub.f32 v18, v19;
	_ =	sdelay $0x1  }
0x291: {  	v18 =	vadd.f32 $9.999999710e-10, v18;
	_ =	sdelay $0x1  }
0x292: {  	(erf) = vrcp.f32 v18;
	_ =	sdelay $0x6  }
0x293: {  	s25 =	simm.s32 $0x5E20  }
0x294: {  	v18 =	vld [tilespmem:s25+$0x0]  }
0x295: {  	p0 =	sne.s32 s21, $0x1;
	v63 =	vpop (erf)  }
.Ltmp35:
0x296: {  	v19 =	vmul.f32 v63, v19;
	(pc) =	sbr.rel @!p0 .LBB2_58-.Ltmp35, $4  }
0x297: {  	_ = 	snop  }
0x298: {  	vm1 =	vgt.f32 v19, $4.499999880e-01  }
0x299: {  	v18 =	vsel vm1, $0xBF800000, v18  }
0x29a: {  	s14 =	simm.s32 $0x0;
	s16 =	simm.s32 $0x1;
	s17 =	simm.s32 $0x6640;
	vm1 =	vgt.f32 v18, v12;
	[tilespmem:s25+$0x0] =	vst v18;
	v12 =	vmax.f32 v18, v12  }
.LBB2_57:
0x29b: {  	v18 =	vld [tilespmem:s17+$0x0];
	v11 =	vsel vm1, s14, v11;
	s23 =	sadd.s32 $0x10, s23;
	s14 =	smov.u32 s16  }
0x29c: {  	s22 =	sadd.s32 $0x10, s22;
	v19 =	vld [tilespmem:s23+$0x0]  }
0x29d: {  	s16 =	sadd.s32 $0x1, s16;
	s24 =	sadd.s32 $0x10, s24;
	v20 =	vld [tilespmem:s22+$0x0]  }
0x29e: {  	p0 =	sne.s32 s21, s16;
	v21 =	vld [tilespmem:s24+$0x0];
	_ =	sdelay $0x3  }
0x29f: {  	v22 =	vmax.f32 v13, v18;
	v23 =	vmin.f32 v15, v19;
	v18 =	vsub.f32 v19, v18  }
0x2a0: {  	v19 =	vmax.f32 v14, v20;
	v24 =	vmin.f32 v16, v21;
	v20 =	vsub.f32 v21, v20  }
0x2a1: {  	v21 =	vsub.f32 v23, v22;
	v19 =	vsub.f32 v24, v19  }
0x2a2: {  	v18 =	vmul.f32 v20, v18  }
0x2a3: {  	v20 =	vmax.f32 v21, $0.0e+00;
	v19 =	vmax.f32 v19, $0.0e+00  }
0x2a4: {  	v19 =	vmul.f32 v19, v20;
	v18 =	vadd.f32 v18, v17;
	_ =	sdelay $0x1  }
0x2a5: {  	v18 =	vsub.f32 v18, v19;
	_ =	sdelay $0x1  }
0x2a6: {  	v18 =	vadd.f32 $9.999999710e-10, v18;
	_ =	sdelay $0x1  }
0x2a7: {  	(erf) = vrcp.f32 v18;
	_ =	sdelay $0x6  }
0x2a8: {  	s25 =	sadd.s32 $0x10, s25  }
0x2a9: {  	v18 =	vld [tilespmem:s25+$0x0]  }
0x2aa: {  	v20 =	vpop (erf)  }
.Ltmp36:
0x2ab: {  	v19 =	vmul.f32 v20, v19;
	(pc) =	sbr.rel @p0 .LBB2_57-.Ltmp36, $4  }
0x2ac: {  	_ = 	snop  }
0x2ad: {  	vm1 =	vgt.f32 v19, $4.499999880e-01  }
0x2ae: {  	v18 =	vsel vm1, $0xBF800000, v18  }
0x2af: {  	s17 =	sadd.s32 $0x10, s17;
	[tilespmem:s25+$0x0] =	vst v18;
	vm1 =	vgt.f32 v18, v12;
	v12 =	vmax.f32 v18, v12  }
.LBB2_58:
.Ltmp37:
0x2b0: {  	(pc) =	sbr.rel .LBB2_59-.Ltmp37, $4  }
0x2b1: {  	_ = 	snop  }
0x2b2: {  	v11 =	vsel vm1, s14, v11  }
0x2b3: {  	v13 =	vor.u32 $0x80000000, v0;
	v11 =	vshll.u32 v11, $0x4  }
0x2b4: {  	v11 =	vxor.u32 v13, v11  }
.LBB2_39:
.Ltmp38:
0x2b5: {  	(pc) =	sbr.rel .LBB2_54-.Ltmp38, $4  }
0x2b6: {  	s14 =	smov.u32 s16  }
0x2b7: {  	s14 =	smov.u32 @p0 s16  }
0x2b8: {  	s17 =	smov.u32 s21;
	s14 =	smov.u32 s25  }
0x2b9: {  	s17 =	smov.u32 @p0 s21;
	s14 =	smov.u32 @p0 s25  }
.LBB2_47:
.Ltmp39:
0x2ba: {  	(pc) =	sbr.rel .LBB2_52-.Ltmp39, $2  }
0x2bb: {  	_ =	sdelay $0x2  }
0x2bc: {  	v13 =	vimm.s32 $0x0  }
.LBB2_49:
.Ltmp40:
0x2bd: {  	(pc) =	sbr.rel .LBB2_52-.Ltmp40, $2  }
0x2be: {  	_ =	sdelay $0x2  }
0x2bf: {  	s17 =	simm.s32 $0x0;
	v13 =	vimm.s32 $0x0;
	s22 =	simm.s32 $0x1  }
.LBB2_60:
0x2c0: {  	s14 =	smov.u32 @p0 s14  }
.LBB2_61:
0x2c1: {  	[tilespmem:s1], [sflag:$0x1] =	stream.indirect.gather [hbm4b:s5+s13], $0x50, s0, s13, $0xb8;
	[tilespmem:$0x17020] =	vst v63  }
0x2c2: {  	s6 =	simm.s32 $0xDF20;
	s16 =	simm.s32 $0x12020  }
0x2c3: {  	[tilespmem:s16], [sflag:$0x1] =	stream.indirect.gather [hbm4b:s5+s13], $0x50, s6, s13, $0xb8;
	[tilespmem:$0x17020] =	vst v63  }
0x2c4: {  	s26 =	simm.s32 $0xDFA0;
	s28 =	simm.s32 $0x14820  }
0x2c5: {  	[tilespmem:s28], [sflag:$0x1] =	stream.indirect.gather [hbm4b:s5+s13], $0x50, s26, s13, $0xb8;
	[tilespmem:$0x17020] =	vst v63  }
0x2c6: {  	_ =	swait.ge [sflag:s12], $0x2800  }
0x2c7: {  	[sflag:s12] =	ssyncset.done $0x0  }
0x2c8: {  	[sflag:s12] =	ssyncadd.s32 $0xFFFFD800  }
0x2c9: {  	p0 =	sgt.u32 s14, $0x17F;
	_ =	swait.ge [sflag:s12], $0x2800  }
.Ltmp41:
0x2ca: {  	[sflag:s12] =	ssyncset.done $0x0;
	(pc) =	sbr.rel @p0 .LBB2_65-.Ltmp41, $4  }
0x2cb: {  	[sflag:s12] =	ssyncadd.s32 $0xFFFFD800  }
0x2cc: {  	_ =	swait.ge [sflag:s12], $0x2800  }
0x2cd: {  	[sflag:s12] =	ssyncset.done $0x0  }
0x2ce: {  	[sflag:s12] =	ssyncadd.s32 $0xFFFFD800  }
0x2cf: {  	s6 =	smul.u32 $0x140, s14;
	_ =	sdelay $0x1  }
0x2d0: {  	p0 =	sne.s32 s6, $0x1DEC0  }
.Ltmp42:
0x2d1: {  	_ = 	snop;
	(pc) =	sbr.rel @!p0 .LBB2_64-.Ltmp42, $2  }
0x2d2: {  	_ =	sdelay $0x2  }
0x2d3: {  	s16 =	sadd.s32 $0x140, s6;
	s14 =	sshra.s32 s6, $0x2  }
.LBB2_63:
0x2d4: {  	p0 =	sne.s32 s16, $0x1DEC0;
	[tilespmem:s14+$0xF860] =	vst v2;
	s6 =	smov.u32 s16;
	s16 =	sadd.s32 $0x140, s16  }
.Ltmp43:
0x2d5: {  	[tilespmem:s14+$0xF850] =	vst v2;
	(pc) =	sbr.rel @p0 .LBB2_63-.Ltmp43, $4  }
0x2d6: {  	[tilespmem:s14+$0xF840] =	vst v2  }
0x2d7: {  	[tilespmem:s14+$0xF820] =	vst v2  }
0x2d8: {  	[tilespmem:s14+$0xF830] =	vst v2  }
0x2d9: {  	s14 =	sshra.s32 s6, $0x2  }
.Ltmp44:
0x2da: {  	_ = 	snop;
	(pc) =	sbr.rel .LBB2_64-.Ltmp44, $1  }
0x2db: {  	_ =	sdelay $0x3  }
.LBB2_66:
0x2dc: {  	_ =	sfence.sel $0x180000  }
0x2dd: {  	[bflag:$0x0] =	sbarrier.arrive $0xFFFF  }
0x2de: {  	_ =	strace $0x90000047  }
0x2df: {  	s0 =	stileid.u32;
	[bflag:$0x2] =	sbarrier.arrive $0xFFFF  }
0x2e0: {  	p0 =	sne.s32 s0, $0x0;
	s0 =	rddreg [dreg:$0x2]  }
0x2e1: {  	s0 =	sadd.s32 @!p0 $0x100000, s0  }
0x2e2: {  	[sflag:s0] =	ssyncadd.tile.s32 @!p0 $0x1;
	_ =	shalt  }
.Lfunc_end2:
_tile_overlayer_lowered:
.L_overlay_start_2:
0x2e3: {  	(tag) =	ssettag $0x2  }
0x2e4: {  	s0 =	rddreg [dreg:$0x0];
	s2 =	stileid.u32  }
0x2e5: {  	s1 =	rddreg [dreg:$0x1];
	p0 =	sne.s32 s2, $0x0  }
0x2e6: {  	s3 =	rddreg [dreg:$0x2];
	[bflag:$0x3] =	sbarrier.arrive $0xFFFF;
	s2 =	simm.s32 @!p0 $0x1C02  }
0x2e7: {  	[timem:s3], [sflag:s2] =	dma.local @!p0 [hbm:s0], s1  }
0x2e8: {  	s0 =	simm.s32 @!p0 $0x2  }
0x2e9: {  	_ =	swait.ge @!p0 [sflag:s0], s1  }
0x2ea: {  	s1 =	ssub.s32 @!p0 $0x0, s1;
	[sflag:s0] =	ssyncset.done @!p0 $0x0  }
0x2eb: {  	[sflag:s0] =	ssyncadd.s32 @!p0 s1  }
0x2ec: {  	[bflag:$0x3] =	sbarrier.arrive $0xFFFF  }
0x2ed: {  	_ =	shalt  }

</sc_bundles>
